<compile_context>
chip_gen: v7x
topology: tpu7x:2x2x1
jax: 0.10.2.dev20260603
libtpu: 0.0.44.dev20260713+nightly
codegen_flags: <defaults>
</compile_context>

<pallas_src>
import functools

import jax
import jax.numpy as jnp
from jax import lax
from jax.experimental import pallas as pl
from jax.experimental.pallas import tpu as pltpu
from jax.experimental.pallas import tpu_sc as plsc

_CUTOFF = 5.0
_LOG2 = 0.6931471805599453


def _sc_gather(table, idx):
    M, F = table.shape
    (R,) = idx.shape
    info = plsc.get_sparse_core_info()
    nw = info.num_cores * info.num_subcores
    per_w = R // nw
    RING = 10
    LOOK = 7
    CH = 8
    for c in range(128, 7, -8):
        if per_w % (c * RING) == 0:
            CH = c
            break
    assert per_w * nw == R and per_w % (CH * RING) == 0
    n_chunks = per_w // CH
    n_pass = n_chunks // RING
    mesh = plsc.VectorSubcoreMesh(core_axis_name="c", subcore_axis_name="s")

    @functools.partial(
        pl.kernel,
        mesh=mesh,
        out_type=jax.ShapeDtypeStruct((R, F), table.dtype),
        scratch_types=(
            [pltpu.VMEM((per_w,), jnp.int32)]
            + [pltpu.VMEM((CH, F), table.dtype)] * RING
            + [pltpu.SemaphoreType.DMA] * (2 * RING)
        ),
    )
    def k(table_hbm, idx_hbm, out_hbm, idx_v, *rest):
        bufs = rest[:RING]
        semg = rest[RING:2 * RING]
        semw = rest[2 * RING:]
        wid = lax.axis_index("s") * info.num_cores + lax.axis_index("c")
        base = wid * per_w
        pltpu.sync_copy(idx_hbm.at[pl.ds(base, per_w)], idx_v)

        def g_start(p, b):
            pltpu.make_async_copy(
                table_hbm.at[idx_v.at[pl.ds(p * CH, CH)]], bufs[b], semg[b]
            ).start()

        def g_wait(b):
            pltpu.make_async_copy(
                table_hbm.at[idx_v.at[pl.ds(0, CH)]], bufs[b], semg[b]
            ).wait()

        def w_start(p, b):
            pltpu.make_async_copy(
                bufs[b], out_hbm.at[pl.ds(base + p * CH, CH)], semw[b]
            ).start()

        def w_wait(b):
            pltpu.make_async_copy(
                bufs[b], out_hbm.at[pl.ds(base, CH)], semw[b]
            ).wait()

        def slot(p, b, wait_w, issue):
            g_wait(b)
            w_start(p, b)
            if issue:
                c = (b + LOOK) % RING
                if wait_w:
                    w_wait(c)
                g_start(p + LOOK, c)

        for b in range(LOOK):
            g_start(b, b)
        for b in range(RING):
            slot(b, b, wait_w=(b >= RING - LOOK), issue=True)

        def body(t, carry):
            p0 = t * RING
            for b in range(RING):
                slot(p0 + b, b, wait_w=True, issue=True)
            return carry

        lax.fori_loop(1, n_pass - 1, body, 0)

        p0 = (n_pass - 1) * RING
        for b in range(RING):
            slot(p0 + b, b, wait_w=True, issue=(p0 + b + LOOK < n_chunks))
        for b in range(RING):
            w_wait(b)

    return k(table, idx)


def _pick_tile(n, cap):
    best = 1
    best8 = 0
    for t in range(1, cap + 1):
        if n % t == 0:
            best = t
            if t % 8 == 0:
                best8 = t
    return best8 if best8 else best


def _in2f_kernel(x_ref, win_ref, y_ref):
    y_ref[...] = jnp.dot(x_ref[...], win_ref[...],
                         preferred_element_type=jnp.float32)


def _interaction_kernel(fs_ref, fp_ref, r_ref, m_ref, ynb_ref,
                        wfs_ref, wfp_ref, wout_ref, bout_ref, wd_ref, bd_ref,
                        out_ref, *, T, N):
    F = wfs_ref.shape[1]
    w = jnp.dot(fs_ref[0], wfs_ref[...], preferred_element_type=jnp.float32)
    w = w + jnp.dot(fp_ref[0], wfp_ref[...],
                    preferred_element_type=jnp.float32)
    r = r_ref[0]
    c = 0.5 * (jnp.cos(r * (jnp.pi / _CUTOFF)) + 1.0)
    c = c * (r < _CUTOFF).astype(jnp.float32) * m_ref[0]
    w = w.reshape(T, N, F) * c[:, :, None]
    y = ynb_ref[...].astype(jnp.float32).reshape(T, N, F)
    agg = jnp.sum(w * y, axis=1)
    v = jnp.dot(agg, wout_ref[...], preferred_element_type=jnp.float32)
    v = jax.nn.softplus(v + bout_ref[...]) - _LOG2
    out_ref[...] = jnp.dot(v, wd_ref[...],
                           preferred_element_type=jnp.float32) + bd_ref[...]


def kernel(x, r_ij, neighbors, neighbor_mask, fsblock_ij, fpblock_ij,
           Wfs, Wfp, Win, Wout, bout, Wd, bd):
    B, A, D = x.shape
    N = neighbors.shape[-1]
    S, F = Wfs.shape

    xf = x.reshape(B * A, D)
    Tk = _pick_tile(B * A, 2048)
    y = pl.pallas_call(
        _in2f_kernel,
        grid=(B * A // Tk,),
        in_specs=[
            pl.BlockSpec((Tk, D), lambda i: (i, 0)),
            pl.BlockSpec((D, F), lambda i: (0, 0)),
        ],
        out_specs=pl.BlockSpec((Tk, F), lambda i: (i, 0)),
        out_shape=jax.ShapeDtypeStruct((B * A, F), jnp.float32),
    )(xf, Win)

    fs_c = fsblock_ij.astype(jnp.bfloat16).reshape(B, A * N, S)
    fp_c = fpblock_ij.astype(jnp.bfloat16).reshape(B, A * N, S)
    wfs_c = Wfs.astype(jnp.bfloat16)
    wfp_c = Wfp.astype(jnp.bfloat16)

    idx = (neighbors.reshape(B, A * N)
           + (jnp.arange(B, dtype=jnp.int32) * A)[:, None]).reshape(B * A * N)
    y_nbh = _sc_gather(y, idx)

    T = _pick_tile(A, 256)
    nt = A // T
    spec_edge = pl.BlockSpec((1, T * N, S), lambda b, i: (b, i, 0))
    spec_ynb = pl.BlockSpec((T * N, F), lambda b, i: (b * nt + i, 0))
    spec_an = pl.BlockSpec((1, T, N), lambda b, i: (b, i, 0))
    full = lambda shape: pl.BlockSpec(shape, lambda b, i: (0,) * len(shape))
    out = pl.pallas_call(
        functools.partial(_interaction_kernel, T=T, N=N),
        grid=(B, nt),
        in_specs=[
            spec_edge, spec_edge, spec_an, spec_an, spec_ynb,
            full((S, F)), full((S, F)), full((F, D)), full((1, D)),
            full((D, D)), full((1, D)),
        ],
        out_specs=pl.BlockSpec((T, D), lambda b, i: (b * nt + i, 0)),
        out_shape=jax.ShapeDtypeStruct((B * A, D), jnp.float32),
    )(fs_c, fp_c,
      r_ij, neighbor_mask, y_nbh,
      wfs_c, wfp_c, Wout, bout.reshape(1, D), Wd, bd.reshape(1, D))
    return out.reshape(B, A, D)

# --- scband reference (transcript-rebuilt; emitter-appended) ---
"""Pipeline reference for scband-local-interaction-44332652429560 (READ-ONLY COPY).

The authoritative reference and input builder live on the scoring server;
editing this copy changes nothing except your own understanding.
"""

import jax, jax.numpy as jnp
import numpy as np

CUTOFF = 5.0

def shifted_softplus(x):
    return jax.nn.softplus(x) - jnp.log(2.0)

def cosine_cutoff(r, cutoff):
    c = 0.5 * (jnp.cos(r * jnp.pi / cutoff) + 1.0)
    return c * (r < cutoff).astype(r.dtype)

def setup_inputs(seed: int = 0) -> dict:
    key = jax.random.key(seed)
    ks = jax.random.split(key, 16)
    B, A, N, S, F, D = 2, 5000, 32, 64, 128, 128
    x = jax.random.normal(ks[0], (B, A, D), dtype=jnp.float32)
    r_ij = jax.random.uniform(ks[1], (B, A, N), dtype=jnp.float32)
    neighbors = jax.random.randint(ks[2], (B, A, N), 0, A, dtype=jnp.int32)
    neighbor_mask = jnp.ones((B, A, N), dtype=jnp.float32)
    fsblock_ij = jax.random.normal(ks[3], (B, A, N, S), dtype=jnp.float32)
    fpblock_ij = jax.random.normal(ks[4], (B, A, N, S), dtype=jnp.float32)
    # learned parameters
    Wfs = jax.random.normal(ks[5], (S, F), dtype=jnp.float32) / np.sqrt(S)
    Wfp = jax.random.normal(ks[6], (S, F), dtype=jnp.float32) / np.sqrt(S)
    Win = jax.random.normal(ks[7], (D, F), dtype=jnp.float32) / np.sqrt(D)
    Wout = jax.random.normal(ks[8], (F, D), dtype=jnp.float32) / np.sqrt(F)
    bout = jnp.zeros((D,), dtype=jnp.float32)
    Wd = jax.random.normal(ks[9], (D, D), dtype=jnp.float32) / np.sqrt(D)
    bd = jnp.zeros((D,), dtype=jnp.float32)
    return {"x": x, "r_ij": r_ij, "neighbors": neighbors, "neighbor_mask": neighbor_mask,
            "fsblock_ij": fsblock_ij, "fpblock_ij": fpblock_ij,
            "Wfs": Wfs, "Wfp": Wfp, "Win": Win, "Wout": Wout, "bout": bout, "Wd": Wd, "bd": bd}

def reference(x, r_ij, neighbors, neighbor_mask, fsblock_ij, fpblock_ij, Wfs, Wfp, Win, Wout, bout, Wd, bd):
    B, A, D = x.shape
    Nn = neighbors.shape[-1]
    # filter-generating networks for s and p blocks (Dense, bias=False)
    Ws = fsblock_ij @ Wfs          # [B, A, N, F]
    Wp = fpblock_ij @ Wfp          # [B, A, N, F]
    C = cosine_cutoff(r_ij, CUTOFF)[..., None]
    W = (Ws + Wp) * C              # combined angular filter, cutoff-modulated
    # in2f projection (Dense, bias=False)
    y = x @ Win                    # [B, A, F]
    # gather neighbor features
    idx = neighbors.reshape(B, A * Nn)
    y_nbh = jnp.take_along_axis(y, idx[:, :, None], axis=1).reshape(B, A, Nn, -1)
    # continuous-filter convolution: elementwise filter * masked sum over neighbors
    y_nbh = y_nbh * W * neighbor_mask[..., None]
    agg = jnp.sum(y_nbh, axis=2)   # [B, A, F]  (normalize_filter=False)
    # f2out (Dense with shifted_softplus activation)
    v = shifted_softplus(agg @ Wout + bout)
    # final dense (bias=True, no activation)
    v = v @ Wd + bd
    return v

if __name__ == "__main__":
    import jax
    _d = setup_inputs()
    print(jax.jit(kernel)(*tuple(_d.values())))

</pallas_src>

<mosaic_0001>
#map = affine_map<(d0, d1) -> (0, 0)>
#map1 = affine_map<(d0, d1) -> (0)>
module attributes {stable_mosaic.version = 14 : i64} {
  func.func @k(%arg0: i32, %arg1: i32, %arg2: memref<10000x128xf32, #tpu.memory_space<hbm>>, %arg3: memref<320000xi32, #tpu.memory_space<hbm>>, %arg4: memref<320000x128xf32, #tpu.memory_space<hbm>>, %arg5: memref<10000xi32, #tpu.memory_space<vmem>>, %arg6: memref<40x128xf32, #tpu.memory_space<vmem>>, %arg7: memref<40x128xf32, #tpu.memory_space<vmem>>, %arg8: memref<40x128xf32, #tpu.memory_space<vmem>>, %arg9: memref<40x128xf32, #tpu.memory_space<vmem>>, %arg10: memref<40x128xf32, #tpu.memory_space<vmem>>, %arg11: memref<40x128xf32, #tpu.memory_space<vmem>>, %arg12: memref<40x128xf32, #tpu.memory_space<vmem>>, %arg13: memref<40x128xf32, #tpu.memory_space<vmem>>, %arg14: memref<40x128xf32, #tpu.memory_space<vmem>>, %arg15: memref<40x128xf32, #tpu.memory_space<vmem>>, %arg16: memref<!tpu.dma_semaphore, #tpu.memory_space<semaphore_mem>>, %arg17: memref<!tpu.dma_semaphore, #tpu.memory_space<semaphore_mem>>, %arg18: memref<!tpu.dma_semaphore, #tpu.memory_space<semaphore_mem>>, %arg19: memref<!tpu.dma_semaphore, #tpu.memory_space<semaphore_mem>>, %arg20: memref<!tpu.dma_semaphore, #tpu.memory_space<semaphore_mem>>, %arg21: memref<!tpu.dma_semaphore, #tpu.memory_space<semaphore_mem>>, %arg22: memref<!tpu.dma_semaphore, #tpu.memory_space<semaphore_mem>>, %arg23: memref<!tpu.dma_semaphore, #tpu.memory_space<semaphore_mem>>, %arg24: memref<!tpu.dma_semaphore, #tpu.memory_space<semaphore_mem>>, %arg25: memref<!tpu.dma_semaphore, #tpu.memory_space<semaphore_mem>>, %arg26: memref<!tpu.dma_semaphore, #tpu.memory_space<semaphore_mem>>, %arg27: memref<!tpu.dma_semaphore, #tpu.memory_space<semaphore_mem>>, %arg28: memref<!tpu.dma_semaphore, #tpu.memory_space<semaphore_mem>>, %arg29: memref<!tpu.dma_semaphore, #tpu.memory_space<semaphore_mem>>, %arg30: memref<!tpu.dma_semaphore, #tpu.memory_space<semaphore_mem>>, %arg31: memref<!tpu.dma_semaphore, #tpu.memory_space<semaphore_mem>>, %arg32: memref<!tpu.dma_semaphore, #tpu.memory_space<semaphore_mem>>, %arg33: memref<!tpu.dma_semaphore, #tpu.memory_space<semaphore_mem>>, %arg34: memref<!tpu.dma_semaphore, #tpu.memory_space<semaphore_mem>>, %arg35: memref<!tpu.dma_semaphore, #tpu.memory_space<semaphore_mem>>) attributes {dimension_semantics = [#tpu.dimension_semantics<core_parallel>, #tpu.dimension_semantics<subcore_parallel>], iteration_bounds = array<i64: 2, 16>, scalar_prefetch = 0 : i64, scratch_operands = 31 : i64, tpu.core_type = #tpu.core_type<sc_vector_subcore>, window_params = [{transform_indices = #map}, {transform_indices = #map1}, {transform_indices = #map}]} {
    %mul3A = arith.constant 2 : i32
    %mul3A_0 = arith.muli %arg1, %mul3A : i32
    %add3A = arith.addi %mul3A_0, %arg0 : i32
    %mul3A_1 = arith.constant 10000 : i32
    %mul3A_2 = arith.muli %add3A, %mul3A_1 : i32
    "tpu.region"() ({
      %run_scoped3A = tpu.sem_alloc : memref<!tpu.dma_semaphore, #tpu.memory_space<semaphore_mem>>
      %dma_start3A_406 = tpu.memref_slice %arg3[%mul3A_2] : memref<320000xi32, #tpu.memory_space<hbm>> -> memref<10000xi32, #tpu.memory_space<hbm>>
      %dma_start3A_407 = tpu.memref_slice %arg3[%mul3A_2] : memref<320000xi32, #tpu.memory_space<hbm>> -> memref<10000xi32, #tpu.memory_space<hbm>>
      tpu.enqueue_dma source(%dma_start3A_407 : memref<10000xi32, #tpu.memory_space<hbm>>) target(%arg5 : memref<10000xi32, #tpu.memory_space<vmem>>) target_semaphore(%run_scoped3A : memref<!tpu.dma_semaphore, #tpu.memory_space<semaphore_mem>>)
      %dma_wait3A_408 = tpu.memref_slice %arg3[%mul3A_2] : memref<320000xi32, #tpu.memory_space<hbm>> -> memref<10000xi32, #tpu.memory_space<hbm>>
      %dma_wait3A_409 = tpu.memref_slice %arg3[%mul3A_2] : memref<320000xi32, #tpu.memory_space<hbm>> -> memref<10000xi32, #tpu.memory_space<hbm>>
      tpu.wait_dma2 semaphore(%run_scoped3A : memref<!tpu.dma_semaphore, #tpu.memory_space<semaphore_mem>>) src(%dma_wait3A_409 : memref<10000xi32, #tpu.memory_space<hbm>>) dst(%arg5 : memref<10000xi32, #tpu.memory_space<vmem>>)
      tpu.yield
    }) : () -> ()
    %dma_start3A = arith.constant 0 : i32
    %dma_start3A_3 = tpu.memref_slice %arg5[%dma_start3A] : memref<10000xi32, #tpu.memory_space<vmem>> -> memref<40xi32, #tpu.memory_space<vmem>>
    %dma_start3A_4 = arith.constant 0 : i32
    %dma_start3A_5 = arith.constant 0 : i32
    %dma_start3A_6 = tpu.memref_slice %arg2[%dma_start3A_4, %dma_start3A_5] : memref<10000x128xf32, #tpu.memory_space<hbm>> -> memref<10000x128xf32, #tpu.memory_space<hbm>>
    tpu.enqueue_indirect_dma source(%dma_start3A_6 : memref<10000x128xf32, #tpu.memory_space<hbm>>) target(%arg6 : memref<40x128xf32, #tpu.memory_space<vmem>>) offsets(%dma_start3A_3 : memref<40xi32, #tpu.memory_space<vmem>>) semaphore(%arg16 : memref<!tpu.dma_semaphore, #tpu.memory_space<semaphore_mem>>)
    %dma_start3A_7 = arith.constant 40 : i32
    %dma_start3A_8 = tpu.memref_slice %arg5[%dma_start3A_7] : memref<10000xi32, #tpu.memory_space<vmem>> -> memref<40xi32, #tpu.memory_space<vmem>>
    %dma_start3A_9 = arith.constant 0 : i32
    %dma_start3A_10 = arith.constant 0 : i32
    %dma_start3A_11 = tpu.memref_slice %arg2[%dma_start3A_9, %dma_start3A_10] : memref<10000x128xf32, #tpu.memory_space<hbm>> -> memref<10000x128xf32, #tpu.memory_space<hbm>>
    tpu.enqueue_indirect_dma source(%dma_start3A_11 : memref<10000x128xf32, #tpu.memory_space<hbm>>) target(%arg7 : memref<40x128xf32, #tpu.memory_space<vmem>>) offsets(%dma_start3A_8 : memref<40xi32, #tpu.memory_space<vmem>>) semaphore(%arg17 : memref<!tpu.dma_semaphore, #tpu.memory_space<semaphore_mem>>)
    %dma_start3A_12 = arith.constant 80 : i32
    %dma_start3A_13 = tpu.memref_slice %arg5[%dma_start3A_12] : memref<10000xi32, #tpu.memory_space<vmem>> -> memref<40xi32, #tpu.memory_space<vmem>>
    %dma_start3A_14 = arith.constant 0 : i32
    %dma_start3A_15 = arith.constant 0 : i32
    %dma_start3A_16 = tpu.memref_slice %arg2[%dma_start3A_14, %dma_start3A_15] : memref<10000x128xf32, #tpu.memory_space<hbm>> -> memref<10000x128xf32, #tpu.memory_space<hbm>>
    tpu.enqueue_indirect_dma source(%dma_start3A_16 : memref<10000x128xf32, #tpu.memory_space<hbm>>) target(%arg8 : memref<40x128xf32, #tpu.memory_space<vmem>>) offsets(%dma_start3A_13 : memref<40xi32, #tpu.memory_space<vmem>>) semaphore(%arg18 : memref<!tpu.dma_semaphore, #tpu.memory_space<semaphore_mem>>)
    %dma_start3A_17 = arith.constant 120 : i32
    %dma_start3A_18 = tpu.memref_slice %arg5[%dma_start3A_17] : memref<10000xi32, #tpu.memory_space<vmem>> -> memref<40xi32, #tpu.memory_space<vmem>>
    %dma_start3A_19 = arith.constant 0 : i32
    %dma_start3A_20 = arith.constant 0 : i32
    %dma_start3A_21 = tpu.memref_slice %arg2[%dma_start3A_19, %dma_start3A_20] : memref<10000x128xf32, #tpu.memory_space<hbm>> -> memref<10000x128xf32, #tpu.memory_space<hbm>>
    tpu.enqueue_indirect_dma source(%dma_start3A_21 : memref<10000x128xf32, #tpu.memory_space<hbm>>) target(%arg9 : memref<40x128xf32, #tpu.memory_space<vmem>>) offsets(%dma_start3A_18 : memref<40xi32, #tpu.memory_space<vmem>>) semaphore(%arg19 : memref<!tpu.dma_semaphore, #tpu.memory_space<semaphore_mem>>)
    %dma_start3A_22 = arith.constant 160 : i32
    %dma_start3A_23 = tpu.memref_slice %arg5[%dma_start3A_22] : memref<10000xi32, #tpu.memory_space<vmem>> -> memref<40xi32, #tpu.memory_space<vmem>>
    %dma_start3A_24 = arith.constant 0 : i32
    %dma_start3A_25 = arith.constant 0 : i32
    %dma_start3A_26 = tpu.memref_slice %arg2[%dma_start3A_24, %dma_start3A_25] : memref<10000x128xf32, #tpu.memory_space<hbm>> -> memref<10000x128xf32, #tpu.memory_space<hbm>>
    tpu.enqueue_indirect_dma source(%dma_start3A_26 : memref<10000x128xf32, #tpu.memory_space<hbm>>) target(%arg10 : memref<40x128xf32, #tpu.memory_space<vmem>>) offsets(%dma_start3A_23 : memref<40xi32, #tpu.memory_space<vmem>>) semaphore(%arg20 : memref<!tpu.dma_semaphore, #tpu.memory_space<semaphore_mem>>)
    %dma_start3A_27 = arith.constant 200 : i32
    %dma_start3A_28 = tpu.memref_slice %arg5[%dma_start3A_27] : memref<10000xi32, #tpu.memory_space<vmem>> -> memref<40xi32, #tpu.memory_space<vmem>>
    %dma_start3A_29 = arith.constant 0 : i32
    %dma_start3A_30 = arith.constant 0 : i32
    %dma_start3A_31 = tpu.memref_slice %arg2[%dma_start3A_29, %dma_start3A_30] : memref<10000x128xf32, #tpu.memory_space<hbm>> -> memref<10000x128xf32, #tpu.memory_space<hbm>>
    tpu.enqueue_indirect_dma source(%dma_start3A_31 : memref<10000x128xf32, #tpu.memory_space<hbm>>) target(%arg11 : memref<40x128xf32, #tpu.memory_space<vmem>>) offsets(%dma_start3A_28 : memref<40xi32, #tpu.memory_space<vmem>>) semaphore(%arg21 : memref<!tpu.dma_semaphore, #tpu.memory_space<semaphore_mem>>)
    %dma_start3A_32 = arith.constant 240 : i32
    %dma_start3A_33 = tpu.memref_slice %arg5[%dma_start3A_32] : memref<10000xi32, #tpu.memory_space<vmem>> -> memref<40xi32, #tpu.memory_space<vmem>>
    %dma_start3A_34 = arith.constant 0 : i32
    %dma_start3A_35 = arith.constant 0 : i32
    %dma_start3A_36 = tpu.memref_slice %arg2[%dma_start3A_34, %dma_start3A_35] : memref<10000x128xf32, #tpu.memory_space<hbm>> -> memref<10000x128xf32, #tpu.memory_space<hbm>>
    tpu.enqueue_indirect_dma source(%dma_start3A_36 : memref<10000x128xf32, #tpu.memory_space<hbm>>) target(%arg12 : memref<40x128xf32, #tpu.memory_space<vmem>>) offsets(%dma_start3A_33 : memref<40xi32, #tpu.memory_space<vmem>>) semaphore(%arg22 : memref<!tpu.dma_semaphore, #tpu.memory_space<semaphore_mem>>)
    %dma_wait3A = arith.constant 0 : i32
    %dma_wait3A_37 = tpu.memref_slice %arg5[%dma_wait3A] : memref<10000xi32, #tpu.memory_space<vmem>> -> memref<40xi32, #tpu.memory_space<vmem>>
    %dma_wait3A_38 = arith.constant 0 : i32
    %dma_wait3A_39 = arith.constant 0 : i32
    %dma_wait3A_40 = tpu.memref_slice %arg2[%dma_wait3A_38, %dma_wait3A_39] : memref<10000x128xf32, #tpu.memory_space<hbm>> -> memref<10000x128xf32, #tpu.memory_space<hbm>>
    tpu.wait_indirect_dma semaphore(%arg16 : memref<!tpu.dma_semaphore, #tpu.memory_space<semaphore_mem>>) src(%dma_wait3A_40 : memref<10000x128xf32, #tpu.memory_space<hbm>>) dst(%arg6 : memref<40x128xf32, #tpu.memory_space<vmem>>)
    %add3A_41 = arith.constant 0 : i32
    %add3A_42 = arith.addi %mul3A_2, %add3A_41 : i32
    %dma_start3A_43 = arith.constant 0 : i32
    %dma_start3A_44 = tpu.memref_slice %arg4[%add3A_42, %dma_start3A_43] : memref<320000x128xf32, #tpu.memory_space<hbm>> -> memref<40x128xf32, #tpu.memory_space<hbm>>
    %dma_start3A_45 = arith.constant 0 : i32
    %dma_start3A_46 = tpu.memref_slice %arg4[%add3A_42, %dma_start3A_45] : memref<320000x128xf32, #tpu.memory_space<hbm>> -> memref<40x128xf32, #tpu.memory_space<hbm>>
    tpu.enqueue_dma source(%arg6 : memref<40x128xf32, #tpu.memory_space<vmem>>) target(%dma_start3A_46 : memref<40x128xf32, #tpu.memory_space<hbm>>) target_semaphore(%arg26 : memref<!tpu.dma_semaphore, #tpu.memory_space<semaphore_mem>>)
    %dma_start3A_47 = arith.constant 280 : i32
    %dma_start3A_48 = tpu.memref_slice %arg5[%dma_start3A_47] : memref<10000xi32, #tpu.memory_space<vmem>> -> memref<40xi32, #tpu.memory_space<vmem>>
    %dma_start3A_49 = arith.constant 0 : i32
    %dma_start3A_50 = arith.constant 0 : i32
    %dma_start3A_51 = tpu.memref_slice %arg2[%dma_start3A_49, %dma_start3A_50] : memref<10000x128xf32, #tpu.memory_space<hbm>> -> memref<10000x128xf32, #tpu.memory_space<hbm>>
    tpu.enqueue_indirect_dma source(%dma_start3A_51 : memref<10000x128xf32, #tpu.memory_space<hbm>>) target(%arg13 : memref<40x128xf32, #tpu.memory_space<vmem>>) offsets(%dma_start3A_48 : memref<40xi32, #tpu.memory_space<vmem>>) semaphore(%arg23 : memref<!tpu.dma_semaphore, #tpu.memory_space<semaphore_mem>>)
    %dma_wait3A_52 = arith.constant 0 : i32
    %dma_wait3A_53 = tpu.memref_slice %arg5[%dma_wait3A_52] : memref<10000xi32, #tpu.memory_space<vmem>> -> memref<40xi32, #tpu.memory_space<vmem>>
    %dma_wait3A_54 = arith.constant 0 : i32
    %dma_wait3A_55 = arith.constant 0 : i32
    %dma_wait3A_56 = tpu.memref_slice %arg2[%dma_wait3A_54, %dma_wait3A_55] : memref<10000x128xf32, #tpu.memory_space<hbm>> -> memref<10000x128xf32, #tpu.memory_space<hbm>>
    tpu.wait_indirect_dma semaphore(%arg17 : memref<!tpu.dma_semaphore, #tpu.memory_space<semaphore_mem>>) src(%dma_wait3A_56 : memref<10000x128xf32, #tpu.memory_space<hbm>>) dst(%arg7 : memref<40x128xf32, #tpu.memory_space<vmem>>)
    %add3A_57 = arith.constant 40 : i32
    %add3A_58 = arith.addi %mul3A_2, %add3A_57 : i32
    %dma_start3A_59 = arith.constant 0 : i32
    %dma_start3A_60 = tpu.memref_slice %arg4[%add3A_58, %dma_start3A_59] : memref<320000x128xf32, #tpu.memory_space<hbm>> -> memref<40x128xf32, #tpu.memory_space<hbm>>
    %dma_start3A_61 = arith.constant 0 : i32
    %dma_start3A_62 = tpu.memref_slice %arg4[%add3A_58, %dma_start3A_61] : memref<320000x128xf32, #tpu.memory_space<hbm>> -> memref<40x128xf32, #tpu.memory_space<hbm>>
    tpu.enqueue_dma source(%arg7 : memref<40x128xf32, #tpu.memory_space<vmem>>) target(%dma_start3A_62 : memref<40x128xf32, #tpu.memory_space<hbm>>) target_semaphore(%arg27 : memref<!tpu.dma_semaphore, #tpu.memory_space<semaphore_mem>>)
    %dma_start3A_63 = arith.constant 320 : i32
    %dma_start3A_64 = tpu.memref_slice %arg5[%dma_start3A_63] : memref<10000xi32, #tpu.memory_space<vmem>> -> memref<40xi32, #tpu.memory_space<vmem>>
    %dma_start3A_65 = arith.constant 0 : i32
    %dma_start3A_66 = arith.constant 0 : i32
    %dma_start3A_67 = tpu.memref_slice %arg2[%dma_start3A_65, %dma_start3A_66] : memref<10000x128xf32, #tpu.memory_space<hbm>> -> memref<10000x128xf32, #tpu.memory_space<hbm>>
    tpu.enqueue_indirect_dma source(%dma_start3A_67 : memref<10000x128xf32, #tpu.memory_space<hbm>>) target(%arg14 : memref<40x128xf32, #tpu.memory_space<vmem>>) offsets(%dma_start3A_64 : memref<40xi32, #tpu.memory_space<vmem>>) semaphore(%arg24 : memref<!tpu.dma_semaphore, #tpu.memory_space<semaphore_mem>>)
    %dma_wait3A_68 = arith.constant 0 : i32
    %dma_wait3A_69 = tpu.memref_slice %arg5[%dma_wait3A_68] : memref<10000xi32, #tpu.memory_space<vmem>> -> memref<40xi32, #tpu.memory_space<vmem>>
    %dma_wait3A_70 = arith.constant 0 : i32
    %dma_wait3A_71 = arith.constant 0 : i32
    %dma_wait3A_72 = tpu.memref_slice %arg2[%dma_wait3A_70, %dma_wait3A_71] : memref<10000x128xf32, #tpu.memory_space<hbm>> -> memref<10000x128xf32, #tpu.memory_space<hbm>>
    tpu.wait_indirect_dma semaphore(%arg18 : memref<!tpu.dma_semaphore, #tpu.memory_space<semaphore_mem>>) src(%dma_wait3A_72 : memref<10000x128xf32, #tpu.memory_space<hbm>>) dst(%arg8 : memref<40x128xf32, #tpu.memory_space<vmem>>)
    %add3A_73 = arith.constant 80 : i32
    %add3A_74 = arith.addi %mul3A_2, %add3A_73 : i32
    %dma_start3A_75 = arith.constant 0 : i32
    %dma_start3A_76 = tpu.memref_slice %arg4[%add3A_74, %dma_start3A_75] : memref<320000x128xf32, #tpu.memory_space<hbm>> -> memref<40x128xf32, #tpu.memory_space<hbm>>
    %dma_start3A_77 = arith.constant 0 : i32
    %dma_start3A_78 = tpu.memref_slice %arg4[%add3A_74, %dma_start3A_77] : memref<320000x128xf32, #tpu.memory_space<hbm>> -> memref<40x128xf32, #tpu.memory_space<hbm>>
    tpu.enqueue_dma source(%arg8 : memref<40x128xf32, #tpu.memory_space<vmem>>) target(%dma_start3A_78 : memref<40x128xf32, #tpu.memory_space<hbm>>) target_semaphore(%arg28 : memref<!tpu.dma_semaphore, #tpu.memory_space<semaphore_mem>>)
    %dma_start3A_79 = arith.constant 360 : i32
    %dma_start3A_80 = tpu.memref_slice %arg5[%dma_start3A_79] : memref<10000xi32, #tpu.memory_space<vmem>> -> memref<40xi32, #tpu.memory_space<vmem>>
    %dma_start3A_81 = arith.constant 0 : i32
    %dma_start3A_82 = arith.constant 0 : i32
    %dma_start3A_83 = tpu.memref_slice %arg2[%dma_start3A_81, %dma_start3A_82] : memref<10000x128xf32, #tpu.memory_space<hbm>> -> memref<10000x128xf32, #tpu.memory_space<hbm>>
    tpu.enqueue_indirect_dma source(%dma_start3A_83 : memref<10000x128xf32, #tpu.memory_space<hbm>>) target(%arg15 : memref<40x128xf32, #tpu.memory_space<vmem>>) offsets(%dma_start3A_80 : memref<40xi32, #tpu.memory_space<vmem>>) semaphore(%arg25 : memref<!tpu.dma_semaphore, #tpu.memory_space<semaphore_mem>>)
    %dma_wait3A_84 = arith.constant 0 : i32
    %dma_wait3A_85 = tpu.memref_slice %arg5[%dma_wait3A_84] : memref<10000xi32, #tpu.memory_space<vmem>> -> memref<40xi32, #tpu.memory_space<vmem>>
    %dma_wait3A_86 = arith.constant 0 : i32
    %dma_wait3A_87 = arith.constant 0 : i32
    %dma_wait3A_88 = tpu.memref_slice %arg2[%dma_wait3A_86, %dma_wait3A_87] : memref<10000x128xf32, #tpu.memory_space<hbm>> -> memref<10000x128xf32, #tpu.memory_space<hbm>>
    tpu.wait_indirect_dma semaphore(%arg19 : memref<!tpu.dma_semaphore, #tpu.memory_space<semaphore_mem>>) src(%dma_wait3A_88 : memref<10000x128xf32, #tpu.memory_space<hbm>>) dst(%arg9 : memref<40x128xf32, #tpu.memory_space<vmem>>)
    %add3A_89 = arith.constant 120 : i32
    %add3A_90 = arith.addi %mul3A_2, %add3A_89 : i32
    %dma_start3A_91 = arith.constant 0 : i32
    %dma_start3A_92 = tpu.memref_slice %arg4[%add3A_90, %dma_start3A_91] : memref<320000x128xf32, #tpu.memory_space<hbm>> -> memref<40x128xf32, #tpu.memory_space<hbm>>
    %dma_start3A_93 = arith.constant 0 : i32
    %dma_start3A_94 = tpu.memref_slice %arg4[%add3A_90, %dma_start3A_93] : memref<320000x128xf32, #tpu.memory_space<hbm>> -> memref<40x128xf32, #tpu.memory_space<hbm>>
    tpu.enqueue_dma source(%arg9 : memref<40x128xf32, #tpu.memory_space<vmem>>) target(%dma_start3A_94 : memref<40x128xf32, #tpu.memory_space<hbm>>) target_semaphore(%arg29 : memref<!tpu.dma_semaphore, #tpu.memory_space<semaphore_mem>>)
    %dma_wait3A_95 = arith.constant 0 : i32
    %dma_wait3A_96 = tpu.memref_slice %arg4[%mul3A_2, %dma_wait3A_95] : memref<320000x128xf32, #tpu.memory_space<hbm>> -> memref<40x128xf32, #tpu.memory_space<hbm>>
    %dma_wait3A_97 = arith.constant 0 : i32
    %dma_wait3A_98 = tpu.memref_slice %arg4[%mul3A_2, %dma_wait3A_97] : memref<320000x128xf32, #tpu.memory_space<hbm>> -> memref<40x128xf32, #tpu.memory_space<hbm>>
    tpu.wait_dma2 semaphore(%arg26 : memref<!tpu.dma_semaphore, #tpu.memory_space<semaphore_mem>>) src(%arg6 : memref<40x128xf32, #tpu.memory_space<vmem>>) dst(%dma_wait3A_98 : memref<40x128xf32, #tpu.memory_space<hbm>>)
    %dma_start3A_99 = arith.constant 400 : i32
    %dma_start3A_100 = tpu.memref_slice %arg5[%dma_start3A_99] : memref<10000xi32, #tpu.memory_space<vmem>> -> memref<40xi32, #tpu.memory_space<vmem>>
    %dma_start3A_101 = arith.constant 0 : i32
    %dma_start3A_102 = arith.constant 0 : i32
    %dma_start3A_103 = tpu.memref_slice %arg2[%dma_start3A_101, %dma_start3A_102] : memref<10000x128xf32, #tpu.memory_space<hbm>> -> memref<10000x128xf32, #tpu.memory_space<hbm>>
    tpu.enqueue_indirect_dma source(%dma_start3A_103 : memref<10000x128xf32, #tpu.memory_space<hbm>>) target(%arg6 : memref<40x128xf32, #tpu.memory_space<vmem>>) offsets(%dma_start3A_100 : memref<40xi32, #tpu.memory_space<vmem>>) semaphore(%arg16 : memref<!tpu.dma_semaphore, #tpu.memory_space<semaphore_mem>>)
    %dma_wait3A_104 = arith.constant 0 : i32
    %dma_wait3A_105 = tpu.memref_slice %arg5[%dma_wait3A_104] : memref<10000xi32, #tpu.memory_space<vmem>> -> memref<40xi32, #tpu.memory_space<vmem>>
    %dma_wait3A_106 = arith.constant 0 : i32
    %dma_wait3A_107 = arith.constant 0 : i32
    %dma_wait3A_108 = tpu.memref_slice %arg2[%dma_wait3A_106, %dma_wait3A_107] : memref<10000x128xf32, #tpu.memory_space<hbm>> -> memref<10000x128xf32, #tpu.memory_space<hbm>>
    tpu.wait_indirect_dma semaphore(%arg20 : memref<!tpu.dma_semaphore, #tpu.memory_space<semaphore_mem>>) src(%dma_wait3A_108 : memref<10000x128xf32, #tpu.memory_space<hbm>>) dst(%arg10 : memref<40x128xf32, #tpu.memory_space<vmem>>)
    %add3A_109 = arith.constant 160 : i32
    %add3A_110 = arith.addi %mul3A_2, %add3A_109 : i32
    %dma_start3A_111 = arith.constant 0 : i32
    %dma_start3A_112 = tpu.memref_slice %arg4[%add3A_110, %dma_start3A_111] : memref<320000x128xf32, #tpu.memory_space<hbm>> -> memref<40x128xf32, #tpu.memory_space<hbm>>
    %dma_start3A_113 = arith.constant 0 : i32
    %dma_start3A_114 = tpu.memref_slice %arg4[%add3A_110, %dma_start3A_113] : memref<320000x128xf32, #tpu.memory_space<hbm>> -> memref<40x128xf32, #tpu.memory_space<hbm>>
    tpu.enqueue_dma source(%arg10 : memref<40x128xf32, #tpu.memory_space<vmem>>) target(%dma_start3A_114 : memref<40x128xf32, #tpu.memory_space<hbm>>) target_semaphore(%arg30 : memref<!tpu.dma_semaphore, #tpu.memory_space<semaphore_mem>>)
    %dma_wait3A_115 = arith.constant 0 : i32
    %dma_wait3A_116 = tpu.memref_slice %arg4[%mul3A_2, %dma_wait3A_115] : memref<320000x128xf32, #tpu.memory_space<hbm>> -> memref<40x128xf32, #tpu.memory_space<hbm>>
    %dma_wait3A_117 = arith.constant 0 : i32
    %dma_wait3A_118 = tpu.memref_slice %arg4[%mul3A_2, %dma_wait3A_117] : memref<320000x128xf32, #tpu.memory_space<hbm>> -> memref<40x128xf32, #tpu.memory_space<hbm>>
    tpu.wait_dma2 semaphore(%arg27 : memref<!tpu.dma_semaphore, #tpu.memory_space<semaphore_mem>>) src(%arg7 : memref<40x128xf32, #tpu.memory_space<vmem>>) dst(%dma_wait3A_118 : memref<40x128xf32, #tpu.memory_space<hbm>>)
    %dma_start3A_119 = arith.constant 440 : i32
    %dma_start3A_120 = tpu.memref_slice %arg5[%dma_start3A_119] : memref<10000xi32, #tpu.memory_space<vmem>> -> memref<40xi32, #tpu.memory_space<vmem>>
    %dma_start3A_121 = arith.constant 0 : i32
    %dma_start3A_122 = arith.constant 0 : i32
    %dma_start3A_123 = tpu.memref_slice %arg2[%dma_start3A_121, %dma_start3A_122] : memref<10000x128xf32, #tpu.memory_space<hbm>> -> memref<10000x128xf32, #tpu.memory_space<hbm>>
    tpu.enqueue_indirect_dma source(%dma_start3A_123 : memref<10000x128xf32, #tpu.memory_space<hbm>>) target(%arg7 : memref<40x128xf32, #tpu.memory_space<vmem>>) offsets(%dma_start3A_120 : memref<40xi32, #tpu.memory_space<vmem>>) semaphore(%arg17 : memref<!tpu.dma_semaphore, #tpu.memory_space<semaphore_mem>>)
    %dma_wait3A_124 = arith.constant 0 : i32
    %dma_wait3A_125 = tpu.memref_slice %arg5[%dma_wait3A_124] : memref<10000xi32, #tpu.memory_space<vmem>> -> memref<40xi32, #tpu.memory_space<vmem>>
    %dma_wait3A_126 = arith.constant 0 : i32
    %dma_wait3A_127 = arith.constant 0 : i32
    %dma_wait3A_128 = tpu.memref_slice %arg2[%dma_wait3A_126, %dma_wait3A_127] : memref<10000x128xf32, #tpu.memory_space<hbm>> -> memref<10000x128xf32, #tpu.memory_space<hbm>>
    tpu.wait_indirect_dma semaphore(%arg21 : memref<!tpu.dma_semaphore, #tpu.memory_space<semaphore_mem>>) src(%dma_wait3A_128 : memref<10000x128xf32, #tpu.memory_space<hbm>>) dst(%arg11 : memref<40x128xf32, #tpu.memory_space<vmem>>)
    %add3A_129 = arith.constant 200 : i32
    %add3A_130 = arith.addi %mul3A_2, %add3A_129 : i32
    %dma_start3A_131 = arith.constant 0 : i32
    %dma_start3A_132 = tpu.memref_slice %arg4[%add3A_130, %dma_start3A_131] : memref<320000x128xf32, #tpu.memory_space<hbm>> -> memref<40x128xf32, #tpu.memory_space<hbm>>
    %dma_start3A_133 = arith.constant 0 : i32
    %dma_start3A_134 = tpu.memref_slice %arg4[%add3A_130, %dma_start3A_133] : memref<320000x128xf32, #tpu.memory_space<hbm>> -> memref<40x128xf32, #tpu.memory_space<hbm>>
    tpu.enqueue_dma source(%arg11 : memref<40x128xf32, #tpu.memory_space<vmem>>) target(%dma_start3A_134 : memref<40x128xf32, #tpu.memory_space<hbm>>) target_semaphore(%arg31 : memref<!tpu.dma_semaphore, #tpu.memory_space<semaphore_mem>>)
    %dma_wait3A_135 = arith.constant 0 : i32
    %dma_wait3A_136 = tpu.memref_slice %arg4[%mul3A_2, %dma_wait3A_135] : memref<320000x128xf32, #tpu.memory_space<hbm>> -> memref<40x128xf32, #tpu.memory_space<hbm>>
    %dma_wait3A_137 = arith.constant 0 : i32
    %dma_wait3A_138 = tpu.memref_slice %arg4[%mul3A_2, %dma_wait3A_137] : memref<320000x128xf32, #tpu.memory_space<hbm>> -> memref<40x128xf32, #tpu.memory_space<hbm>>
    tpu.wait_dma2 semaphore(%arg28 : memref<!tpu.dma_semaphore, #tpu.memory_space<semaphore_mem>>) src(%arg8 : memref<40x128xf32, #tpu.memory_space<vmem>>) dst(%dma_wait3A_138 : memref<40x128xf32, #tpu.memory_space<hbm>>)
    %dma_start3A_139 = arith.constant 480 : i32
    %dma_start3A_140 = tpu.memref_slice %arg5[%dma_start3A_139] : memref<10000xi32, #tpu.memory_space<vmem>> -> memref<40xi32, #tpu.memory_space<vmem>>
    %dma_start3A_141 = arith.constant 0 : i32
    %dma_start3A_142 = arith.constant 0 : i32
    %dma_start3A_143 = tpu.memref_slice %arg2[%dma_start3A_141, %dma_start3A_142] : memref<10000x128xf32, #tpu.memory_space<hbm>> -> memref<10000x128xf32, #tpu.memory_space<hbm>>
    tpu.enqueue_indirect_dma source(%dma_start3A_143 : memref<10000x128xf32, #tpu.memory_space<hbm>>) target(%arg8 : memref<40x128xf32, #tpu.memory_space<vmem>>) offsets(%dma_start3A_140 : memref<40xi32, #tpu.memory_space<vmem>>) semaphore(%arg18 : memref<!tpu.dma_semaphore, #tpu.memory_space<semaphore_mem>>)
    %dma_wait3A_144 = arith.constant 0 : i32
    %dma_wait3A_145 = tpu.memref_slice %arg5[%dma_wait3A_144] : memref<10000xi32, #tpu.memory_space<vmem>> -> memref<40xi32, #tpu.memory_space<vmem>>
    %dma_wait3A_146 = arith.constant 0 : i32
    %dma_wait3A_147 = arith.constant 0 : i32
    %dma_wait3A_148 = tpu.memref_slice %arg2[%dma_wait3A_146, %dma_wait3A_147] : memref<10000x128xf32, #tpu.memory_space<hbm>> -> memref<10000x128xf32, #tpu.memory_space<hbm>>
    tpu.wait_indirect_dma semaphore(%arg22 : memref<!tpu.dma_semaphore, #tpu.memory_space<semaphore_mem>>) src(%dma_wait3A_148 : memref<10000x128xf32, #tpu.memory_space<hbm>>) dst(%arg12 : memref<40x128xf32, #tpu.memory_space<vmem>>)
    %add3A_149 = arith.constant 240 : i32
    %add3A_150 = arith.addi %mul3A_2, %add3A_149 : i32
    %dma_start3A_151 = arith.constant 0 : i32
    %dma_start3A_152 = tpu.memref_slice %arg4[%add3A_150, %dma_start3A_151] : memref<320000x128xf32, #tpu.memory_space<hbm>> -> memref<40x128xf32, #tpu.memory_space<hbm>>
    %dma_start3A_153 = arith.constant 0 : i32
    %dma_start3A_154 = tpu.memref_slice %arg4[%add3A_150, %dma_start3A_153] : memref<320000x128xf32, #tpu.memory_space<hbm>> -> memref<40x128xf32, #tpu.memory_space<hbm>>
    tpu.enqueue_dma source(%arg12 : memref<40x128xf32, #tpu.memory_space<vmem>>) target(%dma_start3A_154 : memref<40x128xf32, #tpu.memory_space<hbm>>) target_semaphore(%arg32 : memref<!tpu.dma_semaphore, #tpu.memory_space<semaphore_mem>>)
    %dma_wait3A_155 = arith.constant 0 : i32
    %dma_wait3A_156 = tpu.memref_slice %arg4[%mul3A_2, %dma_wait3A_155] : memref<320000x128xf32, #tpu.memory_space<hbm>> -> memref<40x128xf32, #tpu.memory_space<hbm>>
    %dma_wait3A_157 = arith.constant 0 : i32
    %dma_wait3A_158 = tpu.memref_slice %arg4[%mul3A_2, %dma_wait3A_157] : memref<320000x128xf32, #tpu.memory_space<hbm>> -> memref<40x128xf32, #tpu.memory_space<hbm>>
    tpu.wait_dma2 semaphore(%arg29 : memref<!tpu.dma_semaphore, #tpu.memory_space<semaphore_mem>>) src(%arg9 : memref<40x128xf32, #tpu.memory_space<vmem>>) dst(%dma_wait3A_158 : memref<40x128xf32, #tpu.memory_space<hbm>>)
    %dma_start3A_159 = arith.constant 520 : i32
    %dma_start3A_160 = tpu.memref_slice %arg5[%dma_start3A_159] : memref<10000xi32, #tpu.memory_space<vmem>> -> memref<40xi32, #tpu.memory_space<vmem>>
    %dma_start3A_161 = arith.constant 0 : i32
    %dma_start3A_162 = arith.constant 0 : i32
    %dma_start3A_163 = tpu.memref_slice %arg2[%dma_start3A_161, %dma_start3A_162] : memref<10000x128xf32, #tpu.memory_space<hbm>> -> memref<10000x128xf32, #tpu.memory_space<hbm>>
    tpu.enqueue_indirect_dma source(%dma_start3A_163 : memref<10000x128xf32, #tpu.memory_space<hbm>>) target(%arg9 : memref<40x128xf32, #tpu.memory_space<vmem>>) offsets(%dma_start3A_160 : memref<40xi32, #tpu.memory_space<vmem>>) semaphore(%arg19 : memref<!tpu.dma_semaphore, #tpu.memory_space<semaphore_mem>>)
    %dma_wait3A_164 = arith.constant 0 : i32
    %dma_wait3A_165 = tpu.memref_slice %arg5[%dma_wait3A_164] : memref<10000xi32, #tpu.memory_space<vmem>> -> memref<40xi32, #tpu.memory_space<vmem>>
    %dma_wait3A_166 = arith.constant 0 : i32
    %dma_wait3A_167 = arith.constant 0 : i32
    %dma_wait3A_168 = tpu.memref_slice %arg2[%dma_wait3A_166, %dma_wait3A_167] : memref<10000x128xf32, #tpu.memory_space<hbm>> -> memref<10000x128xf32, #tpu.memory_space<hbm>>
    tpu.wait_indirect_dma semaphore(%arg23 : memref<!tpu.dma_semaphore, #tpu.memory_space<semaphore_mem>>) src(%dma_wait3A_168 : memref<10000x128xf32, #tpu.memory_space<hbm>>) dst(%arg13 : memref<40x128xf32, #tpu.memory_space<vmem>>)
    %add3A_169 = arith.constant 280 : i32
    %add3A_170 = arith.addi %mul3A_2, %add3A_169 : i32
    %dma_start3A_171 = arith.constant 0 : i32
    %dma_start3A_172 = tpu.memref_slice %arg4[%add3A_170, %dma_start3A_171] : memref<320000x128xf32, #tpu.memory_space<hbm>> -> memref<40x128xf32, #tpu.memory_space<hbm>>
    %dma_start3A_173 = arith.constant 0 : i32
    %dma_start3A_174 = tpu.memref_slice %arg4[%add3A_170, %dma_start3A_173] : memref<320000x128xf32, #tpu.memory_space<hbm>> -> memref<40x128xf32, #tpu.memory_space<hbm>>
    tpu.enqueue_dma source(%arg13 : memref<40x128xf32, #tpu.memory_space<vmem>>) target(%dma_start3A_174 : memref<40x128xf32, #tpu.memory_space<hbm>>) target_semaphore(%arg33 : memref<!tpu.dma_semaphore, #tpu.memory_space<semaphore_mem>>)
    %dma_wait3A_175 = arith.constant 0 : i32
    %dma_wait3A_176 = tpu.memref_slice %arg4[%mul3A_2, %dma_wait3A_175] : memref<320000x128xf32, #tpu.memory_space<hbm>> -> memref<40x128xf32, #tpu.memory_space<hbm>>
    %dma_wait3A_177 = arith.constant 0 : i32
    %dma_wait3A_178 = tpu.memref_slice %arg4[%mul3A_2, %dma_wait3A_177] : memref<320000x128xf32, #tpu.memory_space<hbm>> -> memref<40x128xf32, #tpu.memory_space<hbm>>
    tpu.wait_dma2 semaphore(%arg30 : memref<!tpu.dma_semaphore, #tpu.memory_space<semaphore_mem>>) src(%arg10 : memref<40x128xf32, #tpu.memory_space<vmem>>) dst(%dma_wait3A_178 : memref<40x128xf32, #tpu.memory_space<hbm>>)
    %dma_start3A_179 = arith.constant 560 : i32
    %dma_start3A_180 = tpu.memref_slice %arg5[%dma_start3A_179] : memref<10000xi32, #tpu.memory_space<vmem>> -> memref<40xi32, #tpu.memory_space<vmem>>
    %dma_start3A_181 = arith.constant 0 : i32
    %dma_start3A_182 = arith.constant 0 : i32
    %dma_start3A_183 = tpu.memref_slice %arg2[%dma_start3A_181, %dma_start3A_182] : memref<10000x128xf32, #tpu.memory_space<hbm>> -> memref<10000x128xf32, #tpu.memory_space<hbm>>
    tpu.enqueue_indirect_dma source(%dma_start3A_183 : memref<10000x128xf32, #tpu.memory_space<hbm>>) target(%arg10 : memref<40x128xf32, #tpu.memory_space<vmem>>) offsets(%dma_start3A_180 : memref<40xi32, #tpu.memory_space<vmem>>) semaphore(%arg20 : memref<!tpu.dma_semaphore, #tpu.memory_space<semaphore_mem>>)
    %dma_wait3A_184 = arith.constant 0 : i32
    %dma_wait3A_185 = tpu.memref_slice %arg5[%dma_wait3A_184] : memref<10000xi32, #tpu.memory_space<vmem>> -> memref<40xi32, #tpu.memory_space<vmem>>
    %dma_wait3A_186 = arith.constant 0 : i32
    %dma_wait3A_187 = arith.constant 0 : i32
    %dma_wait3A_188 = tpu.memref_slice %arg2[%dma_wait3A_186, %dma_wait3A_187] : memref<10000x128xf32, #tpu.memory_space<hbm>> -> memref<10000x128xf32, #tpu.memory_space<hbm>>
    tpu.wait_indirect_dma semaphore(%arg24 : memref<!tpu.dma_semaphore, #tpu.memory_space<semaphore_mem>>) src(%dma_wait3A_188 : memref<10000x128xf32, #tpu.memory_space<hbm>>) dst(%arg14 : memref<40x128xf32, #tpu.memory_space<vmem>>)
    %add3A_189 = arith.constant 320 : i32
    %add3A_190 = arith.addi %mul3A_2, %add3A_189 : i32
    %dma_start3A_191 = arith.constant 0 : i32
    %dma_start3A_192 = tpu.memref_slice %arg4[%add3A_190, %dma_start3A_191] : memref<320000x128xf32, #tpu.memory_space<hbm>> -> memref<40x128xf32, #tpu.memory_space<hbm>>
    %dma_start3A_193 = arith.constant 0 : i32
    %dma_start3A_194 = tpu.memref_slice %arg4[%add3A_190, %dma_start3A_193] : memref<320000x128xf32, #tpu.memory_space<hbm>> -> memref<40x128xf32, #tpu.memory_space<hbm>>
    tpu.enqueue_dma source(%arg14 : memref<40x128xf32, #tpu.memory_space<vmem>>) target(%dma_start3A_194 : memref<40x128xf32, #tpu.memory_space<hbm>>) target_semaphore(%arg34 : memref<!tpu.dma_semaphore, #tpu.memory_space<semaphore_mem>>)
    %dma_wait3A_195 = arith.constant 0 : i32
    %dma_wait3A_196 = tpu.memref_slice %arg4[%mul3A_2, %dma_wait3A_195] : memref<320000x128xf32, #tpu.memory_space<hbm>> -> memref<40x128xf32, #tpu.memory_space<hbm>>
    %dma_wait3A_197 = arith.constant 0 : i32
    %dma_wait3A_198 = tpu.memref_slice %arg4[%mul3A_2, %dma_wait3A_197] : memref<320000x128xf32, #tpu.memory_space<hbm>> -> memref<40x128xf32, #tpu.memory_space<hbm>>
    tpu.wait_dma2 semaphore(%arg31 : memref<!tpu.dma_semaphore, #tpu.memory_space<semaphore_mem>>) src(%arg11 : memref<40x128xf32, #tpu.memory_space<vmem>>) dst(%dma_wait3A_198 : memref<40x128xf32, #tpu.memory_space<hbm>>)
    %dma_start3A_199 = arith.constant 600 : i32
    %dma_start3A_200 = tpu.memref_slice %arg5[%dma_start3A_199] : memref<10000xi32, #tpu.memory_space<vmem>> -> memref<40xi32, #tpu.memory_space<vmem>>
    %dma_start3A_201 = arith.constant 0 : i32
    %dma_start3A_202 = arith.constant 0 : i32
    %dma_start3A_203 = tpu.memref_slice %arg2[%dma_start3A_201, %dma_start3A_202] : memref<10000x128xf32, #tpu.memory_space<hbm>> -> memref<10000x128xf32, #tpu.memory_space<hbm>>
    tpu.enqueue_indirect_dma source(%dma_start3A_203 : memref<10000x128xf32, #tpu.memory_space<hbm>>) target(%arg11 : memref<40x128xf32, #tpu.memory_space<vmem>>) offsets(%dma_start3A_200 : memref<40xi32, #tpu.memory_space<vmem>>) semaphore(%arg21 : memref<!tpu.dma_semaphore, #tpu.memory_space<semaphore_mem>>)
    %dma_wait3A_204 = arith.constant 0 : i32
    %dma_wait3A_205 = tpu.memref_slice %arg5[%dma_wait3A_204] : memref<10000xi32, #tpu.memory_space<vmem>> -> memref<40xi32, #tpu.memory_space<vmem>>
    %dma_wait3A_206 = arith.constant 0 : i32
    %dma_wait3A_207 = arith.constant 0 : i32
    %dma_wait3A_208 = tpu.memref_slice %arg2[%dma_wait3A_206, %dma_wait3A_207] : memref<10000x128xf32, #tpu.memory_space<hbm>> -> memref<10000x128xf32, #tpu.memory_space<hbm>>
    tpu.wait_indirect_dma semaphore(%arg25 : memref<!tpu.dma_semaphore, #tpu.memory_space<semaphore_mem>>) src(%dma_wait3A_208 : memref<10000x128xf32, #tpu.memory_space<hbm>>) dst(%arg15 : memref<40x128xf32, #tpu.memory_space<vmem>>)
    %add3A_209 = arith.constant 360 : i32
    %add3A_210 = arith.addi %mul3A_2, %add3A_209 : i32
    %dma_start3A_211 = arith.constant 0 : i32
    %dma_start3A_212 = tpu.memref_slice %arg4[%add3A_210, %dma_start3A_211] : memref<320000x128xf32, #tpu.memory_space<hbm>> -> memref<40x128xf32, #tpu.memory_space<hbm>>
    %dma_start3A_213 = arith.constant 0 : i32
    %dma_start3A_214 = tpu.memref_slice %arg4[%add3A_210, %dma_start3A_213] : memref<320000x128xf32, #tpu.memory_space<hbm>> -> memref<40x128xf32, #tpu.memory_space<hbm>>
    tpu.enqueue_dma source(%arg15 : memref<40x128xf32, #tpu.memory_space<vmem>>) target(%dma_start3A_214 : memref<40x128xf32, #tpu.memory_space<hbm>>) target_semaphore(%arg35 : memref<!tpu.dma_semaphore, #tpu.memory_space<semaphore_mem>>)
    %dma_wait3A_215 = arith.constant 0 : i32
    %dma_wait3A_216 = tpu.memref_slice %arg4[%mul3A_2, %dma_wait3A_215] : memref<320000x128xf32, #tpu.memory_space<hbm>> -> memref<40x128xf32, #tpu.memory_space<hbm>>
    %dma_wait3A_217 = arith.constant 0 : i32
    %dma_wait3A_218 = tpu.memref_slice %arg4[%mul3A_2, %dma_wait3A_217] : memref<320000x128xf32, #tpu.memory_space<hbm>> -> memref<40x128xf32, #tpu.memory_space<hbm>>
    tpu.wait_dma2 semaphore(%arg32 : memref<!tpu.dma_semaphore, #tpu.memory_space<semaphore_mem>>) src(%arg12 : memref<40x128xf32, #tpu.memory_space<vmem>>) dst(%dma_wait3A_218 : memref<40x128xf32, #tpu.memory_space<hbm>>)
    %dma_start3A_219 = arith.constant 640 : i32
    %dma_start3A_220 = tpu.memref_slice %arg5[%dma_start3A_219] : memref<10000xi32, #tpu.memory_space<vmem>> -> memref<40xi32, #tpu.memory_space<vmem>>
    %dma_start3A_221 = arith.constant 0 : i32
    %dma_start3A_222 = arith.constant 0 : i32
    %dma_start3A_223 = tpu.memref_slice %arg2[%dma_start3A_221, %dma_start3A_222] : memref<10000x128xf32, #tpu.memory_space<hbm>> -> memref<10000x128xf32, #tpu.memory_space<hbm>>
    tpu.enqueue_indirect_dma source(%dma_start3A_223 : memref<10000x128xf32, #tpu.memory_space<hbm>>) target(%arg12 : memref<40x128xf32, #tpu.memory_space<vmem>>) offsets(%dma_start3A_220 : memref<40xi32, #tpu.memory_space<vmem>>) semaphore(%arg22 : memref<!tpu.dma_semaphore, #tpu.memory_space<semaphore_mem>>)
    %scan3A = arith.constant 0 : i32
    %scan3A_224 = arith.constant 1 : i32
    %scan3A_225 = arith.constant 23 : i32
    %scan3A_226 = arith.addi %scan3A_224, %scan3A_225 : i32
    %scan3A_227 = arith.constant 1 : i32
    scf.for %scan3A_406 = %scan3A_224 to %scan3A_226 step %scan3A_227  : i32 {
      %mul3A_407 = arith.constant 10 : i32
      %mul3A_408 = arith.muli %scan3A_406, %mul3A_407 : i32
      %add3A_409 = arith.constant 0 : i32
      %add3A_410 = arith.addi %mul3A_408, %add3A_409 : i32
      %dma_wait3A_411 = arith.constant 0 : i32
      %dma_wait3A_412 = tpu.memref_slice %arg5[%dma_wait3A_411] : memref<10000xi32, #tpu.memory_space<vmem>> -> memref<40xi32, #tpu.memory_space<vmem>>
      %dma_wait3A_413 = arith.constant 0 : i32
      %dma_wait3A_414 = arith.constant 0 : i32
      %dma_wait3A_415 = tpu.memref_slice %arg2[%dma_wait3A_413, %dma_wait3A_414] : memref<10000x128xf32, #tpu.memory_space<hbm>> -> memref<10000x128xf32, #tpu.memory_space<hbm>>
      tpu.wait_indirect_dma semaphore(%arg16 : memref<!tpu.dma_semaphore, #tpu.memory_space<semaphore_mem>>) src(%dma_wait3A_415 : memref<10000x128xf32, #tpu.memory_space<hbm>>) dst(%arg6 : memref<40x128xf32, #tpu.memory_space<vmem>>)
      %mul3A_416 = arith.constant 40 : i32
      %mul3A_417 = arith.muli %add3A_410, %mul3A_416 : i32
      %add3A_418 = arith.addi %mul3A_2, %mul3A_417 : i32
      %dma_start3A_419 = arith.constant 0 : i32
      %dma_start3A_420 = tpu.memref_slice %arg4[%add3A_418, %dma_start3A_419] : memref<320000x128xf32, #tpu.memory_space<hbm>> -> memref<40x128xf32, #tpu.memory_space<hbm>>
      %dma_start3A_421 = arith.constant 0 : i32
      %dma_start3A_422 = tpu.memref_slice %arg4[%add3A_418, %dma_start3A_421] : memref<320000x128xf32, #tpu.memory_space<hbm>> -> memref<40x128xf32, #tpu.memory_space<hbm>>
      tpu.enqueue_dma source(%arg6 : memref<40x128xf32, #tpu.memory_space<vmem>>) target(%dma_start3A_422 : memref<40x128xf32, #tpu.memory_space<hbm>>) target_semaphore(%arg26 : memref<!tpu.dma_semaphore, #tpu.memory_space<semaphore_mem>>)
      %dma_wait3A_423 = arith.constant 0 : i32
      %dma_wait3A_424 = tpu.memref_slice %arg4[%mul3A_2, %dma_wait3A_423] : memref<320000x128xf32, #tpu.memory_space<hbm>> -> memref<40x128xf32, #tpu.memory_space<hbm>>
      %dma_wait3A_425 = arith.constant 0 : i32
      %dma_wait3A_426 = tpu.memref_slice %arg4[%mul3A_2, %dma_wait3A_425] : memref<320000x128xf32, #tpu.memory_space<hbm>> -> memref<40x128xf32, #tpu.memory_space<hbm>>
      tpu.wait_dma2 semaphore(%arg33 : memref<!tpu.dma_semaphore, #tpu.memory_space<semaphore_mem>>) src(%arg13 : memref<40x128xf32, #tpu.memory_space<vmem>>) dst(%dma_wait3A_426 : memref<40x128xf32, #tpu.memory_space<hbm>>)
      %add3A_427 = arith.constant 7 : i32
      %add3A_428 = arith.addi %add3A_410, %add3A_427 : i32
      %mul3A_429 = arith.constant 40 : i32
      %mul3A_430 = arith.muli %add3A_428, %mul3A_429 : i32
      %dma_start3A_431 = tpu.memref_slice %arg5[%mul3A_430] : memref<10000xi32, #tpu.memory_space<vmem>> -> memref<40xi32, #tpu.memory_space<vmem>>
      %dma_start3A_432 = arith.constant 0 : i32
      %dma_start3A_433 = arith.constant 0 : i32
      %dma_start3A_434 = tpu.memref_slice %arg2[%dma_start3A_432, %dma_start3A_433] : memref<10000x128xf32, #tpu.memory_space<hbm>> -> memref<10000x128xf32, #tpu.memory_space<hbm>>
      tpu.enqueue_indirect_dma source(%dma_start3A_434 : memref<10000x128xf32, #tpu.memory_space<hbm>>) target(%arg13 : memref<40x128xf32, #tpu.memory_space<vmem>>) offsets(%dma_start3A_431 : memref<40xi32, #tpu.memory_space<vmem>>) semaphore(%arg23 : memref<!tpu.dma_semaphore, #tpu.memory_space<semaphore_mem>>)
      %add3A_435 = arith.constant 1 : i32
      %add3A_436 = arith.addi %mul3A_408, %add3A_435 : i32
      %dma_wait3A_437 = arith.constant 0 : i32
      %dma_wait3A_438 = tpu.memref_slice %arg5[%dma_wait3A_437] : memref<10000xi32, #tpu.memory_space<vmem>> -> memref<40xi32, #tpu.memory_space<vmem>>
      %dma_wait3A_439 = arith.constant 0 : i32
      %dma_wait3A_440 = arith.constant 0 : i32
      %dma_wait3A_441 = tpu.memref_slice %arg2[%dma_wait3A_439, %dma_wait3A_440] : memref<10000x128xf32, #tpu.memory_space<hbm>> -> memref<10000x128xf32, #tpu.memory_space<hbm>>
      tpu.wait_indirect_dma semaphore(%arg17 : memref<!tpu.dma_semaphore, #tpu.memory_space<semaphore_mem>>) src(%dma_wait3A_441 : memref<10000x128xf32, #tpu.memory_space<hbm>>) dst(%arg7 : memref<40x128xf32, #tpu.memory_space<vmem>>)
      %mul3A_442 = arith.constant 40 : i32
      %mul3A_443 = arith.muli %add3A_436, %mul3A_442 : i32
      %add3A_444 = arith.addi %mul3A_2, %mul3A_443 : i32
      %dma_start3A_445 = arith.constant 0 : i32
      %dma_start3A_446 = tpu.memref_slice %arg4[%add3A_444, %dma_start3A_445] : memref<320000x128xf32, #tpu.memory_space<hbm>> -> memref<40x128xf32, #tpu.memory_space<hbm>>
      %dma_start3A_447 = arith.constant 0 : i32
      %dma_start3A_448 = tpu.memref_slice %arg4[%add3A_444, %dma_start3A_447] : memref<320000x128xf32, #tpu.memory_space<hbm>> -> memref<40x128xf32, #tpu.memory_space<hbm>>
      tpu.enqueue_dma source(%arg7 : memref<40x128xf32, #tpu.memory_space<vmem>>) target(%dma_start3A_448 : memref<40x128xf32, #tpu.memory_space<hbm>>) target_semaphore(%arg27 : memref<!tpu.dma_semaphore, #tpu.memory_space<semaphore_mem>>)
      %dma_wait3A_449 = arith.constant 0 : i32
      %dma_wait3A_450 = tpu.memref_slice %arg4[%mul3A_2, %dma_wait3A_449] : memref<320000x128xf32, #tpu.memory_space<hbm>> -> memref<40x128xf32, #tpu.memory_space<hbm>>
      %dma_wait3A_451 = arith.constant 0 : i32
      %dma_wait3A_452 = tpu.memref_slice %arg4[%mul3A_2, %dma_wait3A_451] : memref<320000x128xf32, #tpu.memory_space<hbm>> -> memref<40x128xf32, #tpu.memory_space<hbm>>
      tpu.wait_dma2 semaphore(%arg34 : memref<!tpu.dma_semaphore, #tpu.memory_space<semaphore_mem>>) src(%arg14 : memref<40x128xf32, #tpu.memory_space<vmem>>) dst(%dma_wait3A_452 : memref<40x128xf32, #tpu.memory_space<hbm>>)
      %add3A_453 = arith.constant 7 : i32
      %add3A_454 = arith.addi %add3A_436, %add3A_453 : i32
      %mul3A_455 = arith.constant 40 : i32
      %mul3A_456 = arith.muli %add3A_454, %mul3A_455 : i32
      %dma_start3A_457 = tpu.memref_slice %arg5[%mul3A_456] : memref<10000xi32, #tpu.memory_space<vmem>> -> memref<40xi32, #tpu.memory_space<vmem>>
      %dma_start3A_458 = arith.constant 0 : i32
      %dma_start3A_459 = arith.constant 0 : i32
      %dma_start3A_460 = tpu.memref_slice %arg2[%dma_start3A_458, %dma_start3A_459] : memref<10000x128xf32, #tpu.memory_space<hbm>> -> memref<10000x128xf32, #tpu.memory_space<hbm>>
      tpu.enqueue_indirect_dma source(%dma_start3A_460 : memref<10000x128xf32, #tpu.memory_space<hbm>>) target(%arg14 : memref<40x128xf32, #tpu.memory_space<vmem>>) offsets(%dma_start3A_457 : memref<40xi32, #tpu.memory_space<vmem>>) semaphore(%arg24 : memref<!tpu.dma_semaphore, #tpu.memory_space<semaphore_mem>>)
      %add3A_461 = arith.constant 2 : i32
      %add3A_462 = arith.addi %mul3A_408, %add3A_461 : i32
      %dma_wait3A_463 = arith.constant 0 : i32
      %dma_wait3A_464 = tpu.memref_slice %arg5[%dma_wait3A_463] : memref<10000xi32, #tpu.memory_space<vmem>> -> memref<40xi32, #tpu.memory_space<vmem>>
      %dma_wait3A_465 = arith.constant 0 : i32
      %dma_wait3A_466 = arith.constant 0 : i32
      %dma_wait3A_467 = tpu.memref_slice %arg2[%dma_wait3A_465, %dma_wait3A_466] : memref<10000x128xf32, #tpu.memory_space<hbm>> -> memref<10000x128xf32, #tpu.memory_space<hbm>>
      tpu.wait_indirect_dma semaphore(%arg18 : memref<!tpu.dma_semaphore, #tpu.memory_space<semaphore_mem>>) src(%dma_wait3A_467 : memref<10000x128xf32, #tpu.memory_space<hbm>>) dst(%arg8 : memref<40x128xf32, #tpu.memory_space<vmem>>)
      %mul3A_468 = arith.constant 40 : i32
      %mul3A_469 = arith.muli %add3A_462, %mul3A_468 : i32
      %add3A_470 = arith.addi %mul3A_2, %mul3A_469 : i32
      %dma_start3A_471 = arith.constant 0 : i32
      %dma_start3A_472 = tpu.memref_slice %arg4[%add3A_470, %dma_start3A_471] : memref<320000x128xf32, #tpu.memory_space<hbm>> -> memref<40x128xf32, #tpu.memory_space<hbm>>
      %dma_start3A_473 = arith.constant 0 : i32
      %dma_start3A_474 = tpu.memref_slice %arg4[%add3A_470, %dma_start3A_473] : memref<320000x128xf32, #tpu.memory_space<hbm>> -> memref<40x128xf32, #tpu.memory_space<hbm>>
      tpu.enqueue_dma source(%arg8 : memref<40x128xf32, #tpu.memory_space<vmem>>) target(%dma_start3A_474 : memref<40x128xf32, #tpu.memory_space<hbm>>) target_semaphore(%arg28 : memref<!tpu.dma_semaphore, #tpu.memory_space<semaphore_mem>>)
      %dma_wait3A_475 = arith.constant 0 : i32
      %dma_wait3A_476 = tpu.memref_slice %arg4[%mul3A_2, %dma_wait3A_475] : memref<320000x128xf32, #tpu.memory_space<hbm>> -> memref<40x128xf32, #tpu.memory_space<hbm>>
      %dma_wait3A_477 = arith.constant 0 : i32
      %dma_wait3A_478 = tpu.memref_slice %arg4[%mul3A_2, %dma_wait3A_477] : memref<320000x128xf32, #tpu.memory_space<hbm>> -> memref<40x128xf32, #tpu.memory_space<hbm>>
      tpu.wait_dma2 semaphore(%arg35 : memref<!tpu.dma_semaphore, #tpu.memory_space<semaphore_mem>>) src(%arg15 : memref<40x128xf32, #tpu.memory_space<vmem>>) dst(%dma_wait3A_478 : memref<40x128xf32, #tpu.memory_space<hbm>>)
      %add3A_479 = arith.constant 7 : i32
      %add3A_480 = arith.addi %add3A_462, %add3A_479 : i32
      %mul3A_481 = arith.constant 40 : i32
      %mul3A_482 = arith.muli %add3A_480, %mul3A_481 : i32
      %dma_start3A_483 = tpu.memref_slice %arg5[%mul3A_482] : memref<10000xi32, #tpu.memory_space<vmem>> -> memref<40xi32, #tpu.memory_space<vmem>>
      %dma_start3A_484 = arith.constant 0 : i32
      %dma_start3A_485 = arith.constant 0 : i32
      %dma_start3A_486 = tpu.memref_slice %arg2[%dma_start3A_484, %dma_start3A_485] : memref<10000x128xf32, #tpu.memory_space<hbm>> -> memref<10000x128xf32, #tpu.memory_space<hbm>>
      tpu.enqueue_indirect_dma source(%dma_start3A_486 : memref<10000x128xf32, #tpu.memory_space<hbm>>) target(%arg15 : memref<40x128xf32, #tpu.memory_space<vmem>>) offsets(%dma_start3A_483 : memref<40xi32, #tpu.memory_space<vmem>>) semaphore(%arg25 : memref<!tpu.dma_semaphore, #tpu.memory_space<semaphore_mem>>)
      %add3A_487 = arith.constant 3 : i32
      %add3A_488 = arith.addi %mul3A_408, %add3A_487 : i32
      %dma_wait3A_489 = arith.constant 0 : i32
      %dma_wait3A_490 = tpu.memref_slice %arg5[%dma_wait3A_489] : memref<10000xi32, #tpu.memory_space<vmem>> -> memref<40xi32, #tpu.memory_space<vmem>>
      %dma_wait3A_491 = arith.constant 0 : i32
      %dma_wait3A_492 = arith.constant 0 : i32
      %dma_wait3A_493 = tpu.memref_slice %arg2[%dma_wait3A_491, %dma_wait3A_492] : memref<10000x128xf32, #tpu.memory_space<hbm>> -> memref<10000x128xf32, #tpu.memory_space<hbm>>
      tpu.wait_indirect_dma semaphore(%arg19 : memref<!tpu.dma_semaphore, #tpu.memory_space<semaphore_mem>>) src(%dma_wait3A_493 : memref<10000x128xf32, #tpu.memory_space<hbm>>) dst(%arg9 : memref<40x128xf32, #tpu.memory_space<vmem>>)
      %mul3A_494 = arith.constant 40 : i32
      %mul3A_495 = arith.muli %add3A_488, %mul3A_494 : i32
      %add3A_496 = arith.addi %mul3A_2, %mul3A_495 : i32
      %dma_start3A_497 = arith.constant 0 : i32
      %dma_start3A_498 = tpu.memref_slice %arg4[%add3A_496, %dma_start3A_497] : memref<320000x128xf32, #tpu.memory_space<hbm>> -> memref<40x128xf32, #tpu.memory_space<hbm>>
      %dma_start3A_499 = arith.constant 0 : i32
      %dma_start3A_500 = tpu.memref_slice %arg4[%add3A_496, %dma_start3A_499] : memref<320000x128xf32, #tpu.memory_space<hbm>> -> memref<40x128xf32, #tpu.memory_space<hbm>>
      tpu.enqueue_dma source(%arg9 : memref<40x128xf32, #tpu.memory_space<vmem>>) target(%dma_start3A_500 : memref<40x128xf32, #tpu.memory_space<hbm>>) target_semaphore(%arg29 : memref<!tpu.dma_semaphore, #tpu.memory_space<semaphore_mem>>)
      %dma_wait3A_501 = arith.constant 0 : i32
      %dma_wait3A_502 = tpu.memref_slice %arg4[%mul3A_2, %dma_wait3A_501] : memref<320000x128xf32, #tpu.memory_space<hbm>> -> memref<40x128xf32, #tpu.memory_space<hbm>>
      %dma_wait3A_503 = arith.constant 0 : i32
      %dma_wait3A_504 = tpu.memref_slice %arg4[%mul3A_2, %dma_wait3A_503] : memref<320000x128xf32, #tpu.memory_space<hbm>> -> memref<40x128xf32, #tpu.memory_space<hbm>>
      tpu.wait_dma2 semaphore(%arg26 : memref<!tpu.dma_semaphore, #tpu.memory_space<semaphore_mem>>) src(%arg6 : memref<40x128xf32, #tpu.memory_space<vmem>>) dst(%dma_wait3A_504 : memref<40x128xf32, #tpu.memory_space<hbm>>)
      %add3A_505 = arith.constant 7 : i32
      %add3A_506 = arith.addi %add3A_488, %add3A_505 : i32
      %mul3A_507 = arith.constant 40 : i32
      %mul3A_508 = arith.muli %add3A_506, %mul3A_507 : i32
      %dma_start3A_509 = tpu.memref_slice %arg5[%mul3A_508] : memref<10000xi32, #tpu.memory_space<vmem>> -> memref<40xi32, #tpu.memory_space<vmem>>
      %dma_start3A_510 = arith.constant 0 : i32
      %dma_start3A_511 = arith.constant 0 : i32
      %dma_start3A_512 = tpu.memref_slice %arg2[%dma_start3A_510, %dma_start3A_511] : memref<10000x128xf32, #tpu.memory_space<hbm>> -> memref<10000x128xf32, #tpu.memory_space<hbm>>
      tpu.enqueue_indirect_dma source(%dma_start3A_512 : memref<10000x128xf32, #tpu.memory_space<hbm>>) target(%arg6 : memref<40x128xf32, #tpu.memory_space<vmem>>) offsets(%dma_start3A_509 : memref<40xi32, #tpu.memory_space<vmem>>) semaphore(%arg16 : memref<!tpu.dma_semaphore, #tpu.memory_space<semaphore_mem>>)
      %add3A_513 = arith.constant 4 : i32
      %add3A_514 = arith.addi %mul3A_408, %add3A_513 : i32
      %dma_wait3A_515 = arith.constant 0 : i32
      %dma_wait3A_516 = tpu.memref_slice %arg5[%dma_wait3A_515] : memref<10000xi32, #tpu.memory_space<vmem>> -> memref<40xi32, #tpu.memory_space<vmem>>
      %dma_wait3A_517 = arith.constant 0 : i32
      %dma_wait3A_518 = arith.constant 0 : i32
      %dma_wait3A_519 = tpu.memref_slice %arg2[%dma_wait3A_517, %dma_wait3A_518] : memref<10000x128xf32, #tpu.memory_space<hbm>> -> memref<10000x128xf32, #tpu.memory_space<hbm>>
      tpu.wait_indirect_dma semaphore(%arg20 : memref<!tpu.dma_semaphore, #tpu.memory_space<semaphore_mem>>) src(%dma_wait3A_519 : memref<10000x128xf32, #tpu.memory_space<hbm>>) dst(%arg10 : memref<40x128xf32, #tpu.memory_space<vmem>>)
      %mul3A_520 = arith.constant 40 : i32
      %mul3A_521 = arith.muli %add3A_514, %mul3A_520 : i32
      %add3A_522 = arith.addi %mul3A_2, %mul3A_521 : i32
      %dma_start3A_523 = arith.constant 0 : i32
      %dma_start3A_524 = tpu.memref_slice %arg4[%add3A_522, %dma_start3A_523] : memref<320000x128xf32, #tpu.memory_space<hbm>> -> memref<40x128xf32, #tpu.memory_space<hbm>>
      %dma_start3A_525 = arith.constant 0 : i32
      %dma_start3A_526 = tpu.memref_slice %arg4[%add3A_522, %dma_start3A_525] : memref<320000x128xf32, #tpu.memory_space<hbm>> -> memref<40x128xf32, #tpu.memory_space<hbm>>
      tpu.enqueue_dma source(%arg10 : memref<40x128xf32, #tpu.memory_space<vmem>>) target(%dma_start3A_526 : memref<40x128xf32, #tpu.memory_space<hbm>>) target_semaphore(%arg30 : memref<!tpu.dma_semaphore, #tpu.memory_space<semaphore_mem>>)
      %dma_wait3A_527 = arith.constant 0 : i32
      %dma_wait3A_528 = tpu.memref_slice %arg4[%mul3A_2, %dma_wait3A_527] : memref<320000x128xf32, #tpu.memory_space<hbm>> -> memref<40x128xf32, #tpu.memory_space<hbm>>
      %dma_wait3A_529 = arith.constant 0 : i32
      %dma_wait3A_530 = tpu.memref_slice %arg4[%mul3A_2, %dma_wait3A_529] : memref<320000x128xf32, #tpu.memory_space<hbm>> -> memref<40x128xf32, #tpu.memory_space<hbm>>
      tpu.wait_dma2 semaphore(%arg27 : memref<!tpu.dma_semaphore, #tpu.memory_space<semaphore_mem>>) src(%arg7 : memref<40x128xf32, #tpu.memory_space<vmem>>) dst(%dma_wait3A_530 : memref<40x128xf32, #tpu.memory_space<hbm>>)
      %add3A_531 = arith.constant 7 : i32
      %add3A_532 = arith.addi %add3A_514, %add3A_531 : i32
      %mul3A_533 = arith.constant 40 : i32
      %mul3A_534 = arith.muli %add3A_532, %mul3A_533 : i32
      %dma_start3A_535 = tpu.memref_slice %arg5[%mul3A_534] : memref<10000xi32, #tpu.memory_space<vmem>> -> memref<40xi32, #tpu.memory_space<vmem>>
      %dma_start3A_536 = arith.constant 0 : i32
      %dma_start3A_537 = arith.constant 0 : i32
      %dma_start3A_538 = tpu.memref_slice %arg2[%dma_start3A_536, %dma_start3A_537] : memref<10000x128xf32, #tpu.memory_space<hbm>> -> memref<10000x128xf32, #tpu.memory_space<hbm>>
      tpu.enqueue_indirect_dma source(%dma_start3A_538 : memref<10000x128xf32, #tpu.memory_space<hbm>>) target(%arg7 : memref<40x128xf32, #tpu.memory_space<vmem>>) offsets(%dma_start3A_535 : memref<40xi32, #tpu.memory_space<vmem>>) semaphore(%arg17 : memref<!tpu.dma_semaphore, #tpu.memory_space<semaphore_mem>>)
      %add3A_539 = arith.constant 5 : i32
      %add3A_540 = arith.addi %mul3A_408, %add3A_539 : i32
      %dma_wait3A_541 = arith.constant 0 : i32
      %dma_wait3A_542 = tpu.memref_slice %arg5[%dma_wait3A_541] : memref<10000xi32, #tpu.memory_space<vmem>> -> memref<40xi32, #tpu.memory_space<vmem>>
      %dma_wait3A_543 = arith.constant 0 : i32
      %dma_wait3A_544 = arith.constant 0 : i32
      %dma_wait3A_545 = tpu.memref_slice %arg2[%dma_wait3A_543, %dma_wait3A_544] : memref<10000x128xf32, #tpu.memory_space<hbm>> -> memref<10000x128xf32, #tpu.memory_space<hbm>>
      tpu.wait_indirect_dma semaphore(%arg21 : memref<!tpu.dma_semaphore, #tpu.memory_space<semaphore_mem>>) src(%dma_wait3A_545 : memref<10000x128xf32, #tpu.memory_space<hbm>>) dst(%arg11 : memref<40x128xf32, #tpu.memory_space<vmem>>)
      %mul3A_546 = arith.constant 40 : i32
      %mul3A_547 = arith.muli %add3A_540, %mul3A_546 : i32
      %add3A_548 = arith.addi %mul3A_2, %mul3A_547 : i32
      %dma_start3A_549 = arith.constant 0 : i32
      %dma_start3A_550 = tpu.memref_slice %arg4[%add3A_548, %dma_start3A_549] : memref<320000x128xf32, #tpu.memory_space<hbm>> -> memref<40x128xf32, #tpu.memory_space<hbm>>
      %dma_start3A_551 = arith.constant 0 : i32
      %dma_start3A_552 = tpu.memref_slice %arg4[%add3A_548, %dma_start3A_551] : memref<320000x128xf32, #tpu.memory_space<hbm>> -> memref<40x128xf32, #tpu.memory_space<hbm>>
      tpu.enqueue_dma source(%arg11 : memref<40x128xf32, #tpu.memory_space<vmem>>) target(%dma_start3A_552 : memref<40x128xf32, #tpu.memory_space<hbm>>) target_semaphore(%arg31 : memref<!tpu.dma_semaphore, #tpu.memory_space<semaphore_mem>>)
      %dma_wait3A_553 = arith.constant 0 : i32
      %dma_wait3A_554 = tpu.memref_slice %arg4[%mul3A_2, %dma_wait3A_553] : memref<320000x128xf32, #tpu.memory_space<hbm>> -> memref<40x128xf32, #tpu.memory_space<hbm>>
      %dma_wait3A_555 = arith.constant 0 : i32
      %dma_wait3A_556 = tpu.memref_slice %arg4[%mul3A_2, %dma_wait3A_555] : memref<320000x128xf32, #tpu.memory_space<hbm>> -> memref<40x128xf32, #tpu.memory_space<hbm>>
      tpu.wait_dma2 semaphore(%arg28 : memref<!tpu.dma_semaphore, #tpu.memory_space<semaphore_mem>>) src(%arg8 : memref<40x128xf32, #tpu.memory_space<vmem>>) dst(%dma_wait3A_556 : memref<40x128xf32, #tpu.memory_space<hbm>>)
      %add3A_557 = arith.constant 7 : i32
      %add3A_558 = arith.addi %add3A_540, %add3A_557 : i32
      %mul3A_559 = arith.constant 40 : i32
      %mul3A_560 = arith.muli %add3A_558, %mul3A_559 : i32
      %dma_start3A_561 = tpu.memref_slice %arg5[%mul3A_560] : memref<10000xi32, #tpu.memory_space<vmem>> -> memref<40xi32, #tpu.memory_space<vmem>>
      %dma_start3A_562 = arith.constant 0 : i32
      %dma_start3A_563 = arith.constant 0 : i32
      %dma_start3A_564 = tpu.memref_slice %arg2[%dma_start3A_562, %dma_start3A_563] : memref<10000x128xf32, #tpu.memory_space<hbm>> -> memref<10000x128xf32, #tpu.memory_space<hbm>>
      tpu.enqueue_indirect_dma source(%dma_start3A_564 : memref<10000x128xf32, #tpu.memory_space<hbm>>) target(%arg8 : memref<40x128xf32, #tpu.memory_space<vmem>>) offsets(%dma_start3A_561 : memref<40xi32, #tpu.memory_space<vmem>>) semaphore(%arg18 : memref<!tpu.dma_semaphore, #tpu.memory_space<semaphore_mem>>)
      %add3A_565 = arith.constant 6 : i32
      %add3A_566 = arith.addi %mul3A_408, %add3A_565 : i32
      %dma_wait3A_567 = arith.constant 0 : i32
      %dma_wait3A_568 = tpu.memref_slice %arg5[%dma_wait3A_567] : memref<10000xi32, #tpu.memory_space<vmem>> -> memref<40xi32, #tpu.memory_space<vmem>>
      %dma_wait3A_569 = arith.constant 0 : i32
      %dma_wait3A_570 = arith.constant 0 : i32
      %dma_wait3A_571 = tpu.memref_slice %arg2[%dma_wait3A_569, %dma_wait3A_570] : memref<10000x128xf32, #tpu.memory_space<hbm>> -> memref<10000x128xf32, #tpu.memory_space<hbm>>
      tpu.wait_indirect_dma semaphore(%arg22 : memref<!tpu.dma_semaphore, #tpu.memory_space<semaphore_mem>>) src(%dma_wait3A_571 : memref<10000x128xf32, #tpu.memory_space<hbm>>) dst(%arg12 : memref<40x128xf32, #tpu.memory_space<vmem>>)
      %mul3A_572 = arith.constant 40 : i32
      %mul3A_573 = arith.muli %add3A_566, %mul3A_572 : i32
      %add3A_574 = arith.addi %mul3A_2, %mul3A_573 : i32
      %dma_start3A_575 = arith.constant 0 : i32
      %dma_start3A_576 = tpu.memref_slice %arg4[%add3A_574, %dma_start3A_575] : memref<320000x128xf32, #tpu.memory_space<hbm>> -> memref<40x128xf32, #tpu.memory_space<hbm>>
      %dma_start3A_577 = arith.constant 0 : i32
      %dma_start3A_578 = tpu.memref_slice %arg4[%add3A_574, %dma_start3A_577] : memref<320000x128xf32, #tpu.memory_space<hbm>> -> memref<40x128xf32, #tpu.memory_space<hbm>>
      tpu.enqueue_dma source(%arg12 : memref<40x128xf32, #tpu.memory_space<vmem>>) target(%dma_start3A_578 : memref<40x128xf32, #tpu.memory_space<hbm>>) target_semaphore(%arg32 : memref<!tpu.dma_semaphore, #tpu.memory_space<semaphore_mem>>)
      %dma_wait3A_579 = arith.constant 0 : i32
      %dma_wait3A_580 = tpu.memref_slice %arg4[%mul3A_2, %dma_wait3A_579] : memref<320000x128xf32, #tpu.memory_space<hbm>> -> memref<40x128xf32, #tpu.memory_space<hbm>>
      %dma_wait3A_581 = arith.constant 0 : i32
      %dma_wait3A_582 = tpu.memref_slice %arg4[%mul3A_2, %dma_wait3A_581] : memref<320000x128xf32, #tpu.memory_space<hbm>> -> memref<40x128xf32, #tpu.memory_space<hbm>>
      tpu.wait_dma2 semaphore(%arg29 : memref<!tpu.dma_semaphore, #tpu.memory_space<semaphore_mem>>) src(%arg9 : memref<40x128xf32, #tpu.memory_space<vmem>>) dst(%dma_wait3A_582 : memref<40x128xf32, #tpu.memory_space<hbm>>)
      %add3A_583 = arith.constant 7 : i32
      %add3A_584 = arith.addi %add3A_566, %add3A_583 : i32
      %mul3A_585 = arith.constant 40 : i32
      %mul3A_586 = arith.muli %add3A_584, %mul3A_585 : i32
      %dma_start3A_587 = tpu.memref_slice %arg5[%mul3A_586] : memref<10000xi32, #tpu.memory_space<vmem>> -> memref<40xi32, #tpu.memory_space<vmem>>
      %dma_start3A_588 = arith.constant 0 : i32
      %dma_start3A_589 = arith.constant 0 : i32
      %dma_start3A_590 = tpu.memref_slice %arg2[%dma_start3A_588, %dma_start3A_589] : memref<10000x128xf32, #tpu.memory_space<hbm>> -> memref<10000x128xf32, #tpu.memory_space<hbm>>
      tpu.enqueue_indirect_dma source(%dma_start3A_590 : memref<10000x128xf32, #tpu.memory_space<hbm>>) target(%arg9 : memref<40x128xf32, #tpu.memory_space<vmem>>) offsets(%dma_start3A_587 : memref<40xi32, #tpu.memory_space<vmem>>) semaphore(%arg19 : memref<!tpu.dma_semaphore, #tpu.memory_space<semaphore_mem>>)
      %add3A_591 = arith.constant 7 : i32
      %add3A_592 = arith.addi %mul3A_408, %add3A_591 : i32
      %dma_wait3A_593 = arith.constant 0 : i32
      %dma_wait3A_594 = tpu.memref_slice %arg5[%dma_wait3A_593] : memref<10000xi32, #tpu.memory_space<vmem>> -> memref<40xi32, #tpu.memory_space<vmem>>
      %dma_wait3A_595 = arith.constant 0 : i32
      %dma_wait3A_596 = arith.constant 0 : i32
      %dma_wait3A_597 = tpu.memref_slice %arg2[%dma_wait3A_595, %dma_wait3A_596] : memref<10000x128xf32, #tpu.memory_space<hbm>> -> memref<10000x128xf32, #tpu.memory_space<hbm>>
      tpu.wait_indirect_dma semaphore(%arg23 : memref<!tpu.dma_semaphore, #tpu.memory_space<semaphore_mem>>) src(%dma_wait3A_597 : memref<10000x128xf32, #tpu.memory_space<hbm>>) dst(%arg13 : memref<40x128xf32, #tpu.memory_space<vmem>>)
      %mul3A_598 = arith.constant 40 : i32
      %mul3A_599 = arith.muli %add3A_592, %mul3A_598 : i32
      %add3A_600 = arith.addi %mul3A_2, %mul3A_599 : i32
      %dma_start3A_601 = arith.constant 0 : i32
      %dma_start3A_602 = tpu.memref_slice %arg4[%add3A_600, %dma_start3A_601] : memref<320000x128xf32, #tpu.memory_space<hbm>> -> memref<40x128xf32, #tpu.memory_space<hbm>>
      %dma_start3A_603 = arith.constant 0 : i32
      %dma_start3A_604 = tpu.memref_slice %arg4[%add3A_600, %dma_start3A_603] : memref<320000x128xf32, #tpu.memory_space<hbm>> -> memref<40x128xf32, #tpu.memory_space<hbm>>
      tpu.enqueue_dma source(%arg13 : memref<40x128xf32, #tpu.memory_space<vmem>>) target(%dma_start3A_604 : memref<40x128xf32, #tpu.memory_space<hbm>>) target_semaphore(%arg33 : memref<!tpu.dma_semaphore, #tpu.memory_space<semaphore_mem>>)
      %dma_wait3A_605 = arith.constant 0 : i32
      %dma_wait3A_606 = tpu.memref_slice %arg4[%mul3A_2, %dma_wait3A_605] : memref<320000x128xf32, #tpu.memory_space<hbm>> -> memref<40x128xf32, #tpu.memory_space<hbm>>
      %dma_wait3A_607 = arith.constant 0 : i32
      %dma_wait3A_608 = tpu.memref_slice %arg4[%mul3A_2, %dma_wait3A_607] : memref<320000x128xf32, #tpu.memory_space<hbm>> -> memref<40x128xf32, #tpu.memory_space<hbm>>
      tpu.wait_dma2 semaphore(%arg30 : memref<!tpu.dma_semaphore, #tpu.memory_space<semaphore_mem>>) src(%arg10 : memref<40x128xf32, #tpu.memory_space<vmem>>) dst(%dma_wait3A_608 : memref<40x128xf32, #tpu.memory_space<hbm>>)
      %add3A_609 = arith.constant 7 : i32
      %add3A_610 = arith.addi %add3A_592, %add3A_609 : i32
      %mul3A_611 = arith.constant 40 : i32
      %mul3A_612 = arith.muli %add3A_610, %mul3A_611 : i32
      %dma_start3A_613 = tpu.memref_slice %arg5[%mul3A_612] : memref<10000xi32, #tpu.memory_space<vmem>> -> memref<40xi32, #tpu.memory_space<vmem>>
      %dma_start3A_614 = arith.constant 0 : i32
      %dma_start3A_615 = arith.constant 0 : i32
      %dma_start3A_616 = tpu.memref_slice %arg2[%dma_start3A_614, %dma_start3A_615] : memref<10000x128xf32, #tpu.memory_space<hbm>> -> memref<10000x128xf32, #tpu.memory_space<hbm>>
      tpu.enqueue_indirect_dma source(%dma_start3A_616 : memref<10000x128xf32, #tpu.memory_space<hbm>>) target(%arg10 : memref<40x128xf32, #tpu.memory_space<vmem>>) offsets(%dma_start3A_613 : memref<40xi32, #tpu.memory_space<vmem>>) semaphore(%arg20 : memref<!tpu.dma_semaphore, #tpu.memory_space<semaphore_mem>>)
      %add3A_617 = arith.constant 8 : i32
      %add3A_618 = arith.addi %mul3A_408, %add3A_617 : i32
      %dma_wait3A_619 = arith.constant 0 : i32
      %dma_wait3A_620 = tpu.memref_slice %arg5[%dma_wait3A_619] : memref<10000xi32, #tpu.memory_space<vmem>> -> memref<40xi32, #tpu.memory_space<vmem>>
      %dma_wait3A_621 = arith.constant 0 : i32
      %dma_wait3A_622 = arith.constant 0 : i32
      %dma_wait3A_623 = tpu.memref_slice %arg2[%dma_wait3A_621, %dma_wait3A_622] : memref<10000x128xf32, #tpu.memory_space<hbm>> -> memref<10000x128xf32, #tpu.memory_space<hbm>>
      tpu.wait_indirect_dma semaphore(%arg24 : memref<!tpu.dma_semaphore, #tpu.memory_space<semaphore_mem>>) src(%dma_wait3A_623 : memref<10000x128xf32, #tpu.memory_space<hbm>>) dst(%arg14 : memref<40x128xf32, #tpu.memory_space<vmem>>)
      %mul3A_624 = arith.constant 40 : i32
      %mul3A_625 = arith.muli %add3A_618, %mul3A_624 : i32
      %add3A_626 = arith.addi %mul3A_2, %mul3A_625 : i32
      %dma_start3A_627 = arith.constant 0 : i32
      %dma_start3A_628 = tpu.memref_slice %arg4[%add3A_626, %dma_start3A_627] : memref<320000x128xf32, #tpu.memory_space<hbm>> -> memref<40x128xf32, #tpu.memory_space<hbm>>
      %dma_start3A_629 = arith.constant 0 : i32
      %dma_start3A_630 = tpu.memref_slice %arg4[%add3A_626, %dma_start3A_629] : memref<320000x128xf32, #tpu.memory_space<hbm>> -> memref<40x128xf32, #tpu.memory_space<hbm>>
      tpu.enqueue_dma source(%arg14 : memref<40x128xf32, #tpu.memory_space<vmem>>) target(%dma_start3A_630 : memref<40x128xf32, #tpu.memory_space<hbm>>) target_semaphore(%arg34 : memref<!tpu.dma_semaphore, #tpu.memory_space<semaphore_mem>>)
      %dma_wait3A_631 = arith.constant 0 : i32
      %dma_wait3A_632 = tpu.memref_slice %arg4[%mul3A_2, %dma_wait3A_631] : memref<320000x128xf32, #tpu.memory_space<hbm>> -> memref<40x128xf32, #tpu.memory_space<hbm>>
      %dma_wait3A_633 = arith.constant 0 : i32
      %dma_wait3A_634 = tpu.memref_slice %arg4[%mul3A_2, %dma_wait3A_633] : memref<320000x128xf32, #tpu.memory_space<hbm>> -> memref<40x128xf32, #tpu.memory_space<hbm>>
      tpu.wait_dma2 semaphore(%arg31 : memref<!tpu.dma_semaphore, #tpu.memory_space<semaphore_mem>>) src(%arg11 : memref<40x128xf32, #tpu.memory_space<vmem>>) dst(%dma_wait3A_634 : memref<40x128xf32, #tpu.memory_space<hbm>>)
      %add3A_635 = arith.constant 7 : i32
      %add3A_636 = arith.addi %add3A_618, %add3A_635 : i32
      %mul3A_637 = arith.constant 40 : i32
      %mul3A_638 = arith.muli %add3A_636, %mul3A_637 : i32
      %dma_start3A_639 = tpu.memref_slice %arg5[%mul3A_638] : memref<10000xi32, #tpu.memory_space<vmem>> -> memref<40xi32, #tpu.memory_space<vmem>>
      %dma_start3A_640 = arith.constant 0 : i32
      %dma_start3A_641 = arith.constant 0 : i32
      %dma_start3A_642 = tpu.memref_slice %arg2[%dma_start3A_640, %dma_start3A_641] : memref<10000x128xf32, #tpu.memory_space<hbm>> -> memref<10000x128xf32, #tpu.memory_space<hbm>>
      tpu.enqueue_indirect_dma source(%dma_start3A_642 : memref<10000x128xf32, #tpu.memory_space<hbm>>) target(%arg11 : memref<40x128xf32, #tpu.memory_space<vmem>>) offsets(%dma_start3A_639 : memref<40xi32, #tpu.memory_space<vmem>>) semaphore(%arg21 : memref<!tpu.dma_semaphore, #tpu.memory_space<semaphore_mem>>)
      %add3A_643 = arith.constant 9 : i32
      %add3A_644 = arith.addi %mul3A_408, %add3A_643 : i32
      %dma_wait3A_645 = arith.constant 0 : i32
      %dma_wait3A_646 = tpu.memref_slice %arg5[%dma_wait3A_645] : memref<10000xi32, #tpu.memory_space<vmem>> -> memref<40xi32, #tpu.memory_space<vmem>>
      %dma_wait3A_647 = arith.constant 0 : i32
      %dma_wait3A_648 = arith.constant 0 : i32
      %dma_wait3A_649 = tpu.memref_slice %arg2[%dma_wait3A_647, %dma_wait3A_648] : memref<10000x128xf32, #tpu.memory_space<hbm>> -> memref<10000x128xf32, #tpu.memory_space<hbm>>
      tpu.wait_indirect_dma semaphore(%arg25 : memref<!tpu.dma_semaphore, #tpu.memory_space<semaphore_mem>>) src(%dma_wait3A_649 : memref<10000x128xf32, #tpu.memory_space<hbm>>) dst(%arg15 : memref<40x128xf32, #tpu.memory_space<vmem>>)
      %mul3A_650 = arith.constant 40 : i32
      %mul3A_651 = arith.muli %add3A_644, %mul3A_650 : i32
      %add3A_652 = arith.addi %mul3A_2, %mul3A_651 : i32
      %dma_start3A_653 = arith.constant 0 : i32
      %dma_start3A_654 = tpu.memref_slice %arg4[%add3A_652, %dma_start3A_653] : memref<320000x128xf32, #tpu.memory_space<hbm>> -> memref<40x128xf32, #tpu.memory_space<hbm>>
      %dma_start3A_655 = arith.constant 0 : i32
      %dma_start3A_656 = tpu.memref_slice %arg4[%add3A_652, %dma_start3A_655] : memref<320000x128xf32, #tpu.memory_space<hbm>> -> memref<40x128xf32, #tpu.memory_space<hbm>>
      tpu.enqueue_dma source(%arg15 : memref<40x128xf32, #tpu.memory_space<vmem>>) target(%dma_start3A_656 : memref<40x128xf32, #tpu.memory_space<hbm>>) target_semaphore(%arg35 : memref<!tpu.dma_semaphore, #tpu.memory_space<semaphore_mem>>)
      %dma_wait3A_657 = arith.constant 0 : i32
      %dma_wait3A_658 = tpu.memref_slice %arg4[%mul3A_2, %dma_wait3A_657] : memref<320000x128xf32, #tpu.memory_space<hbm>> -> memref<40x128xf32, #tpu.memory_space<hbm>>
      %dma_wait3A_659 = arith.constant 0 : i32
      %dma_wait3A_660 = tpu.memref_slice %arg4[%mul3A_2, %dma_wait3A_659] : memref<320000x128xf32, #tpu.memory_space<hbm>> -> memref<40x128xf32, #tpu.memory_space<hbm>>
      tpu.wait_dma2 semaphore(%arg32 : memref<!tpu.dma_semaphore, #tpu.memory_space<semaphore_mem>>) src(%arg12 : memref<40x128xf32, #tpu.memory_space<vmem>>) dst(%dma_wait3A_660 : memref<40x128xf32, #tpu.memory_space<hbm>>)
      %add3A_661 = arith.constant 7 : i32
      %add3A_662 = arith.addi %add3A_644, %add3A_661 : i32
      %mul3A_663 = arith.constant 40 : i32
      %mul3A_664 = arith.muli %add3A_662, %mul3A_663 : i32
      %dma_start3A_665 = tpu.memref_slice %arg5[%mul3A_664] : memref<10000xi32, #tpu.memory_space<vmem>> -> memref<40xi32, #tpu.memory_space<vmem>>
      %dma_start3A_666 = arith.constant 0 : i32
      %dma_start3A_667 = arith.constant 0 : i32
      %dma_start3A_668 = tpu.memref_slice %arg2[%dma_start3A_666, %dma_start3A_667] : memref<10000x128xf32, #tpu.memory_space<hbm>> -> memref<10000x128xf32, #tpu.memory_space<hbm>>
      tpu.enqueue_indirect_dma source(%dma_start3A_668 : memref<10000x128xf32, #tpu.memory_space<hbm>>) target(%arg12 : memref<40x128xf32, #tpu.memory_space<vmem>>) offsets(%dma_start3A_665 : memref<40xi32, #tpu.memory_space<vmem>>) semaphore(%arg22 : memref<!tpu.dma_semaphore, #tpu.memory_space<semaphore_mem>>)
    }
    %scan3A_228 = arith.constant 23 : i32
    %dma_wait3A_229 = arith.constant 0 : i32
    %dma_wait3A_230 = tpu.memref_slice %arg5[%dma_wait3A_229] : memref<10000xi32, #tpu.memory_space<vmem>> -> memref<40xi32, #tpu.memory_space<vmem>>
    %dma_wait3A_231 = arith.constant 0 : i32
    %dma_wait3A_232 = arith.constant 0 : i32
    %dma_wait3A_233 = tpu.memref_slice %arg2[%dma_wait3A_231, %dma_wait3A_232] : memref<10000x128xf32, #tpu.memory_space<hbm>> -> memref<10000x128xf32, #tpu.memory_space<hbm>>
    tpu.wait_indirect_dma semaphore(%arg16 : memref<!tpu.dma_semaphore, #tpu.memory_space<semaphore_mem>>) src(%dma_wait3A_233 : memref<10000x128xf32, #tpu.memory_space<hbm>>) dst(%arg6 : memref<40x128xf32, #tpu.memory_space<vmem>>)
    %add3A_234 = arith.constant 9600 : i32
    %add3A_235 = arith.addi %mul3A_2, %add3A_234 : i32
    %dma_start3A_236 = arith.constant 0 : i32
    %dma_start3A_237 = tpu.memref_slice %arg4[%add3A_235, %dma_start3A_236] : memref<320000x128xf32, #tpu.memory_space<hbm>> -> memref<40x128xf32, #tpu.memory_space<hbm>>
    %dma_start3A_238 = arith.constant 0 : i32
    %dma_start3A_239 = tpu.memref_slice %arg4[%add3A_235, %dma_start3A_238] : memref<320000x128xf32, #tpu.memory_space<hbm>> -> memref<40x128xf32, #tpu.memory_space<hbm>>
    tpu.enqueue_dma source(%arg6 : memref<40x128xf32, #tpu.memory_space<vmem>>) target(%dma_start3A_239 : memref<40x128xf32, #tpu.memory_space<hbm>>) target_semaphore(%arg26 : memref<!tpu.dma_semaphore, #tpu.memory_space<semaphore_mem>>)
    %dma_wait3A_240 = arith.constant 0 : i32
    %dma_wait3A_241 = tpu.memref_slice %arg4[%mul3A_2, %dma_wait3A_240] : memref<320000x128xf32, #tpu.memory_space<hbm>> -> memref<40x128xf32, #tpu.memory_space<hbm>>
    %dma_wait3A_242 = arith.constant 0 : i32
    %dma_wait3A_243 = tpu.memref_slice %arg4[%mul3A_2, %dma_wait3A_242] : memref<320000x128xf32, #tpu.memory_space<hbm>> -> memref<40x128xf32, #tpu.memory_space<hbm>>
    tpu.wait_dma2 semaphore(%arg33 : memref<!tpu.dma_semaphore, #tpu.memory_space<semaphore_mem>>) src(%arg13 : memref<40x128xf32, #tpu.memory_space<vmem>>) dst(%dma_wait3A_243 : memref<40x128xf32, #tpu.memory_space<hbm>>)
    %dma_start3A_244 = arith.constant 9880 : i32
    %dma_start3A_245 = tpu.memref_slice %arg5[%dma_start3A_244] : memref<10000xi32, #tpu.memory_space<vmem>> -> memref<40xi32, #tpu.memory_space<vmem>>
    %dma_start3A_246 = arith.constant 0 : i32
    %dma_start3A_247 = arith.constant 0 : i32
    %dma_start3A_248 = tpu.memref_slice %arg2[%dma_start3A_246, %dma_start3A_247] : memref<10000x128xf32, #tpu.memory_space<hbm>> -> memref<10000x128xf32, #tpu.memory_space<hbm>>
    tpu.enqueue_indirect_dma source(%dma_start3A_248 : memref<10000x128xf32, #tpu.memory_space<hbm>>) target(%arg13 : memref<40x128xf32, #tpu.memory_space<vmem>>) offsets(%dma_start3A_245 : memref<40xi32, #tpu.memory_space<vmem>>) semaphore(%arg23 : memref<!tpu.dma_semaphore, #tpu.memory_space<semaphore_mem>>)
    %dma_wait3A_249 = arith.constant 0 : i32
    %dma_wait3A_250 = tpu.memref_slice %arg5[%dma_wait3A_249] : memref<10000xi32, #tpu.memory_space<vmem>> -> memref<40xi32, #tpu.memory_space<vmem>>
    %dma_wait3A_251 = arith.constant 0 : i32
    %dma_wait3A_252 = arith.constant 0 : i32
    %dma_wait3A_253 = tpu.memref_slice %arg2[%dma_wait3A_251, %dma_wait3A_252] : memref<10000x128xf32, #tpu.memory_space<hbm>> -> memref<10000x128xf32, #tpu.memory_space<hbm>>
    tpu.wait_indirect_dma semaphore(%arg17 : memref<!tpu.dma_semaphore, #tpu.memory_space<semaphore_mem>>) src(%dma_wait3A_253 : memref<10000x128xf32, #tpu.memory_space<hbm>>) dst(%arg7 : memref<40x128xf32, #tpu.memory_space<vmem>>)
    %add3A_254 = arith.constant 9640 : i32
    %add3A_255 = arith.addi %mul3A_2, %add3A_254 : i32
    %dma_start3A_256 = arith.constant 0 : i32
    %dma_start3A_257 = tpu.memref_slice %arg4[%add3A_255, %dma_start3A_256] : memref<320000x128xf32, #tpu.memory_space<hbm>> -> memref<40x128xf32, #tpu.memory_space<hbm>>
    %dma_start3A_258 = arith.constant 0 : i32
    %dma_start3A_259 = tpu.memref_slice %arg4[%add3A_255, %dma_start3A_258] : memref<320000x128xf32, #tpu.memory_space<hbm>> -> memref<40x128xf32, #tpu.memory_space<hbm>>
    tpu.enqueue_dma source(%arg7 : memref<40x128xf32, #tpu.memory_space<vmem>>) target(%dma_start3A_259 : memref<40x128xf32, #tpu.memory_space<hbm>>) target_semaphore(%arg27 : memref<!tpu.dma_semaphore, #tpu.memory_space<semaphore_mem>>)
    %dma_wait3A_260 = arith.constant 0 : i32
    %dma_wait3A_261 = tpu.memref_slice %arg4[%mul3A_2, %dma_wait3A_260] : memref<320000x128xf32, #tpu.memory_space<hbm>> -> memref<40x128xf32, #tpu.memory_space<hbm>>
    %dma_wait3A_262 = arith.constant 0 : i32
    %dma_wait3A_263 = tpu.memref_slice %arg4[%mul3A_2, %dma_wait3A_262] : memref<320000x128xf32, #tpu.memory_space<hbm>> -> memref<40x128xf32, #tpu.memory_space<hbm>>
    tpu.wait_dma2 semaphore(%arg34 : memref<!tpu.dma_semaphore, #tpu.memory_space<semaphore_mem>>) src(%arg14 : memref<40x128xf32, #tpu.memory_space<vmem>>) dst(%dma_wait3A_263 : memref<40x128xf32, #tpu.memory_space<hbm>>)
    %dma_start3A_264 = arith.constant 9920 : i32
    %dma_start3A_265 = tpu.memref_slice %arg5[%dma_start3A_264] : memref<10000xi32, #tpu.memory_space<vmem>> -> memref<40xi32, #tpu.memory_space<vmem>>
    %dma_start3A_266 = arith.constant 0 : i32
    %dma_start3A_267 = arith.constant 0 : i32
    %dma_start3A_268 = tpu.memref_slice %arg2[%dma_start3A_266, %dma_start3A_267] : memref<10000x128xf32, #tpu.memory_space<hbm>> -> memref<10000x128xf32, #tpu.memory_space<hbm>>
    tpu.enqueue_indirect_dma source(%dma_start3A_268 : memref<10000x128xf32, #tpu.memory_space<hbm>>) target(%arg14 : memref<40x128xf32, #tpu.memory_space<vmem>>) offsets(%dma_start3A_265 : memref<40xi32, #tpu.memory_space<vmem>>) semaphore(%arg24 : memref<!tpu.dma_semaphore, #tpu.memory_space<semaphore_mem>>)
    %dma_wait3A_269 = arith.constant 0 : i32
    %dma_wait3A_270 = tpu.memref_slice %arg5[%dma_wait3A_269] : memref<10000xi32, #tpu.memory_space<vmem>> -> memref<40xi32, #tpu.memory_space<vmem>>
    %dma_wait3A_271 = arith.constant 0 : i32
    %dma_wait3A_272 = arith.constant 0 : i32
    %dma_wait3A_273 = tpu.memref_slice %arg2[%dma_wait3A_271, %dma_wait3A_272] : memref<10000x128xf32, #tpu.memory_space<hbm>> -> memref<10000x128xf32, #tpu.memory_space<hbm>>
    tpu.wait_indirect_dma semaphore(%arg18 : memref<!tpu.dma_semaphore, #tpu.memory_space<semaphore_mem>>) src(%dma_wait3A_273 : memref<10000x128xf32, #tpu.memory_space<hbm>>) dst(%arg8 : memref<40x128xf32, #tpu.memory_space<vmem>>)
    %add3A_274 = arith.constant 9680 : i32
    %add3A_275 = arith.addi %mul3A_2, %add3A_274 : i32
    %dma_start3A_276 = arith.constant 0 : i32
    %dma_start3A_277 = tpu.memref_slice %arg4[%add3A_275, %dma_start3A_276] : memref<320000x128xf32, #tpu.memory_space<hbm>> -> memref<40x128xf32, #tpu.memory_space<hbm>>
    %dma_start3A_278 = arith.constant 0 : i32
    %dma_start3A_279 = tpu.memref_slice %arg4[%add3A_275, %dma_start3A_278] : memref<320000x128xf32, #tpu.memory_space<hbm>> -> memref<40x128xf32, #tpu.memory_space<hbm>>
    tpu.enqueue_dma source(%arg8 : memref<40x128xf32, #tpu.memory_space<vmem>>) target(%dma_start3A_279 : memref<40x128xf32, #tpu.memory_space<hbm>>) target_semaphore(%arg28 : memref<!tpu.dma_semaphore, #tpu.memory_space<semaphore_mem>>)
    %dma_wait3A_280 = arith.constant 0 : i32
    %dma_wait3A_281 = tpu.memref_slice %arg4[%mul3A_2, %dma_wait3A_280] : memref<320000x128xf32, #tpu.memory_space<hbm>> -> memref<40x128xf32, #tpu.memory_space<hbm>>
    %dma_wait3A_282 = arith.constant 0 : i32
    %dma_wait3A_283 = tpu.memref_slice %arg4[%mul3A_2, %dma_wait3A_282] : memref<320000x128xf32, #tpu.memory_space<hbm>> -> memref<40x128xf32, #tpu.memory_space<hbm>>
    tpu.wait_dma2 semaphore(%arg35 : memref<!tpu.dma_semaphore, #tpu.memory_space<semaphore_mem>>) src(%arg15 : memref<40x128xf32, #tpu.memory_space<vmem>>) dst(%dma_wait3A_283 : memref<40x128xf32, #tpu.memory_space<hbm>>)
    %dma_start3A_284 = arith.constant 9960 : i32
    %dma_start3A_285 = tpu.memref_slice %arg5[%dma_start3A_284] : memref<10000xi32, #tpu.memory_space<vmem>> -> memref<40xi32, #tpu.memory_space<vmem>>
    %dma_start3A_286 = arith.constant 0 : i32
    %dma_start3A_287 = arith.constant 0 : i32
    %dma_start3A_288 = tpu.memref_slice %arg2[%dma_start3A_286, %dma_start3A_287] : memref<10000x128xf32, #tpu.memory_space<hbm>> -> memref<10000x128xf32, #tpu.memory_space<hbm>>
    tpu.enqueue_indirect_dma source(%dma_start3A_288 : memref<10000x128xf32, #tpu.memory_space<hbm>>) target(%arg15 : memref<40x128xf32, #tpu.memory_space<vmem>>) offsets(%dma_start3A_285 : memref<40xi32, #tpu.memory_space<vmem>>) semaphore(%arg25 : memref<!tpu.dma_semaphore, #tpu.memory_space<semaphore_mem>>)
    %dma_wait3A_289 = arith.constant 0 : i32
    %dma_wait3A_290 = tpu.memref_slice %arg5[%dma_wait3A_289] : memref<10000xi32, #tpu.memory_space<vmem>> -> memref<40xi32, #tpu.memory_space<vmem>>
    %dma_wait3A_291 = arith.constant 0 : i32
    %dma_wait3A_292 = arith.constant 0 : i32
    %dma_wait3A_293 = tpu.memref_slice %arg2[%dma_wait3A_291, %dma_wait3A_292] : memref<10000x128xf32, #tpu.memory_space<hbm>> -> memref<10000x128xf32, #tpu.memory_space<hbm>>
    tpu.wait_indirect_dma semaphore(%arg19 : memref<!tpu.dma_semaphore, #tpu.memory_space<semaphore_mem>>) src(%dma_wait3A_293 : memref<10000x128xf32, #tpu.memory_space<hbm>>) dst(%arg9 : memref<40x128xf32, #tpu.memory_space<vmem>>)
    %add3A_294 = arith.constant 9720 : i32
    %add3A_295 = arith.addi %mul3A_2, %add3A_294 : i32
    %dma_start3A_296 = arith.constant 0 : i32
    %dma_start3A_297 = tpu.memref_slice %arg4[%add3A_295, %dma_start3A_296] : memref<320000x128xf32, #tpu.memory_space<hbm>> -> memref<40x128xf32, #tpu.memory_space<hbm>>
    %dma_start3A_298 = arith.constant 0 : i32
    %dma_start3A_299 = tpu.memref_slice %arg4[%add3A_295, %dma_start3A_298] : memref<320000x128xf32, #tpu.memory_space<hbm>> -> memref<40x128xf32, #tpu.memory_space<hbm>>
    tpu.enqueue_dma source(%arg9 : memref<40x128xf32, #tpu.memory_space<vmem>>) target(%dma_start3A_299 : memref<40x128xf32, #tpu.memory_space<hbm>>) target_semaphore(%arg29 : memref<!tpu.dma_semaphore, #tpu.memory_space<semaphore_mem>>)
    %dma_wait3A_300 = arith.constant 0 : i32
    %dma_wait3A_301 = tpu.memref_slice %arg5[%dma_wait3A_300] : memref<10000xi32, #tpu.memory_space<vmem>> -> memref<40xi32, #tpu.memory_space<vmem>>
    %dma_wait3A_302 = arith.constant 0 : i32
    %dma_wait3A_303 = arith.constant 0 : i32
    %dma_wait3A_304 = tpu.memref_slice %arg2[%dma_wait3A_302, %dma_wait3A_303] : memref<10000x128xf32, #tpu.memory_space<hbm>> -> memref<10000x128xf32, #tpu.memory_space<hbm>>
    tpu.wait_indirect_dma semaphore(%arg20 : memref<!tpu.dma_semaphore, #tpu.memory_space<semaphore_mem>>) src(%dma_wait3A_304 : memref<10000x128xf32, #tpu.memory_space<hbm>>) dst(%arg10 : memref<40x128xf32, #tpu.memory_space<vmem>>)
    %add3A_305 = arith.constant 9760 : i32
    %add3A_306 = arith.addi %mul3A_2, %add3A_305 : i32
    %dma_start3A_307 = arith.constant 0 : i32
    %dma_start3A_308 = tpu.memref_slice %arg4[%add3A_306, %dma_start3A_307] : memref<320000x128xf32, #tpu.memory_space<hbm>> -> memref<40x128xf32, #tpu.memory_space<hbm>>
    %dma_start3A_309 = arith.constant 0 : i32
    %dma_start3A_310 = tpu.memref_slice %arg4[%add3A_306, %dma_start3A_309] : memref<320000x128xf32, #tpu.memory_space<hbm>> -> memref<40x128xf32, #tpu.memory_space<hbm>>
    tpu.enqueue_dma source(%arg10 : memref<40x128xf32, #tpu.memory_space<vmem>>) target(%dma_start3A_310 : memref<40x128xf32, #tpu.memory_space<hbm>>) target_semaphore(%arg30 : memref<!tpu.dma_semaphore, #tpu.memory_space<semaphore_mem>>)
    %dma_wait3A_311 = arith.constant 0 : i32
    %dma_wait3A_312 = tpu.memref_slice %arg5[%dma_wait3A_311] : memref<10000xi32, #tpu.memory_space<vmem>> -> memref<40xi32, #tpu.memory_space<vmem>>
    %dma_wait3A_313 = arith.constant 0 : i32
    %dma_wait3A_314 = arith.constant 0 : i32
    %dma_wait3A_315 = tpu.memref_slice %arg2[%dma_wait3A_313, %dma_wait3A_314] : memref<10000x128xf32, #tpu.memory_space<hbm>> -> memref<10000x128xf32, #tpu.memory_space<hbm>>
    tpu.wait_indirect_dma semaphore(%arg21 : memref<!tpu.dma_semaphore, #tpu.memory_space<semaphore_mem>>) src(%dma_wait3A_315 : memref<10000x128xf32, #tpu.memory_space<hbm>>) dst(%arg11 : memref<40x128xf32, #tpu.memory_space<vmem>>)
    %add3A_316 = arith.constant 9800 : i32
    %add3A_317 = arith.addi %mul3A_2, %add3A_316 : i32
    %dma_start3A_318 = arith.constant 0 : i32
    %dma_start3A_319 = tpu.memref_slice %arg4[%add3A_317, %dma_start3A_318] : memref<320000x128xf32, #tpu.memory_space<hbm>> -> memref<40x128xf32, #tpu.memory_space<hbm>>
    %dma_start3A_320 = arith.constant 0 : i32
    %dma_start3A_321 = tpu.memref_slice %arg4[%add3A_317, %dma_start3A_320] : memref<320000x128xf32, #tpu.memory_space<hbm>> -> memref<40x128xf32, #tpu.memory_space<hbm>>
    tpu.enqueue_dma source(%arg11 : memref<40x128xf32, #tpu.memory_space<vmem>>) target(%dma_start3A_321 : memref<40x128xf32, #tpu.memory_space<hbm>>) target_semaphore(%arg31 : memref<!tpu.dma_semaphore, #tpu.memory_space<semaphore_mem>>)
    %dma_wait3A_322 = arith.constant 0 : i32
    %dma_wait3A_323 = tpu.memref_slice %arg5[%dma_wait3A_322] : memref<10000xi32, #tpu.memory_space<vmem>> -> memref<40xi32, #tpu.memory_space<vmem>>
    %dma_wait3A_324 = arith.constant 0 : i32
    %dma_wait3A_325 = arith.constant 0 : i32
    %dma_wait3A_326 = tpu.memref_slice %arg2[%dma_wait3A_324, %dma_wait3A_325] : memref<10000x128xf32, #tpu.memory_space<hbm>> -> memref<10000x128xf32, #tpu.memory_space<hbm>>
    tpu.wait_indirect_dma semaphore(%arg22 : memref<!tpu.dma_semaphore, #tpu.memory_space<semaphore_mem>>) src(%dma_wait3A_326 : memref<10000x128xf32, #tpu.memory_space<hbm>>) dst(%arg12 : memref<40x128xf32, #tpu.memory_space<vmem>>)
    %add3A_327 = arith.constant 9840 : i32
    %add3A_328 = arith.addi %mul3A_2, %add3A_327 : i32
    %dma_start3A_329 = arith.constant 0 : i32
    %dma_start3A_330 = tpu.memref_slice %arg4[%add3A_328, %dma_start3A_329] : memref<320000x128xf32, #tpu.memory_space<hbm>> -> memref<40x128xf32, #tpu.memory_space<hbm>>
    %dma_start3A_331 = arith.constant 0 : i32
    %dma_start3A_332 = tpu.memref_slice %arg4[%add3A_328, %dma_start3A_331] : memref<320000x128xf32, #tpu.memory_space<hbm>> -> memref<40x128xf32, #tpu.memory_space<hbm>>
    tpu.enqueue_dma source(%arg12 : memref<40x128xf32, #tpu.memory_space<vmem>>) target(%dma_start3A_332 : memref<40x128xf32, #tpu.memory_space<hbm>>) target_semaphore(%arg32 : memref<!tpu.dma_semaphore, #tpu.memory_space<semaphore_mem>>)
    %dma_wait3A_333 = arith.constant 0 : i32
    %dma_wait3A_334 = tpu.memref_slice %arg5[%dma_wait3A_333] : memref<10000xi32, #tpu.memory_space<vmem>> -> memref<40xi32, #tpu.memory_space<vmem>>
    %dma_wait3A_335 = arith.constant 0 : i32
    %dma_wait3A_336 = arith.constant 0 : i32
    %dma_wait3A_337 = tpu.memref_slice %arg2[%dma_wait3A_335, %dma_wait3A_336] : memref<10000x128xf32, #tpu.memory_space<hbm>> -> memref<10000x128xf32, #tpu.memory_space<hbm>>
    tpu.wait_indirect_dma semaphore(%arg23 : memref<!tpu.dma_semaphore, #tpu.memory_space<semaphore_mem>>) src(%dma_wait3A_337 : memref<10000x128xf32, #tpu.memory_space<hbm>>) dst(%arg13 : memref<40x128xf32, #tpu.memory_space<vmem>>)
    %add3A_338 = arith.constant 9880 : i32
    %add3A_339 = arith.addi %mul3A_2, %add3A_338 : i32
    %dma_start3A_340 = arith.constant 0 : i32
    %dma_start3A_341 = tpu.memref_slice %arg4[%add3A_339, %dma_start3A_340] : memref<320000x128xf32, #tpu.memory_space<hbm>> -> memref<40x128xf32, #tpu.memory_space<hbm>>
    %dma_start3A_342 = arith.constant 0 : i32
    %dma_start3A_343 = tpu.memref_slice %arg4[%add3A_339, %dma_start3A_342] : memref<320000x128xf32, #tpu.memory_space<hbm>> -> memref<40x128xf32, #tpu.memory_space<hbm>>
    tpu.enqueue_dma source(%arg13 : memref<40x128xf32, #tpu.memory_space<vmem>>) target(%dma_start3A_343 : memref<40x128xf32, #tpu.memory_space<hbm>>) target_semaphore(%arg33 : memref<!tpu.dma_semaphore, #tpu.memory_space<semaphore_mem>>)
    %dma_wait3A_344 = arith.constant 0 : i32
    %dma_wait3A_345 = tpu.memref_slice %arg5[%dma_wait3A_344] : memref<10000xi32, #tpu.memory_space<vmem>> -> memref<40xi32, #tpu.memory_space<vmem>>
    %dma_wait3A_346 = arith.constant 0 : i32
    %dma_wait3A_347 = arith.constant 0 : i32
    %dma_wait3A_348 = tpu.memref_slice %arg2[%dma_wait3A_346, %dma_wait3A_347] : memref<10000x128xf32, #tpu.memory_space<hbm>> -> memref<10000x128xf32, #tpu.memory_space<hbm>>
    tpu.wait_indirect_dma semaphore(%arg24 : memref<!tpu.dma_semaphore, #tpu.memory_space<semaphore_mem>>) src(%dma_wait3A_348 : memref<10000x128xf32, #tpu.memory_space<hbm>>) dst(%arg14 : memref<40x128xf32, #tpu.memory_space<vmem>>)
    %add3A_349 = arith.constant 9920 : i32
    %add3A_350 = arith.addi %mul3A_2, %add3A_349 : i32
    %dma_start3A_351 = arith.constant 0 : i32
    %dma_start3A_352 = tpu.memref_slice %arg4[%add3A_350, %dma_start3A_351] : memref<320000x128xf32, #tpu.memory_space<hbm>> -> memref<40x128xf32, #tpu.memory_space<hbm>>
    %dma_start3A_353 = arith.constant 0 : i32
    %dma_start3A_354 = tpu.memref_slice %arg4[%add3A_350, %dma_start3A_353] : memref<320000x128xf32, #tpu.memory_space<hbm>> -> memref<40x128xf32, #tpu.memory_space<hbm>>
    tpu.enqueue_dma source(%arg14 : memref<40x128xf32, #tpu.memory_space<vmem>>) target(%dma_start3A_354 : memref<40x128xf32, #tpu.memory_space<hbm>>) target_semaphore(%arg34 : memref<!tpu.dma_semaphore, #tpu.memory_space<semaphore_mem>>)
    %dma_wait3A_355 = arith.constant 0 : i32
    %dma_wait3A_356 = tpu.memref_slice %arg5[%dma_wait3A_355] : memref<10000xi32, #tpu.memory_space<vmem>> -> memref<40xi32, #tpu.memory_space<vmem>>
    %dma_wait3A_357 = arith.constant 0 : i32
    %dma_wait3A_358 = arith.constant 0 : i32
    %dma_wait3A_359 = tpu.memref_slice %arg2[%dma_wait3A_357, %dma_wait3A_358] : memref<10000x128xf32, #tpu.memory_space<hbm>> -> memref<10000x128xf32, #tpu.memory_space<hbm>>
    tpu.wait_indirect_dma semaphore(%arg25 : memref<!tpu.dma_semaphore, #tpu.memory_space<semaphore_mem>>) src(%dma_wait3A_359 : memref<10000x128xf32, #tpu.memory_space<hbm>>) dst(%arg15 : memref<40x128xf32, #tpu.memory_space<vmem>>)
    %add3A_360 = arith.constant 9960 : i32
    %add3A_361 = arith.addi %mul3A_2, %add3A_360 : i32
    %dma_start3A_362 = arith.constant 0 : i32
    %dma_start3A_363 = tpu.memref_slice %arg4[%add3A_361, %dma_start3A_362] : memref<320000x128xf32, #tpu.memory_space<hbm>> -> memref<40x128xf32, #tpu.memory_space<hbm>>
    %dma_start3A_364 = arith.constant 0 : i32
    %dma_start3A_365 = tpu.memref_slice %arg4[%add3A_361, %dma_start3A_364] : memref<320000x128xf32, #tpu.memory_space<hbm>> -> memref<40x128xf32, #tpu.memory_space<hbm>>
    tpu.enqueue_dma source(%arg15 : memref<40x128xf32, #tpu.memory_space<vmem>>) target(%dma_start3A_365 : memref<40x128xf32, #tpu.memory_space<hbm>>) target_semaphore(%arg35 : memref<!tpu.dma_semaphore, #tpu.memory_space<semaphore_mem>>)
    %dma_wait3A_366 = arith.constant 0 : i32
    %dma_wait3A_367 = tpu.memref_slice %arg4[%mul3A_2, %dma_wait3A_366] : memref<320000x128xf32, #tpu.memory_space<hbm>> -> memref<40x128xf32, #tpu.memory_space<hbm>>
    %dma_wait3A_368 = arith.constant 0 : i32
    %dma_wait3A_369 = tpu.memref_slice %arg4[%mul3A_2, %dma_wait3A_368] : memref<320000x128xf32, #tpu.memory_space<hbm>> -> memref<40x128xf32, #tpu.memory_space<hbm>>
    tpu.wait_dma2 semaphore(%arg26 : memref<!tpu.dma_semaphore, #tpu.memory_space<semaphore_mem>>) src(%arg6 : memref<40x128xf32, #tpu.memory_space<vmem>>) dst(%dma_wait3A_369 : memref<40x128xf32, #tpu.memory_space<hbm>>)
    %dma_wait3A_370 = arith.constant 0 : i32
    %dma_wait3A_371 = tpu.memref_slice %arg4[%mul3A_2, %dma_wait3A_370] : memref<320000x128xf32, #tpu.memory_space<hbm>> -> memref<40x128xf32, #tpu.memory_space<hbm>>
    %dma_wait3A_372 = arith.constant 0 : i32
    %dma_wait3A_373 = tpu.memref_slice %arg4[%mul3A_2, %dma_wait3A_372] : memref<320000x128xf32, #tpu.memory_space<hbm>> -> memref<40x128xf32, #tpu.memory_space<hbm>>
    tpu.wait_dma2 semaphore(%arg27 : memref<!tpu.dma_semaphore, #tpu.memory_space<semaphore_mem>>) src(%arg7 : memref<40x128xf32, #tpu.memory_space<vmem>>) dst(%dma_wait3A_373 : memref<40x128xf32, #tpu.memory_space<hbm>>)
    %dma_wait3A_374 = arith.constant 0 : i32
    %dma_wait3A_375 = tpu.memref_slice %arg4[%mul3A_2, %dma_wait3A_374] : memref<320000x128xf32, #tpu.memory_space<hbm>> -> memref<40x128xf32, #tpu.memory_space<hbm>>
    %dma_wait3A_376 = arith.constant 0 : i32
    %dma_wait3A_377 = tpu.memref_slice %arg4[%mul3A_2, %dma_wait3A_376] : memref<320000x128xf32, #tpu.memory_space<hbm>> -> memref<40x128xf32, #tpu.memory_space<hbm>>
    tpu.wait_dma2 semaphore(%arg28 : memref<!tpu.dma_semaphore, #tpu.memory_space<semaphore_mem>>) src(%arg8 : memref<40x128xf32, #tpu.memory_space<vmem>>) dst(%dma_wait3A_377 : memref<40x128xf32, #tpu.memory_space<hbm>>)
    %dma_wait3A_378 = arith.constant 0 : i32
    %dma_wait3A_379 = tpu.memref_slice %arg4[%mul3A_2, %dma_wait3A_378] : memref<320000x128xf32, #tpu.memory_space<hbm>> -> memref<40x128xf32, #tpu.memory_space<hbm>>
    %dma_wait3A_380 = arith.constant 0 : i32
    %dma_wait3A_381 = tpu.memref_slice %arg4[%mul3A_2, %dma_wait3A_380] : memref<320000x128xf32, #tpu.memory_space<hbm>> -> memref<40x128xf32, #tpu.memory_space<hbm>>
    tpu.wait_dma2 semaphore(%arg29 : memref<!tpu.dma_semaphore, #tpu.memory_space<semaphore_mem>>) src(%arg9 : memref<40x128xf32, #tpu.memory_space<vmem>>) dst(%dma_wait3A_381 : memref<40x128xf32, #tpu.memory_space<hbm>>)
    %dma_wait3A_382 = arith.constant 0 : i32
    %dma_wait3A_383 = tpu.memref_slice %arg4[%mul3A_2, %dma_wait3A_382] : memref<320000x128xf32, #tpu.memory_space<hbm>> -> memref<40x128xf32, #tpu.memory_space<hbm>>
    %dma_wait3A_384 = arith.constant 0 : i32
    %dma_wait3A_385 = tpu.memref_slice %arg4[%mul3A_2, %dma_wait3A_384] : memref<320000x128xf32, #tpu.memory_space<hbm>> -> memref<40x128xf32, #tpu.memory_space<hbm>>
    tpu.wait_dma2 semaphore(%arg30 : memref<!tpu.dma_semaphore, #tpu.memory_space<semaphore_mem>>) src(%arg10 : memref<40x128xf32, #tpu.memory_space<vmem>>) dst(%dma_wait3A_385 : memref<40x128xf32, #tpu.memory_space<hbm>>)
    %dma_wait3A_386 = arith.constant 0 : i32
    %dma_wait3A_387 = tpu.memref_slice %arg4[%mul3A_2, %dma_wait3A_386] : memref<320000x128xf32, #tpu.memory_space<hbm>> -> memref<40x128xf32, #tpu.memory_space<hbm>>
    %dma_wait3A_388 = arith.constant 0 : i32
    %dma_wait3A_389 = tpu.memref_slice %arg4[%mul3A_2, %dma_wait3A_388] : memref<320000x128xf32, #tpu.memory_space<hbm>> -> memref<40x128xf32, #tpu.memory_space<hbm>>
    tpu.wait_dma2 semaphore(%arg31 : memref<!tpu.dma_semaphore, #tpu.memory_space<semaphore_mem>>) src(%arg11 : memref<40x128xf32, #tpu.memory_space<vmem>>) dst(%dma_wait3A_389 : memref<40x128xf32, #tpu.memory_space<hbm>>)
    %dma_wait3A_390 = arith.constant 0 : i32
    %dma_wait3A_391 = tpu.memref_slice %arg4[%mul3A_2, %dma_wait3A_390] : memref<320000x128xf32, #tpu.memory_space<hbm>> -> memref<40x128xf32, #tpu.memory_space<hbm>>
    %dma_wait3A_392 = arith.constant 0 : i32
    %dma_wait3A_393 = tpu.memref_slice %arg4[%mul3A_2, %dma_wait3A_392] : memref<320000x128xf32, #tpu.memory_space<hbm>> -> memref<40x128xf32, #tpu.memory_space<hbm>>
    tpu.wait_dma2 semaphore(%arg32 : memref<!tpu.dma_semaphore, #tpu.memory_space<semaphore_mem>>) src(%arg12 : memref<40x128xf32, #tpu.memory_space<vmem>>) dst(%dma_wait3A_393 : memref<40x128xf32, #tpu.memory_space<hbm>>)
    %dma_wait3A_394 = arith.constant 0 : i32
    %dma_wait3A_395 = tpu.memref_slice %arg4[%mul3A_2, %dma_wait3A_394] : memref<320000x128xf32, #tpu.memory_space<hbm>> -> memref<40x128xf32, #tpu.memory_space<hbm>>
    %dma_wait3A_396 = arith.constant 0 : i32
    %dma_wait3A_397 = tpu.memref_slice %arg4[%mul3A_2, %dma_wait3A_396] : memref<320000x128xf32, #tpu.memory_space<hbm>> -> memref<40x128xf32, #tpu.memory_space<hbm>>
    tpu.wait_dma2 semaphore(%arg33 : memref<!tpu.dma_semaphore, #tpu.memory_space<semaphore_mem>>) src(%arg13 : memref<40x128xf32, #tpu.memory_space<vmem>>) dst(%dma_wait3A_397 : memref<40x128xf32, #tpu.memory_space<hbm>>)
    %dma_wait3A_398 = arith.constant 0 : i32
    %dma_wait3A_399 = tpu.memref_slice %arg4[%mul3A_2, %dma_wait3A_398] : memref<320000x128xf32, #tpu.memory_space<hbm>> -> memref<40x128xf32, #tpu.memory_space<hbm>>
    %dma_wait3A_400 = arith.constant 0 : i32
    %dma_wait3A_401 = tpu.memref_slice %arg4[%mul3A_2, %dma_wait3A_400] : memref<320000x128xf32, #tpu.memory_space<hbm>> -> memref<40x128xf32, #tpu.memory_space<hbm>>
    tpu.wait_dma2 semaphore(%arg34 : memref<!tpu.dma_semaphore, #tpu.memory_space<semaphore_mem>>) src(%arg14 : memref<40x128xf32, #tpu.memory_space<vmem>>) dst(%dma_wait3A_401 : memref<40x128xf32, #tpu.memory_space<hbm>>)
    %dma_wait3A_402 = arith.constant 0 : i32
    %dma_wait3A_403 = tpu.memref_slice %arg4[%mul3A_2, %dma_wait3A_402] : memref<320000x128xf32, #tpu.memory_space<hbm>> -> memref<40x128xf32, #tpu.memory_space<hbm>>
    %dma_wait3A_404 = arith.constant 0 : i32
    %dma_wait3A_405 = tpu.memref_slice %arg4[%mul3A_2, %dma_wait3A_404] : memref<320000x128xf32, #tpu.memory_space<hbm>> -> memref<40x128xf32, #tpu.memory_space<hbm>>
    tpu.wait_dma2 semaphore(%arg35 : memref<!tpu.dma_semaphore, #tpu.memory_space<semaphore_mem>>) src(%arg15 : memref<40x128xf32, #tpu.memory_space<vmem>>) dst(%dma_wait3A_405 : memref<40x128xf32, #tpu.memory_space<hbm>>)
    return
  }
}

module attributes {stable_mosaic.version = 14 : i64} {
  func.func @_in2f_kernel(%arg0: i32, %arg1: memref<2000x128xf32, #tpu.memory_space<vmem>>, %arg2: memref<128x128xf32, #tpu.memory_space<vmem>>, %arg3: memref<2000x128xf32, #tpu.memory_space<vmem>>) attributes {dimension_semantics = [#tpu.dimension_semantics<arbitrary>], iteration_bounds = array<i64: 5>, scalar_prefetch = 0 : i64, scratch_operands = 0 : i64, tpu.core_type = #tpu.core_type<tc>, window_params = [{transform_indices = @transform_0, window_bounds = array<i64: 2000, 128>}, {pipeline_mode = #tpu.pipeline_mode<synchronous>, transform_indices = @transform_1, window_bounds = array<i64: 128, 128>}, {transform_indices = @transform_2, window_bounds = array<i64: 2000, 128>}]} {
    %get3A = arith.constant 0 : index
    %get3A_0 = arith.constant 0 : index
    %get3A_1 = vector.load %arg1[%get3A, %get3A_0] : memref<2000x128xf32, #tpu.memory_space<vmem>>, vector<2000x128xf32>
    %get3A_2 = arith.constant 0 : index
    %get3A_3 = arith.constant 0 : index
    %get3A_4 = vector.load %arg2[%get3A_2, %get3A_3] : memref<128x128xf32, #tpu.memory_space<vmem>>, vector<128x128xf32>
    %dot_general3A = arith.constant dense<0.000000e+00> : vector<2000x128xf32>
    %dot_general3A_5 = tpu.matmul %get3A_1, %get3A_4, %dot_general3A {dimension_numbers = #tpu.dot_dimension_numbers<[1], [0], [0], [1], [0, 0, 1, 1], [], []>, transpose_lhs_hint = false} : vector<2000x128xf32>, vector<128x128xf32>, vector<2000x128xf32> -> vector<2000x128xf32>
    %swap3A = arith.constant 0 : index
    %swap3A_6 = arith.constant 0 : index
    %swap3A_7 = vector.load %arg3[%swap3A, %swap3A_6] : memref<2000x128xf32, #tpu.memory_space<vmem>>, vector<2000x128xf32>
    tpu.vector_store %arg3[%swap3A, %swap3A_6], %dot_general3A_5 {strides = array<i32>} : memref<2000x128xf32, #tpu.memory_space<vmem>>, vector<2000x128xf32>,
    return
  }
  func.func @transform_0(%arg0: i32) -> (i32, i32) {
    %c0_i32 = arith.constant 0 : i32
    %c0_i32_0 = arith.constant 0 : i32
    return %arg0, %c0_i32 : i32, i32
  }
  func.func @transform_1(%arg0: i32) -> (i32, i32) {
    %c0_i32 = arith.constant 0 : i32
    %c0_i32_0 = arith.constant 0 : i32
    %c0_i32_1 = arith.constant 0 : i32
    return %c0_i32, %c0_i32_0 : i32, i32
  }
  func.func @transform_2(%arg0: i32) -> (i32, i32) {
    %c0_i32 = arith.constant 0 : i32
    %c0_i32_0 = arith.constant 0 : i32
    return %arg0, %c0_i32 : i32, i32
  }
}

module attributes {stable_mosaic.version = 14 : i64} {
  func.func @_interaction_kernel(%arg0: i32, %arg1: i32, %arg2: memref<1x6400x64xbf16, #tpu.memory_space<vmem>>, %arg3: memref<1x6400x64xbf16, #tpu.memory_space<vmem>>, %arg4: memref<1x200x32xf32, #tpu.memory_space<vmem>>, %arg5: memref<1x200x32xf32, #tpu.memory_space<vmem>>, %arg6: memref<6400x128xf32, #tpu.memory_space<vmem>>, %arg7: memref<64x128xbf16, #tpu.memory_space<vmem>>, %arg8: memref<64x128xbf16, #tpu.memory_space<vmem>>, %arg9: memref<128x128xf32, #tpu.memory_space<vmem>>, %arg10: memref<1x128xf32, #tpu.memory_space<vmem>>, %arg11: memref<128x128xf32, #tpu.memory_space<vmem>>, %arg12: memref<1x128xf32, #tpu.memory_space<vmem>>, %arg13: memref<200x128xf32, #tpu.memory_space<vmem>>) attributes {dimension_semantics = [#tpu.dimension_semantics<arbitrary>, #tpu.dimension_semantics<arbitrary>], iteration_bounds = array<i64: 2, 25>, scalar_prefetch = 0 : i64, scratch_operands = 0 : i64, tpu.core_type = #tpu.core_type<tc>, window_params = [{transform_indices = @transform_0, window_bounds = array<i64: 1, 6400, 64>}, {transform_indices = @transform_1, window_bounds = array<i64: 1, 6400, 64>}, {transform_indices = @transform_2, window_bounds = array<i64: 1, 200, 32>}, {transform_indices = @transform_3, window_bounds = array<i64: 1, 200, 32>}, {transform_indices = @transform_4, window_bounds = array<i64: 6400, 128>}, {pipeline_mode = #tpu.pipeline_mode<synchronous>, transform_indices = @transform_5, window_bounds = array<i64: 64, 128>}, {pipeline_mode = #tpu.pipeline_mode<synchronous>, transform_indices = @transform_6, window_bounds = array<i64: 64, 128>}, {pipeline_mode = #tpu.pipeline_mode<synchronous>, transform_indices = @transform_7, window_bounds = array<i64: 128, 128>}, {pipeline_mode = #tpu.pipeline_mode<synchronous>, transform_indices = @transform_8, window_bounds = array<i64: 1, 128>}, {pipeline_mode = #tpu.pipeline_mode<synchronous>, transform_indices = @transform_9, window_bounds = array<i64: 128, 128>}, {pipeline_mode = #tpu.pipeline_mode<synchronous>, transform_indices = @transform_10, window_bounds = array<i64: 1, 128>}, {transform_indices = @transform_11, window_bounds = array<i64: 200, 128>}]} {
    %get3A = arith.constant 0 : index
    %get3A_0 = arith.constant 0 : index
    %get3A_1 = arith.constant 0 : index
    %get3A_2 = vector.load %arg2[%get3A, %get3A_0, %get3A_1] : memref<1x6400x64xbf16, #tpu.memory_space<vmem>>, vector<1x6400x64xbf16>
    %get3A_3 = vector.shape_cast %get3A_2 : vector<1x6400x64xbf16> to vector<6400x64xbf16>
    %get3A_4 = arith.constant 0 : index
    %get3A_5 = arith.constant 0 : index
    %get3A_6 = vector.load %arg7[%get3A_4, %get3A_5] : memref<64x128xbf16, #tpu.memory_space<vmem>>, vector<64x128xbf16>
    %dot_general3A = arith.constant dense<0.000000e+00> : vector<6400x128xf32>
    %dot_general3A_7 = tpu.matmul %get3A_3, %get3A_6, %dot_general3A {dimension_numbers = #tpu.dot_dimension_numbers<[1], [0], [0], [1], [0, 0, 1, 1], [], []>, transpose_lhs_hint = false} : vector<6400x64xbf16>, vector<64x128xbf16>, vector<6400x128xf32> -> vector<6400x128xf32>
    %get3A_8 = arith.constant 0 : index
    %get3A_9 = arith.constant 0 : index
    %get3A_10 = arith.constant 0 : index
    %get3A_11 = vector.load %arg3[%get3A_8, %get3A_9, %get3A_10] : memref<1x6400x64xbf16, #tpu.memory_space<vmem>>, vector<1x6400x64xbf16>
    %get3A_12 = vector.shape_cast %get3A_11 : vector<1x6400x64xbf16> to vector<6400x64xbf16>
    %get3A_13 = arith.constant 0 : index
    %get3A_14 = arith.constant 0 : index
    %get3A_15 = vector.load %arg8[%get3A_13, %get3A_14] : memref<64x128xbf16, #tpu.memory_space<vmem>>, vector<64x128xbf16>
    %dot_general3A_16 = arith.constant dense<0.000000e+00> : vector<6400x128xf32>
    %dot_general3A_17 = tpu.matmul %get3A_12, %get3A_15, %dot_general3A_16 {dimension_numbers = #tpu.dot_dimension_numbers<[1], [0], [0], [1], [0, 0, 1, 1], [], []>, transpose_lhs_hint = false} : vector<6400x64xbf16>, vector<64x128xbf16>, vector<6400x128xf32> -> vector<6400x128xf32>
    %add3A = arith.addf %dot_general3A_7, %dot_general3A_17 : vector<6400x128xf32>
    %get3A_18 = arith.constant 0 : index
    %get3A_19 = arith.constant 0 : index
    %get3A_20 = arith.constant 0 : index
    %get3A_21 = vector.load %arg4[%get3A_18, %get3A_19, %get3A_20] : memref<1x200x32xf32, #tpu.memory_space<vmem>>, vector<1x200x32xf32>
    %get3A_22 = vector.shape_cast %get3A_21 : vector<1x200x32xf32> to vector<200x32xf32>
    %mul3A = arith.constant 0.628318548 : f32
    %mul3A_23 = vector.broadcast %mul3A : f32 to vector<200x32xf32>
    %mul3A_24 = arith.mulf %get3A_22, %mul3A_23 : vector<200x32xf32>
    %cos3A = math.cos %mul3A_24 : vector<200x32xf32>
    %add3A_25 = arith.constant 1.000000e+00 : f32
    %add3A_26 = vector.broadcast %add3A_25 : f32 to vector<200x32xf32>
    %add3A_27 = arith.addf %cos3A, %add3A_26 : vector<200x32xf32>
    %mul3A_28 = arith.constant 5.000000e-01 : f32
    %mul3A_29 = vector.broadcast %mul3A_28 : f32 to vector<200x32xf32>
    %mul3A_30 = arith.mulf %mul3A_29, %add3A_27 : vector<200x32xf32>
    %lt3A = arith.constant 5.000000e+00 : f32
    %lt3A_31 = vector.broadcast %lt3A : f32 to vector<200x32xf32>
    %lt3A_32 = arith.cmpf olt, %get3A_22, %lt3A_31 : vector<200x32xf32>
    %convert_element_type3A = arith.extui %lt3A_32 : vector<200x32xi1> to vector<200x32xi32>
    %convert_element_type3A_33 = arith.sitofp %convert_element_type3A : vector<200x32xi32> to vector<200x32xf32>
    %mul3A_34 = arith.mulf %mul3A_30, %convert_element_type3A_33 : vector<200x32xf32>
    %get3A_35 = arith.constant 0 : index
    %get3A_36 = arith.constant 0 : index
    %get3A_37 = arith.constant 0 : index
    %get3A_38 = vector.load %arg5[%get3A_35, %get3A_36, %get3A_37] : memref<1x200x32xf32, #tpu.memory_space<vmem>>, vector<1x200x32xf32>
    %get3A_39 = vector.shape_cast %get3A_38 : vector<1x200x32xf32> to vector<200x32xf32>
    %mul3A_40 = arith.mulf %mul3A_34, %get3A_39 : vector<200x32xf32>
    %reshape3A = vector.shape_cast %add3A : vector<6400x128xf32> to vector<200x32x128xf32>
    %broadcast_in_dim3A = vector.shape_cast %mul3A_40 : vector<200x32xf32> to vector<200x32x1xf32>
    %mul3A_41 = vector.broadcast %broadcast_in_dim3A : vector<200x32x1xf32> to vector<200x32x128xf32>
    %mul3A_42 = arith.mulf %reshape3A, %mul3A_41 : vector<200x32x128xf32>
    %get3A_43 = arith.constant 0 : index
    %get3A_44 = arith.constant 0 : index
    %get3A_45 = vector.load %arg6[%get3A_43, %get3A_44] : memref<6400x128xf32, #tpu.memory_space<vmem>>, vector<6400x128xf32>
    %reshape3A_46 = vector.shape_cast %get3A_45 : vector<6400x128xf32> to vector<200x32x128xf32>
    %mul3A_47 = arith.mulf %mul3A_42, %reshape3A_46 : vector<200x32x128xf32>
    %reduce_sum3A = arith.constant dense<0.000000e+00> : vector<200x128xf32>
    %reduce_sum3A_48 = vector.multi_reduction <add>, %mul3A_47, %reduce_sum3A [1] : vector<200x32x128xf32> to vector<200x128xf32>
    %get3A_49 = arith.constant 0 : index
    %get3A_50 = arith.constant 0 : index
    %get3A_51 = vector.load %arg9[%get3A_49, %get3A_50] : memref<128x128xf32, #tpu.memory_space<vmem>>, vector<128x128xf32>
    %dot_general3A_52 = arith.constant dense<0.000000e+00> : vector<200x128xf32>
    %dot_general3A_53 = tpu.matmul %reduce_sum3A_48, %get3A_51, %dot_general3A_52 {dimension_numbers = #tpu.dot_dimension_numbers<[1], [0], [0], [1], [0, 0, 1, 1], [], []>, transpose_lhs_hint = false} : vector<200x128xf32>, vector<128x128xf32>, vector<200x128xf32> -> vector<200x128xf32>
    %get3A_54 = arith.constant 0 : index
    %get3A_55 = arith.constant 0 : index
    %get3A_56 = vector.load %arg10[%get3A_54, %get3A_55] : memref<1x128xf32, #tpu.memory_space<vmem>>, vector<1x128xf32>
    %add3A_57 = vector.broadcast %get3A_56 : vector<1x128xf32> to vector<200x128xf32>
    %add3A_58 = arith.addf %dot_general3A_53, %add3A_57 : vector<200x128xf32>
    %custom_jvp_call3A = arith.constant 0.000000e+00 : f32
    %max3A = vector.broadcast %custom_jvp_call3A : f32 to vector<200x128xf32>
    %max3A_59 = arith.maximumf %add3A_58, %max3A : vector<200x128xf32>
    %sub3A = vector.broadcast %custom_jvp_call3A : f32 to vector<200x128xf32>
    %sub3A_60 = arith.subf %add3A_58, %sub3A : vector<200x128xf32>
    %ne3A = arith.cmpf one, %sub3A_60, %sub3A_60 : vector<200x128xf32>
    %add3A_61 = vector.broadcast %custom_jvp_call3A : f32 to vector<200x128xf32>
    %add3A_62 = arith.addf %add3A_58, %add3A_61 : vector<200x128xf32>
    %abs3A = math.absf %sub3A_60 : vector<200x128xf32>
    %neg3A = arith.constant 0.000000e+00 : f32
    %neg3A_63 = vector.broadcast %neg3A : f32 to vector<200x128xf32>
    %neg3A_64 = arith.subf %neg3A_63, %abs3A : vector<200x128xf32>
    %exp3A = math.exp %neg3A_64 : vector<200x128xf32>
    %log1p3A = math.log1p %exp3A : vector<200x128xf32>
    %add3A_65 = arith.addf %max3A_59, %log1p3A : vector<200x128xf32>
    %select_n3A = arith.select %ne3A, %add3A_62, %add3A_65 : vector<200x128xi1>, vector<200x128xf32>
    %sub3A_66 = arith.constant 0.693147182 : f32
    %sub3A_67 = vector.broadcast %sub3A_66 : f32 to vector<200x128xf32>
    %sub3A_68 = arith.subf %select_n3A, %sub3A_67 : vector<200x128xf32>
    %get3A_69 = arith.constant 0 : index
    %get3A_70 = arith.constant 0 : index
    %get3A_71 = vector.load %arg11[%get3A_69, %get3A_70] : memref<128x128xf32, #tpu.memory_space<vmem>>, vector<128x128xf32>
    %dot_general3A_72 = arith.constant dense<0.000000e+00> : vector<200x128xf32>
    %dot_general3A_73 = tpu.matmul %sub3A_68, %get3A_71, %dot_general3A_72 {dimension_numbers = #tpu.dot_dimension_numbers<[1], [0], [0], [1], [0, 0, 1, 1], [], []>, transpose_lhs_hint = false} : vector<200x128xf32>, vector<128x128xf32>, vector<200x128xf32> -> vector<200x128xf32>
    %get3A_74 = arith.constant 0 : index
    %get3A_75 = arith.constant 0 : index
    %get3A_76 = vector.load %arg12[%get3A_74, %get3A_75] : memref<1x128xf32, #tpu.memory_space<vmem>>, vector<1x128xf32>
    %add3A_77 = vector.broadcast %get3A_76 : vector<1x128xf32> to vector<200x128xf32>
    %add3A_78 = arith.addf %dot_general3A_73, %add3A_77 : vector<200x128xf32>
    %swap3A = arith.constant 0 : index
    %swap3A_79 = arith.constant 0 : index
    %swap3A_80 = vector.load %arg13[%swap3A, %swap3A_79] : memref<200x128xf32, #tpu.memory_space<vmem>>, vector<200x128xf32>
    tpu.vector_store %arg13[%swap3A, %swap3A_79], %add3A_78 {strides = array<i32>} : memref<200x128xf32, #tpu.memory_space<vmem>>, vector<200x128xf32>,
    return
  }
  func.func @transform_0(%arg0: i32, %arg1: i32) -> (i32, i32, i32) {
    %c0_i32 = arith.constant 0 : i32
    %c0_i32_0 = arith.constant 0 : i32
    return %arg0, %arg1, %c0_i32 : i32, i32, i32
  }
  func.func @transform_1(%arg0: i32, %arg1: i32) -> (i32, i32, i32) {
    %c0_i32 = arith.constant 0 : i32
    %c0_i32_0 = arith.constant 0 : i32
    return %arg0, %arg1, %c0_i32 : i32, i32, i32
  }
  func.func @transform_2(%arg0: i32, %arg1: i32) -> (i32, i32, i32) {
    %c0_i32 = arith.constant 0 : i32
    %c0_i32_0 = arith.constant 0 : i32
    return %arg0, %arg1, %c0_i32 : i32, i32, i32
  }
  func.func @transform_3(%arg0: i32, %arg1: i32) -> (i32, i32, i32) {
    %c0_i32 = arith.constant 0 : i32
    %c0_i32_0 = arith.constant 0 : i32
    return %arg0, %arg1, %c0_i32 : i32, i32, i32
  }
  func.func @transform_4(%arg0: i32, %arg1: i32) -> (i32, i32) {
    %mul3A = arith.constant 25 : i32
    %mul3A_0 = arith.muli %arg0, %mul3A : i32
    %add3A = arith.addi %mul3A_0, %arg1 : i32
    %c0_i32 = arith.constant 0 : i32
    %c0_i32_1 = arith.constant 0 : i32
    return %add3A, %c0_i32 : i32, i32
  }
  func.func @transform_5(%arg0: i32, %arg1: i32) -> (i32, i32) {
    %c0_i32 = arith.constant 0 : i32
    %c0_i32_0 = arith.constant 0 : i32
    %c0_i32_1 = arith.constant 0 : i32
    return %c0_i32, %c0_i32_0 : i32, i32
  }
  func.func @transform_6(%arg0: i32, %arg1: i32) -> (i32, i32) {
    %c0_i32 = arith.constant 0 : i32
    %c0_i32_0 = arith.constant 0 : i32
    %c0_i32_1 = arith.constant 0 : i32
    return %c0_i32, %c0_i32_0 : i32, i32
  }
  func.func @transform_7(%arg0: i32, %arg1: i32) -> (i32, i32) {
    %c0_i32 = arith.constant 0 : i32
    %c0_i32_0 = arith.constant 0 : i32
    %c0_i32_1 = arith.constant 0 : i32
    return %c0_i32, %c0_i32_0 : i32, i32
  }
  func.func @transform_8(%arg0: i32, %arg1: i32) -> (i32, i32) {
    %c0_i32 = arith.constant 0 : i32
    %c0_i32_0 = arith.constant 0 : i32
    %c0_i32_1 = arith.constant 0 : i32
    return %c0_i32, %c0_i32_0 : i32, i32
  }
  func.func @transform_9(%arg0: i32, %arg1: i32) -> (i32, i32) {
    %c0_i32 = arith.constant 0 : i32
    %c0_i32_0 = arith.constant 0 : i32
    %c0_i32_1 = arith.constant 0 : i32
    return %c0_i32, %c0_i32_0 : i32, i32
  }
  func.func @transform_10(%arg0: i32, %arg1: i32) -> (i32, i32) {
    %c0_i32 = arith.constant 0 : i32
    %c0_i32_0 = arith.constant 0 : i32
    %c0_i32_1 = arith.constant 0 : i32
    return %c0_i32, %c0_i32_0 : i32, i32
  }
  func.func @transform_11(%arg0: i32, %arg1: i32) -> (i32, i32) {
    %mul3A = arith.constant 25 : i32
    %mul3A_0 = arith.muli %arg0, %mul3A : i32
    %add3A = arith.addi %mul3A_0, %arg1 : i32
    %c0_i32 = arith.constant 0 : i32
    %c0_i32_1 = arith.constant 0 : i32
    return %add3A, %c0_i32 : i32, i32
  }
}

</mosaic_0001>

<sc_bundles>
// kernel: kernel.5.cloned.1.call-start
scs
__scs_entry_jumppad:
0x0: {  	(pc) =	sbr.rel $0x88, $3  }
0x1: {  	(tag) =	ssettag $0x0;
	lr =	simm.s32 $0x1  }
0x2: {  	[smem:$0x3F94] =	sst lr;
	_ =	strace $0xD0000000  }
0x3: {  	_ = 	snop  }
0x4: {  	_ = 	snop  }
0x5: {  	_ = 	snop  }
0x6: {  	_ = 	snop  }
0x7: {  	_ = 	snop  }
__scs_overlays_trampoline_lowered:
0x8: {  	[smem:$0x3FA3] =	sst s0  }
0x9: {  	[smem:$0x3FA4] =	sst s1  }
0xa: {  	[smem:$0x3FA5] =	sst s2  }
0xb: {  	[smem:$0x3FA6] =	sst s3  }
0xc: {  	[smem:$0x3FA7] =	sst s4  }
0xd: {  	[smem:$0x3FA8] =	sst s5  }
0xe: {  	[smem:$0x3FA9] =	sst s6  }
0xf: {  	[smem:$0x3FAA] =	sst s7  }
0x10: {  	[smem:$0x3FAB] =	sst s8  }
0x11: {  	[smem:$0x3FAC] =	sst s9;
	s0 =	simm.s32 @!p0 $0x0  }
0x12: {  	s1 =	sld [smem:$0x3F92];
	s0 =	simm.s32 @p0 $0x1  }
0x13: {  	[smem:$0x3FAD] =	sst s0;
	s0 =	simm.s32 @!p1 $0x0  }
0x14: {  	s2 =	sld [smem:$0x3F91];
	s0 =	simm.s32 @p1 $0x1  }
0x15: {  	[smem:$0x3FAE] =	sst s0;
	s0 =	simm.s32 @!p2 $0x0  }
0x16: {  	s3 =	sld [smem:$0x3FDB];
	s0 =	simm.s32 @p2 $0x1  }
0x17: {  	s4 =	simm.s32 $0x1BF5;
	[smem:$0x3FB0] =	sst s0  }
0x18: {  	s0 =	sld [smem:$0x3F93];
	_ =	swait.ge [sflag:s4], $0x0  }
0x19: {  	s7 =	sld [smem:$0x3F94]  }
0x1a: {  	s8 =	sadd.s32 $0xFFFFE003, lr  }
0x1b: {  	s9 =	sadd.s32 $0xFFFFFEF7, lr;
	s5 =	simm.s32 $0xFFFFFFFF;
	p2 =	slt.u32 s8, $0xFFFFF086  }
0x1c: {  	p1 =	slt.u32 s9, $0xF7A;
	s5 =	simm.s32 @!p2 $0x0  }
0x1d: {  	s5 =	simm.s32 @p1 $0x1;
	p0 =	seq.s32 s7, s2  }
0x1e: {  	s7 =	smul.u32 @!p0 $0xF7A, s2;
	p2 =	seq.s32 @!p0 s5, $0x0  }
0x1f: {  	s9 =	smul.u32 $0xF7A, s1;
	s8 =	simm.s32 @!p0 $0x1BF5;
	p2 =	por !p2, p0  }
0x20: {  	[sflag:s8] =	ssyncset.s32 @!p0 $0xFFFFF086;
	s6 =	sadd.s32 @!p0 s3, s7;
	s7 =	simm.s32 @!p0 $0x108  }
0x21: {  	s3 =	sadd.s32 s3, s9;
	s6 =	sadd.s32 @!p0 $0x88, s6;
	s7 =	simm.s32 @p2 $0x1082  }
0x22: {  	[simem:s7], [sflag:s8] =	dma.local @!p0 [hbm:s6], $0xF7A  }
0x23: {  	s9 =	sor.u32 $0xD0000000, s2;
	s6 =	simm.s32 $0x108;
	_ =	swait.ge @!p0 [sflag:s8], $0x0  }
0x24: {  	s3 =	sadd.s32 $0x88, s3;
	s6 =	simm.s32 @!p1 $0x1082;
	[sflag:s4] =	ssyncset.s32 $0xFFFFF086  }
0x25: {  	[simem:s6], [sflag:s4] =	dma.local [hbm:s3], $0xF7A  }
0x26: {  	[smem:$0x3F94] =	sst s1;
	(tag) =	ssettag s2;
	_ =	strace s9  }
0x27: {  	s1 =	sld [smem:$0x3FA4]  }
0x28: {  	s2 =	sld [smem:$0x3FA5]  }
0x29: {  	s4 =	sld [smem:$0x3FA7]  }
0x2a: {  	p0 =	seq.s32 s5, $0x0;
	s5 =	sld [smem:$0x3FA8]  }
0x2b: {  	s6 =	sld [smem:$0x3FA9]  }
0x2c: {  	s7 =	sld [smem:$0x3FAA]  }
0x2d: {  	s3 =	simm.s32 $0x108;
	s8 =	sld [smem:$0x3FAB]  }
0x2e: {  	s3 =	simm.s32 @!p0 $0x1082;
	s9 =	sld [smem:$0x3FAC]  }
0x2f: {  	lr =	sadd.s32 s0, s3;
	s0 =	sld [smem:$0x3FA3]  }
0x30: {  	s3 =	sld [smem:$0x3FA6]  }
0x31: {  	[smem:$0x3FAF] =	sst s10  }
0x32: {  	s10 =	sld [smem:$0x3FAD];
	_ =	sdelay $0x3  }
0x33: {  	p0 =	seq.s32 s10, $0x1;
	s10 =	sld [smem:$0x3FAF];
	_ =	sdelay $0x3  }
0x34: {  	[smem:$0x3FAF] =	sst s10  }
0x35: {  	s10 =	sld [smem:$0x3FAE];
	_ =	sdelay $0x3  }
0x36: {  	p1 =	seq.s32 s10, $0x1;
	s10 =	sld [smem:$0x3FAF];
	_ =	sdelay $0x3  }
0x37: {  	[smem:$0x3FAF] =	sst s10  }
0x38: {  	s10 =	sld [smem:$0x3FB0]  }
0x39: {  	_ = 	snop;
	(pc) =	sbr.ind lr, $3  }
0x3a: {  	_ = 	snop  }
0x3b: {  	_ = 	snop  }
0x3c: {  	p2 =	seq.s32 s10, $0x1;
	s10 =	sld [smem:$0x3FAF]  }
0x3d: {  	_ =	shalt  }
0x3e: {  	_ =	shalt  }
0x3f: {  	_ =	shalt  }
0x40: {  	_ =	shalt  }
0x41: {  	_ =	shalt  }
0x42: {  	_ =	shalt  }
0x43: {  	_ =	shalt  }
0x44: {  	_ =	shalt  }
0x45: {  	_ =	shalt  }
0x46: {  	_ =	shalt  }
0x47: {  	_ =	shalt  }
0x48: {  	_ =	shalt  }
0x49: {  	_ =	shalt  }
0x4a: {  	_ =	shalt  }
0x4b: {  	_ =	shalt  }
0x4c: {  	_ =	shalt  }
0x4d: {  	_ =	shalt  }
0x4e: {  	_ =	shalt  }
0x4f: {  	_ =	shalt  }
0x50: {  	_ =	shalt  }
0x51: {  	_ =	shalt  }
0x52: {  	_ =	shalt  }
0x53: {  	_ =	shalt  }
0x54: {  	_ =	shalt  }
0x55: {  	_ =	shalt  }
0x56: {  	_ =	shalt  }
0x57: {  	_ =	shalt  }
0x58: {  	_ =	shalt  }
0x59: {  	_ =	shalt  }
0x5a: {  	_ =	shalt  }
0x5b: {  	_ =	shalt  }
0x5c: {  	_ =	shalt  }
0x5d: {  	_ =	shalt  }
0x5e: {  	_ =	shalt  }
0x5f: {  	_ =	shalt  }
0x60: {  	_ =	shalt  }
0x61: {  	_ =	shalt  }
0x62: {  	_ =	shalt  }
0x63: {  	_ =	shalt  }
0x64: {  	_ =	shalt  }
0x65: {  	_ =	shalt  }
0x66: {  	_ =	shalt  }
0x67: {  	_ =	shalt  }
0x68: {  	_ =	shalt  }
0x69: {  	_ =	shalt  }
0x6a: {  	_ =	shalt  }
0x6b: {  	_ =	shalt  }
0x6c: {  	_ =	shalt  }
0x6d: {  	_ =	shalt  }
0x6e: {  	_ =	shalt  }
0x6f: {  	_ =	shalt  }
0x70: {  	_ =	shalt  }
0x71: {  	_ =	shalt  }
0x72: {  	_ =	shalt  }
0x73: {  	_ =	shalt  }
0x74: {  	_ =	shalt  }
0x75: {  	_ =	shalt  }
0x76: {  	_ =	shalt  }
0x77: {  	_ =	shalt  }
0x78: {  	_ =	shalt  }
0x79: {  	_ =	shalt  }
0x7a: {  	_ =	shalt  }
0x7b: {  	_ =	shalt  }
0x7c: {  	_ =	shalt  }
0x7d: {  	_ =	shalt  }
0x7e: {  	_ =	shalt  }
0x7f: {  	_ =	shalt  }
0x80: {  	_ =	shalt  }
0x81: {  	_ =	shalt  }
0x82: {  	_ =	shalt  }
0x83: {  	_ =	shalt  }
0x84: {  	_ =	shalt  }
0x85: {  	_ =	shalt  }
0x86: {  	_ =	shalt  }
0x87: {  	_ =	shalt  }
.Lfunc_end0:
.L_simem_size_0:
called_computation.2_lowered:
.L_overlay_start_0:
0x88: {  	s2 =	sld [smem:$0x3FD9]  }
0x89: {  	s3 =	sld [smem:$0x3FFE];
	_ =	sdelay $0x1  }
0x8a: {  	s1 =	srdreg.scid  }
0x8b: {  	s0 =	sand.u32 $0x1, s1  }
0x8c: {  	s17 =	sshll.u32 s0, $0xA;
	s2 =	sadd.s32 s3, s2  }
0x8d: {  	s2 =	sadd.s32 s2, s17  }
0x8e: {  	[smem:$0x3FBB] =	sst s2  }
0x8f: {  	_ = 	snop  }
0x90: {  	s18 =	sld [smem:$0x3FD0];
	(tm) =	ssettm $0x1  }
0x91: {  	s19 =	sld [smem:$0x3FFB];
	_ =	sdelay $0x3  }
0x92: {  	_ =	strace s19  }
0x93: {  	s2 =	sld [smem:$0x3FFC];
	_ =	sdelay $0x3  }
0x94: {  	_ =	strace s2  }
0x95: {  	s2 =	sld [smem:$0x3FFD];
	_ =	sdelay $0x3  }
0x96: {  	_ =	strace s2  }
0x97: {  	_ =	strace $0x8FFFFFFF  }
0x98: {  	s20 =	sld [smem:$0x3FDB];
	_ =	sdelay $0x1  }
0x99: {  	s4 =	simm.s32 $_scs_section_size  }
0x9a: {  	s5 =	simm.s32 $_size__tile_overlayer_lowered;
	s6 =	simm.s32 $_tile_overlayer_lowered  }
0x9b: {  	s7 =	simm.s32 $0x1BFF;
	s21 =	sshll.u32 s6, $0x1;
	s4 =	sadd.s32 s4, s20  }
0x9c: {  	s22 =	simm.s32 $0x0;
	s5 =	sshll.u32 s5, $0x1;
	s6 =	sadd.s32 s21, s4  }
0x9d: {  	[timem:s22], [sflag:s7] =	dma.local [hbm:s6], s5  }
0x9e: {  	_ =	swait.ge [sflag:s7], s5  }
0x9f: {  	s5 =	ssub.s32 $0x0, s5;
	[sflag:s7] =	ssyncset.done $0x0  }
0xa0: {  	[sflag:s7] =	ssyncadd.s32 s5;
	_ =	sdelay $0x1  }
0xa1: {  	s23 =	simm.s32 $0x1B8B  }
0xa2: {  	_ =	swait.ge [sflag:s23], $0x1  }
0xa3: {  	[sflag:s23] =	ssyncset.done $0x0  }
0xa4: {  	[sflag:s23] =	ssyncadd.s32 $0xFFFFFFFF  }
0xa5: {  	s5 =	sld [smem:$0x0]  }
0xa6: {  	s6 =	sand.u32 $0xFFFFFFFE, s1  }
0xa7: {  	p0 =	sne.s32 s1, s6  }
0xa8: {  	s6 =	sshll.u32 @p0 s6, $0xE  }
0xa9: {  	s6 =	sadd.s32 @p0 $0x11B8D, s6;
	s7 =	sshll.u32 @p0 s5, $0x11  }
0xaa: {  	s6 =	sor.u32 @p0 s7, s6  }
0xab: {  	[sflag:s6] =	ssyncadd.remote.s32 @p0 $0x1;
	_ =	sdelay $0x1  }
0xac: {  	s6 =	simm.s32 @p0 $0x1B8D  }
0xad: {  	_ =	swait.eq @p0 [sflag:s6], $0x1  }
0xae: {  	[sflag:s6] =	ssyncadd.s32 @p0 $0xFFFFFFFF  }
0xaf: {  	s7 =	sshll.u32 @!p0 s1, $0xE  }
0xb0: {  	s7 =	sor.u32 @!p0 $0x4000, s7;
	s6 =	simm.s32 @!p0 $0x1B8D  }
0xb1: {  	s5 =	sshll.u32 @!p0 s5, $0x11;
	s7 =	sadd.s32 @!p0 $0x11B8D, s7;
	_ =	swait.eq @!p0 [sflag:s6], $0x1  }
0xb2: {  	s5 =	sor.u32 @!p0 s5, s7;
	[sflag:s6] =	ssyncadd.s32 @!p0 $0xFFFFFFFF  }
0xb3: {  	s25 =	simm.s32 $0x1B8E;
	s24 =	sld [smem:$0x3FFE];
	[sflag:s5] =	ssyncadd.remote.s32 @!p0 $0x1  }
0xb4: {  	s26 =	simm.s32 $execute0_lowered;
	[smem:$0x3FD2] =	sst s25  }
0xb5: {  	s6 =	sshll.u32 s26, $0x1;
	_ =	strace $0x8000004C;
	[dreg:$0x1] =	wrdreg $0xFFFFFFFF  }
0xb6: {  	s28 =	simm.s32 $_size_execute0_lowered;
	s4 =	sadd.s32 s4, s6;
	[dreg:$0x0] =	wrdreg $0x0  }
0xb7: {  	s6 =	sshll.u32 s28, $0x1;
	[dreg:$0x2] =	wrdreg s4  }
0xb8: {  	[dreg:$0x3] =	wrdreg s6  }
0xb9: {  	[dreg:$0x4] =	wrdreg $0xC0  }
0xba: {  	_ =	task [dreg:s22], $0x5FFFF  }
0xbb: {  	[dreg:$0x1] =	wrdreg $0xFFFFFFFF  }
0xbc: {  	[dreg:$0x0] =	wrdreg $0x60  }
0xbd: {  	[dreg:$0x2] =	wrdreg s18  }
0xbe: {  	[dreg:$0x3] =	wrdreg s24  }
0xbf: {  	[dreg:$0x4] =	wrdreg $0xB  }
0xc0: {  	_ =	task.clear_ibuf [dreg:s22], $0x5FFFF;
	_ =	strace $0x9000004C  }
0xc1: {  	s29 =	simm.s32 $0xB;
	_ =	strace $0x8000004E  }
0xc2: {  	_ =	swait.ge [sflag:s29], $0x1  }
0xc3: {  	[sflag:s29] =	ssyncadd.s32 $0xFFFFFFFF  }
0xc4: {  	_ =	strace $0x9000004E  }
0xc5: {  	_ =	sfence  }
0xc6: {  	s30 =	sld [smem:$0x0];
	_ =	sdelay $0x2  }
0xc7: {  	s31 =	sshll.u32 s1, $0xD;
	s1 =	sshrl.u32 s1, $0x2  }
0xc8: {  	s4 =	sand.u32 $0x4000, s31;
	s1 =	sadd.s32 s1, s30  }
0xc9: {  	s0 =	sor.u32 s4, s0;
	s1 =	sshll.u32 s1, $0x11  }
0xca: {  	s0 =	sor.u32 s1, s0  }
0xcb: {  	s0 =	sadd.s32 $0x8F2B, s0  }
0xcc: {  	[sflag:s0] =	ssyncadd.remote.s32 $0x1  }
0xcd: {  	_ =	sfence.sel $0xFFFF  }
0xce: {  	[dreg:$0x0] =	wrdreg $0xFFFFFFFF;
	(pc) =	sbr.abs _section_cstart, $3  }
0xcf: {  	[dreg:$0x1] =	wrdreg $0xFFFFFFFF  }
0xd0: {  	_ =	task.clear_ibuf [dreg:s22], $0x2FFFF;
	_ =	strace $0x9FFFFFFF  }
0xd1: {  	(tm) =	ssettm $0x7FFFFFFF  }
tec
execute0_lowered:
.L_overlay_start_1:
0x0: {  	(tag) =	ssettag $0x1  }
0x1: {  	s0 =	srdreg.scid;
	s10 =	stileid.u32  }
0x2: {  	s0 =	sand.u32 $0x1, s0;
	s4 =	sshll.u32 s10, $0x1  }
0x3: {  	s4 =	sor.u32 s0, s4  }
0x4: {  	s2 =	rddreg [dreg:$0x0];
	s5 =	smul.u32 $0x2710, s4  }
0x5: {  	s1 =	rddreg [dreg:$0x1];
	s3 =	simm.s32 $0x0;
	s6 =	smul.u32 $0x138800, s4  }
0x6: {  	[smem:$0x7FF] =	sst s3;
	s4 =	smul.u32 $0x27100, s4  }
0x7: {  	s7 =	sadd.s32 $0x76E800, s1;
	_ =	strace $0x8000004D;
	s5 =	sshrl.u32 s5, $0x3  }
0x8: {  	s6 =	sshrl.u32 s6, $0x3;
	s24 =	sadd.s32 s7, s4;
	s1 =	sadd.s32 s5, s1  }
0x9: {  	s6 =	sadd.s32 s7, s6;
	[dreg:$0x4] =	wrdreg s24;
	s1 =	sadd.s32 $0x764A00, s1  }
0xa: {  	s25 =	sadd.s32 $0x280, s6;
	[dreg:$0x3] =	wrdreg s1  }
0xb: {  	s8 =	ssub.s32 $0x2, s0;
	s26 =	sadd.s32 $0x500, s6;
	[dreg:$0x5] =	wrdreg s25  }
0xc: {  	s9 =	sshrl.u32 s8, $0x1;
	s4 =	sadd.s32 $0x780, s6;
	[dreg:$0x6] =	wrdreg s26  }
0xd: {  	s5 =	ssub.s32 s8, s9;
	s8 =	sadd.s32 $0xA00, s6;
	[dreg:$0x7] =	wrdreg s4  }
0xe: {  	s9 =	sadd.s32 $0xC80, s6;
	[dreg:$0x8] =	wrdreg s8  }
0xf: {  	s11 =	sadd.s32 $0xF00, s6;
	[dreg:$0x9] =	wrdreg s9  }
0x10: {  	s12 =	sadd.s32 $0x1180, s6;
	[dreg:$0xa] =	wrdreg s11  }
0x11: {  	s13 =	sadd.s32 $0x1400, s6;
	[dreg:$0xb] =	wrdreg s12  }
0x12: {  	s14 =	sadd.s32 $0x1680, s6;
	[dreg:$0xc] =	wrdreg s13  }
0x13: {  	s15 =	sadd.s32 $0x25800, s6;
	[dreg:$0xd] =	wrdreg s14  }
0x14: {  	s16 =	sadd.s32 $0x25A80, s6;
	[dreg:$0xe] =	wrdreg s15  }
0x15: {  	s17 =	sadd.s32 $0x25D00, s6;
	[dreg:$0xf] =	wrdreg s16  }
0x16: {  	s19 =	sadd.s32 $0x25F80, s6;
	[dreg:$0x10] =	wrdreg s17  }
0x17: {  	s29 =	simm.s32 $0x28;
	s20 =	sadd.s32 $0x26200, s6;
	[dreg:$0x11] =	wrdreg s19  }
0x18: {  	s28 =	simm.s32 $0x11;
	s21 =	sadd.s32 $0x26480, s6;
	[dreg:$0x12] =	wrdreg s20  }
0x19: {  	s30 =	simm.s32 $0x13;
	s22 =	sadd.s32 $0x26700, s6;
	[dreg:$0x13] =	wrdreg s21  }
0x1a: {  	s18 =	smul.u32 $0x4E200, s10;
	s23 =	sadd.s32 $0x26980, s6;
	[dreg:$0x14] =	wrdreg s22  }
0x1b: {  	s31 =	simm.s32 $0x14;
	s24 =	sadd.s32 $0x26C00, s6;
	[dreg:$0x15] =	wrdreg s23  }
0x1c: {  	s0 =	smul.u32 $0x27100, s0;
	s1 =	sadd.s32 s18, s7;
	[dreg:$0x16] =	wrdreg s24  }
0x1d: {  	s25 =	sadd.s32 $0x26E80, s6;
	s26 =	smax.u32 s5, $0x1;
	s17 =	simm.s32 $0x6  }
0x1e: {  	s18 =	simm.s32 $0xD;
	s19 =	simm.s32 $0x7;
	s20 =	simm.s32 $0xE  }
0x1f: {  	s21 =	simm.s32 $0x8;
	s22 =	simm.s32 $0xF;
	s23 =	simm.s32 $0x9  }
0x20: {  	s24 =	simm.s32 $0x10;
	s0 =	sadd.s32 s0, s1;
	[dreg:$0x17] =	wrdreg s25  }
0x21: {  	[dreg:$0x18] =	wrdreg s26;
	s25 =	simm.s32 $0xA;
	s0 =	sadd.s32 $0x2F80, s0  }
0x22: {  	s26 =	simm.s32 $0x12;
	s1 =	simm.s32 $0x0;
	[dreg:$0x19] =	wrdreg s0  }
.LBB2_1:
0x23: {  	[dreg:$0x1a] =	wrdreg s1  }
0x24: {  	s0 =	rddreg [dreg:$0x3];
	s13 =	simm.s32 $0x15  }
0x25: {  	[tilespmem:s3], [sflag:$0x15] =	stream.linear.gather [hbm4b:s0+s3], $0x2710, $0x38;
	[tilespmem:$0xEF80] =	vst v63  }
0x26: {  	_ =	swait.ge [sflag:s13], $0x2710  }
0x27: {  	[sflag:s13] =	ssyncset.done $0x0  }
0x28: {  	s9 =	simm.s32 $0x2780;
	[sflag:s13] =	ssyncadd.s32 $0xFFFFD8F0  }
0x29: {  	[tilespmem:s9], [sflag:$0x1] =	stream.indirect.gather [hbm4b:s2+s29], $0x80, s3, s29, $0xb8;
	[tilespmem:$0xEF80] =	vst v63  }
0x2a: {  	s10 =	simm.s32 $0x3B80  }
0x2b: {  	[tilespmem:s10], [sflag:$0x2] =	stream.indirect.gather [hbm4b:s2+s29], $0x80, s29, s29, $0xb8;
	[tilespmem:$0xEF80] =	vst v63  }
0x2c: {  	s14 =	simm.s32 $0x50;
	s13 =	simm.s32 $0x4F80  }
0x2d: {  	[tilespmem:s13], [sflag:$0x3] =	stream.indirect.gather [hbm4b:s2+s29], $0x80, s14, s29, $0xb8;
	[tilespmem:$0xEF80] =	vst v63  }
0x2e: {  	s15 =	simm.s32 $0x78;
	s16 =	simm.s32 $0x6380  }
0x2f: {  	[tilespmem:s16], [sflag:$0x4] =	stream.indirect.gather [hbm4b:s2+s29], $0x80, s15, s29, $0xb8;
	[tilespmem:$0xEF80] =	vst v63  }
0x30: {  	s4 =	simm.s32 $0xA0;
	s6 =	simm.s32 $0x7780  }
0x31: {  	[tilespmem:s6], [sflag:$0x5] =	stream.indirect.gather [hbm4b:s2+s29], $0x80, s4, s29, $0xb8;
	[tilespmem:$0xEF80] =	vst v63  }
0x32: {  	s7 =	simm.s32 $0xC8;
	s8 =	simm.s32 $0x8B80  }
0x33: {  	[tilespmem:s8], [sflag:$0x6] =	stream.indirect.gather [hbm4b:s2+s29], $0x80, s7, s29, $0xb8;
	[tilespmem:$0xEF80] =	vst v63  }
0x34: {  	s11 =	simm.s32 $0xF0;
	s12 =	simm.s32 $0x9F80;
	s1 =	simm.s32 $0x1  }
0x35: {  	[tilespmem:s12], [sflag:$0x7] =	stream.indirect.gather [hbm4b:s2+s29], $0x80, s11, s29, $0xb8;
	[tilespmem:$0xEF80] =	vst v63  }
0x36: {  	_ =	swait.ge [sflag:s1], $0x1400  }
0x37: {  	[sflag:s1] =	ssyncset.done $0x0  }
0x38: {  	s14 =	rddreg [dreg:$0x4];
	[sflag:s1] =	ssyncadd.s32 $0xFFFFEC00  }
0x39: {  	[hbm4b:s14+s3] =	stream.linear.scatter [tilespmem:s9], [sflag:$0xB], $0x1400, $0x38;
	[tilespmem:$0xEF80] =	vst v63  }
0x3a: {  	s15 =	simm.s32 $0x118;
	s4 =	simm.s32 $0xB380;
	s12 =	simm.s32 $0x2  }
0x3b: {  	[tilespmem:s4], [sflag:$0x8] =	stream.indirect.gather [hbm4b:s2+s29], $0x80, s15, s29, $0xb8;
	[tilespmem:$0xEF80] =	vst v63  }
0x3c: {  	_ =	swait.ge [sflag:s12], $0x1400  }
0x3d: {  	[sflag:s12] =	ssyncset.done $0x0  }
0x3e: {  	s16 =	rddreg [dreg:$0x5];
	[sflag:s12] =	ssyncadd.s32 $0xFFFFEC00  }
0x3f: {  	[hbm4b:s16+s3] =	stream.linear.scatter [tilespmem:s10], [sflag:$0xC], $0x1400, $0x38;
	[tilespmem:$0xEF80] =	vst v63  }
0x40: {  	s8 =	simm.s32 $0xC780;
	s14 =	simm.s32 $0x3;
	s4 =	simm.s32 $0x140  }
0x41: {  	[tilespmem:s8], [sflag:$0x9] =	stream.indirect.gather [hbm4b:s2+s29], $0x80, s4, s29, $0xb8;
	[tilespmem:$0xEF80] =	vst v63  }
0x42: {  	_ =	swait.ge [sflag:s14], $0x1400  }
0x43: {  	[sflag:s14] =	ssyncset.done $0x0  }
0x44: {  	s11 =	rddreg [dreg:$0x6];
	[sflag:s14] =	ssyncadd.s32 $0xFFFFEC00  }
0x45: {  	[hbm4b:s11+s3] =	stream.linear.scatter [tilespmem:s13], [sflag:$0xD], $0x1400, $0x38;
	[tilespmem:$0xEF80] =	vst v63  }
0x46: {  	s15 =	simm.s32 $0x168;
	s16 =	simm.s32 $0xDB80  }
0x47: {  	[tilespmem:s16], [sflag:$0xA] =	stream.indirect.gather [hbm4b:s2+s29], $0x80, s15, s29, $0xb8;
	[tilespmem:$0xEF80] =	vst v63  }
0x48: {  	s16 =	simm.s32 $0x4  }
0x49: {  	_ =	swait.ge [sflag:s16], $0x1400  }
0x4a: {  	[sflag:s16] =	ssyncset.done $0x0  }
0x4b: {  	s5 =	simm.s32 $0x6380;
	s4 =	rddreg [dreg:$0x7];
	[sflag:s16] =	ssyncadd.s32 $0xFFFFEC00  }
0x4c: {  	[hbm4b:s4+s3] =	stream.linear.scatter [tilespmem:s5], [sflag:$0xE], $0x1400, $0x38;
	[tilespmem:$0xEF80] =	vst v63  }
0x4d: {  	s4 =	simm.s32 $0xB  }
0x4e: {  	_ =	swait.ge [sflag:s4], $0x1400  }
0x4f: {  	[sflag:s4] =	ssyncset.done $0x0  }
0x50: {  	s5 =	simm.s32 $0x190;
	[sflag:s4] =	ssyncadd.s32 $0xFFFFEC00  }
0x51: {  	[tilespmem:s9], [sflag:$0x1] =	stream.indirect.gather [hbm4b:s2+s29], $0x80, s5, s29, $0xb8;
	[tilespmem:$0xEF80] =	vst v63  }
0x52: {  	s5 =	simm.s32 $0x5  }
0x53: {  	_ =	swait.ge [sflag:s5], $0x1400  }
0x54: {  	[sflag:s5] =	ssyncset.done $0x0  }
0x55: {  	s6 =	simm.s32 $0x7780;
	s8 =	rddreg [dreg:$0x8];
	[sflag:s5] =	ssyncadd.s32 $0xFFFFEC00  }
0x56: {  	[hbm4b:s8+s3] =	stream.linear.scatter [tilespmem:s6], [sflag:$0xF], $0x1400, $0x38;
	[tilespmem:$0xEF80] =	vst v63  }
0x57: {  	s6 =	simm.s32 $0xC  }
0x58: {  	_ =	swait.ge [sflag:s6], $0x1400  }
0x59: {  	[sflag:s6] =	ssyncset.done $0x0  }
0x5a: {  	s11 =	simm.s32 $0x1B8;
	[sflag:s6] =	ssyncadd.s32 $0xFFFFEC00  }
0x5b: {  	[tilespmem:s10], [sflag:$0x2] =	stream.indirect.gather [hbm4b:s2+s29], $0x80, s11, s29, $0xb8;
	[tilespmem:$0xEF80] =	vst v63  }
0x5c: {  	_ =	swait.ge [sflag:s17], $0x1400  }
0x5d: {  	[sflag:s17] =	ssyncset.done $0x0  }
0x5e: {  	s7 =	simm.s32 $0x8B80;
	s11 =	rddreg [dreg:$0x9];
	[sflag:s17] =	ssyncadd.s32 $0xFFFFEC00  }
0x5f: {  	[hbm4b:s11+s3] =	stream.linear.scatter [tilespmem:s7], [sflag:$0x10], $0x1400, $0x38;
	[tilespmem:$0xEF80] =	vst v63  }
0x60: {  	_ =	swait.ge [sflag:s18], $0x1400  }
0x61: {  	[sflag:s18] =	ssyncset.done $0x0  }
0x62: {  	s7 =	simm.s32 $0x1E0;
	[sflag:s18] =	ssyncadd.s32 $0xFFFFEC00  }
0x63: {  	[tilespmem:s13], [sflag:$0x3] =	stream.indirect.gather [hbm4b:s2+s29], $0x80, s7, s29, $0xb8;
	[tilespmem:$0xEF80] =	vst v63  }
0x64: {  	_ =	swait.ge [sflag:s19], $0x1400  }
0x65: {  	[sflag:s19] =	ssyncset.done $0x0  }
0x66: {  	s7 =	simm.s32 $0x9F80;
	s0 =	rddreg [dreg:$0xa];
	[sflag:s19] =	ssyncadd.s32 $0xFFFFEC00  }
0x67: {  	[hbm4b:s0+s3] =	stream.linear.scatter [tilespmem:s7], [sflag:$0x11], $0x1400, $0x38;
	[tilespmem:$0xEF80] =	vst v63  }
0x68: {  	_ =	swait.ge [sflag:s20], $0x1400  }
0x69: {  	[sflag:s20] =	ssyncset.done $0x0  }
0x6a: {  	s15 =	simm.s32 $0x6380;
	s0 =	simm.s32 $0x208;
	[sflag:s20] =	ssyncadd.s32 $0xFFFFEC00  }
0x6b: {  	[tilespmem:s15], [sflag:$0x4] =	stream.indirect.gather [hbm4b:s2+s29], $0x80, s0, s29, $0xb8;
	[tilespmem:$0xEF80] =	vst v63  }
0x6c: {  	_ =	swait.ge [sflag:s21], $0x1400  }
0x6d: {  	[sflag:s21] =	ssyncset.done $0x0  }
0x6e: {  	s15 =	simm.s32 $0xB380;
	s0 =	rddreg [dreg:$0xb];
	[sflag:s21] =	ssyncadd.s32 $0xFFFFEC00  }
0x6f: {  	[hbm4b:s0+s3] =	stream.linear.scatter [tilespmem:s15], [sflag:$0x12], $0x1400, $0x38;
	[tilespmem:$0xEF80] =	vst v63  }
0x70: {  	_ =	swait.ge [sflag:s22], $0x1400  }
0x71: {  	[sflag:s22] =	ssyncset.done $0x0  }
0x72: {  	s8 =	simm.s32 $0x7780;
	s0 =	simm.s32 $0x230;
	[sflag:s22] =	ssyncadd.s32 $0xFFFFEC00  }
0x73: {  	[tilespmem:s8], [sflag:$0x5] =	stream.indirect.gather [hbm4b:s2+s29], $0x80, s0, s29, $0xb8;
	[tilespmem:$0xEF80] =	vst v63  }
0x74: {  	_ =	swait.ge [sflag:s23], $0x1400  }
0x75: {  	[sflag:s23] =	ssyncset.done $0x0  }
0x76: {  	s8 =	simm.s32 $0xC780;
	s0 =	rddreg [dreg:$0xc];
	[sflag:s23] =	ssyncadd.s32 $0xFFFFEC00  }
0x77: {  	[hbm4b:s0+s3] =	stream.linear.scatter [tilespmem:s8], [sflag:$0x13], $0x1400, $0x38;
	[tilespmem:$0xEF80] =	vst v63  }
0x78: {  	_ =	swait.ge [sflag:s24], $0x1400  }
0x79: {  	[sflag:s24] =	ssyncset.done $0x0  }
0x7a: {  	s11 =	simm.s32 $0x8B80;
	s0 =	simm.s32 $0x258;
	[sflag:s24] =	ssyncadd.s32 $0xFFFFEC00  }
0x7b: {  	[tilespmem:s11], [sflag:$0x6] =	stream.indirect.gather [hbm4b:s2+s29], $0x80, s0, s29, $0xb8;
	[tilespmem:$0xEF80] =	vst v63  }
0x7c: {  	_ =	swait.ge [sflag:s25], $0x1400  }
0x7d: {  	[sflag:s25] =	ssyncset.done $0x0  }
0x7e: {  	s11 =	simm.s32 $0xDB80;
	s0 =	rddreg [dreg:$0xd];
	[sflag:s25] =	ssyncadd.s32 $0xFFFFEC00  }
0x7f: {  	[hbm4b:s0+s3] =	stream.linear.scatter [tilespmem:s11], [sflag:$0x14], $0x1400, $0x38;
	[tilespmem:$0xEF80] =	vst v63  }
0x80: {  	_ =	swait.ge [sflag:s28], $0x1400  }
0x81: {  	[sflag:s28] =	ssyncset.done $0x0  }
0x82: {  	s0 =	simm.s32 $0x280;
	[sflag:s28] =	ssyncadd.s32 $0xFFFFEC00  }
0x83: {  	[tilespmem:s7], [sflag:$0x7] =	stream.indirect.gather [hbm4b:s2+s29], $0x80, s0, s29, $0xb8;
	[tilespmem:$0xEF80] =	vst v63  }
0x84: {  	_ =	swait.ge [sflag:s1], $0x1400  }
0x85: {  	[sflag:s1] =	ssyncset.done $0x0  }
0x86: {  	[sflag:s1] =	ssyncadd.s32 $0xFFFFEC00;
	s1 =	rddreg [dreg:$0x19]  }
0x87: {  	s7 =	sadd.s32 $0xFFFFE980, s1  }
0x88: {  	[hbm4b:s7+s3] =	stream.linear.scatter [tilespmem:s9], [sflag:$0xB], $0x1400, $0x38;
	[tilespmem:$0xEF80] =	vst v63  }
0x89: {  	_ =	swait.ge [sflag:s26], $0x1400  }
0x8a: {  	[sflag:s26] =	ssyncset.done $0x0  }
0x8b: {  	s15 =	simm.s32 $0xB380;
	s7 =	simm.s32 $0x2A8;
	[sflag:s26] =	ssyncadd.s32 $0xFFFFEC00  }
0x8c: {  	[tilespmem:s15], [sflag:$0x8] =	stream.indirect.gather [hbm4b:s2+s29], $0x80, s7, s29, $0xb8;
	[tilespmem:$0xEF80] =	vst v63  }
0x8d: {  	_ =	swait.ge [sflag:s12], $0x1400  }
0x8e: {  	[sflag:s12] =	ssyncset.done $0x0  }
0x8f: {  	[sflag:s12] =	ssyncadd.s32 $0xFFFFEC00;
	s12 =	sadd.s32 $0xFFFFEC00, s1  }
0x90: {  	[hbm4b:s12+s3] =	stream.linear.scatter [tilespmem:s10], [sflag:$0xC], $0x1400, $0x38;
	[tilespmem:$0xEF80] =	vst v63  }
0x91: {  	_ =	swait.ge [sflag:s30], $0x1400  }
0x92: {  	[sflag:s30] =	ssyncset.done $0x0  }
0x93: {  	s15 =	simm.s32 $0x2D0;
	[sflag:s30] =	ssyncadd.s32 $0xFFFFEC00  }
0x94: {  	[tilespmem:s8], [sflag:$0x9] =	stream.indirect.gather [hbm4b:s2+s29], $0x80, s15, s29, $0xb8;
	[tilespmem:$0xEF80] =	vst v63  }
0x95: {  	_ =	swait.ge [sflag:s14], $0x1400  }
0x96: {  	[sflag:s14] =	ssyncset.done $0x0  }
0x97: {  	s8 =	sadd.s32 $0xFFFFEE80, s1;
	[sflag:s14] =	ssyncadd.s32 $0xFFFFEC00  }
0x98: {  	[hbm4b:s8+s3] =	stream.linear.scatter [tilespmem:s13], [sflag:$0xD], $0x1400, $0x38;
	[tilespmem:$0xEF80] =	vst v63  }
0x99: {  	_ =	swait.ge [sflag:s31], $0x1400  }
0x9a: {  	[sflag:s31] =	ssyncset.done $0x0  }
0x9b: {  	s11 =	simm.s32 $0xDB80;
	s14 =	simm.s32 $0x2F8;
	[sflag:s31] =	ssyncadd.s32 $0xFFFFEC00  }
0x9c: {  	[tilespmem:s11], [sflag:$0xA] =	stream.indirect.gather [hbm4b:s2+s29], $0x80, s14, s29, $0xb8;
	[tilespmem:$0xEF80] =	vst v63  }
0x9d: {  	_ =	swait.ge [sflag:s16], $0x1400  }
0x9e: {  	[sflag:s16] =	ssyncset.done $0x0  }
0x9f: {  	s15 =	sadd.s32 $0xFFFFF100, s1;
	[sflag:s16] =	ssyncadd.s32 $0xFFFFEC00;
	s16 =	simm.s32 $0x6380  }
0xa0: {  	[hbm4b:s15+s3] =	stream.linear.scatter [tilespmem:s16], [sflag:$0xE], $0x1400, $0x38;
	[tilespmem:$0xEF80] =	vst v63  }
0xa1: {  	_ =	swait.ge [sflag:s4], $0x1400  }
0xa2: {  	[sflag:s4] =	ssyncset.done $0x0  }
0xa3: {  	[sflag:s4] =	ssyncadd.s32 $0xFFFFEC00;
	s4 =	simm.s32 $0x320  }
0xa4: {  	[tilespmem:s9], [sflag:$0x1] =	stream.indirect.gather [hbm4b:s2+s29], $0x80, s4, s29, $0xb8;
	[tilespmem:$0xEF80] =	vst v63  }
0xa5: {  	_ =	swait.ge [sflag:s5], $0x1400  }
0xa6: {  	[sflag:s5] =	ssyncset.done $0x0  }
0xa7: {  	s9 =	simm.s32 $0x7780;
	[sflag:s5] =	ssyncadd.s32 $0xFFFFEC00;
	s5 =	sadd.s32 $0xFFFFF380, s1  }
0xa8: {  	[hbm4b:s5+s3] =	stream.linear.scatter [tilespmem:s9], [sflag:$0xF], $0x1400, $0x38;
	[tilespmem:$0xEF80] =	vst v63  }
0xa9: {  	_ =	swait.ge [sflag:s6], $0x1400  }
0xaa: {  	[sflag:s6] =	ssyncset.done $0x0  }
0xab: {  	s14 =	simm.s32 $0x348;
	[sflag:s6] =	ssyncadd.s32 $0xFFFFEC00  }
0xac: {  	[tilespmem:s10], [sflag:$0x2] =	stream.indirect.gather [hbm4b:s2+s29], $0x80, s14, s29, $0xb8;
	[tilespmem:$0xEF80] =	vst v63  }
0xad: {  	_ =	swait.ge [sflag:s17], $0x1400  }
0xae: {  	[sflag:s17] =	ssyncset.done $0x0  }
0xaf: {  	s15 =	sadd.s32 $0xFFFFF600, s1;
	s4 =	simm.s32 $0x8B80;
	[sflag:s17] =	ssyncadd.s32 $0xFFFFEC00  }
0xb0: {  	[hbm4b:s15+s3] =	stream.linear.scatter [tilespmem:s4], [sflag:$0x10], $0x1400, $0x38;
	[tilespmem:$0xEF80] =	vst v63  }
0xb1: {  	_ =	swait.ge [sflag:s18], $0x1400  }
0xb2: {  	[sflag:s18] =	ssyncset.done $0x0  }
0xb3: {  	s16 =	simm.s32 $0x370;
	[sflag:s18] =	ssyncadd.s32 $0xFFFFEC00  }
0xb4: {  	[tilespmem:s13], [sflag:$0x3] =	stream.indirect.gather [hbm4b:s2+s29], $0x80, s16, s29, $0xb8;
	[tilespmem:$0xEF80] =	vst v63  }
0xb5: {  	_ =	swait.ge [sflag:s19], $0x1400  }
0xb6: {  	[sflag:s19] =	ssyncset.done $0x0  }
0xb7: {  	s9 =	simm.s32 $0x9F80;
	s6 =	sadd.s32 $0xFFFFF880, s1;
	[sflag:s19] =	ssyncadd.s32 $0xFFFFEC00  }
0xb8: {  	[hbm4b:s6+s3] =	stream.linear.scatter [tilespmem:s9], [sflag:$0x11], $0x1400, $0x38;
	[tilespmem:$0xEF80] =	vst v63  }
0xb9: {  	_ =	swait.ge [sflag:s20], $0x1400  }
0xba: {  	[sflag:s20] =	ssyncset.done $0x0  }
0xbb: {  	s8 =	simm.s32 $0x6380;
	s10 =	simm.s32 $0x398;
	[sflag:s20] =	ssyncadd.s32 $0xFFFFEC00  }
0xbc: {  	[tilespmem:s8], [sflag:$0x4] =	stream.indirect.gather [hbm4b:s2+s29], $0x80, s10, s29, $0xb8;
	[tilespmem:$0xEF80] =	vst v63  }
0xbd: {  	_ =	swait.ge [sflag:s21], $0x1400  }
0xbe: {  	[sflag:s21] =	ssyncset.done $0x0  }
0xbf: {  	s7 =	simm.s32 $0xB380;
	s13 =	sadd.s32 $0xFFFFFB00, s1;
	[sflag:s21] =	ssyncadd.s32 $0xFFFFEC00  }
0xc0: {  	[hbm4b:s13+s3] =	stream.linear.scatter [tilespmem:s7], [sflag:$0x12], $0x1400, $0x38;
	[tilespmem:$0xEF80] =	vst v63  }
0xc1: {  	_ =	swait.ge [sflag:s22], $0x1400  }
0xc2: {  	[sflag:s22] =	ssyncset.done $0x0  }
0xc3: {  	s5 =	simm.s32 $0x7780;
	s14 =	simm.s32 $0x3C0;
	[sflag:s22] =	ssyncadd.s32 $0xFFFFEC00  }
0xc4: {  	[tilespmem:s5], [sflag:$0x5] =	stream.indirect.gather [hbm4b:s2+s29], $0x80, s14, s29, $0xb8;
	[tilespmem:$0xEF80] =	vst v63  }
0xc5: {  	_ =	swait.ge [sflag:s23], $0x1400  }
0xc6: {  	[sflag:s23] =	ssyncset.done $0x0  }
0xc7: {  	s12 =	simm.s32 $0xC780;
	s15 =	sadd.s32 $0xFFFFFD80, s1;
	[sflag:s23] =	ssyncadd.s32 $0xFFFFEC00  }
0xc8: {  	[hbm4b:s15+s3] =	stream.linear.scatter [tilespmem:s12], [sflag:$0x13], $0x1400, $0x38;
	[tilespmem:$0xEF80] =	vst v63  }
0xc9: {  	_ =	swait.ge [sflag:s24], $0x1400  }
0xca: {  	[sflag:s24] =	ssyncset.done $0x0  }
0xcb: {  	s16 =	simm.s32 $0x3E8;
	[sflag:s24] =	ssyncadd.s32 $0xFFFFEC00  }
0xcc: {  	[tilespmem:s4], [sflag:$0x6] =	stream.indirect.gather [hbm4b:s2+s29], $0x80, s16, s29, $0xb8;
	[tilespmem:$0xEF80] =	vst v63  }
0xcd: {  	_ =	swait.ge [sflag:s25], $0x1400  }
0xce: {  	[sflag:s25] =	ssyncset.done $0x0  }
0xcf: {  	[sflag:s25] =	ssyncadd.s32 $0xFFFFEC00  }
0xd0: {  	[hbm4b:s1+s3] =	stream.linear.scatter [tilespmem:s11], [sflag:$0x14], $0x1400, $0x38;
	[tilespmem:$0xEF80] =	vst v63  }
0xd1: {  	_ =	swait.ge [sflag:s28], $0x1400  }
0xd2: {  	s0 =	simm.s32 $0x640;
	[sflag:s28] =	ssyncset.done $0x0  }
0xd3: {  	s4 =	simm.s32 $0x410;
	s1 =	sadd.s32 $0x1900, s1;
	[sflag:s28] =	ssyncadd.s32 $0xFFFFEC00  }
.LBB2_2:
0xd4: {  	s13 =	simm.s32 $0x9F80  }
0xd5: {  	[tilespmem:s13], [sflag:$0x7] =	stream.indirect.gather [hbm4b:s2+s29], $0x80, s4, s29, $0xb8;
	[tilespmem:$0xEF80] =	vst v63  }
0xd6: {  	s5 =	simm.s32 $0x1;
	s4 =	smov.u32 s0  }
0xd7: {  	p0 =	sne.s32 s0, $0x8980;
	s0 =	sadd.s32 $0x640, s0;
	_ =	swait.ge [sflag:s5], $0x1400  }
0xd8: {  	[sflag:s5] =	ssyncset.done $0x0  }
0xd9: {  	s8 =	simm.s32 $0x2780;
	[sflag:s5] =	ssyncadd.s32 $0xFFFFEC00;
	s5 =	sadd.s32 $0xFFFFE980, s1  }
0xda: {  	[hbm4b:s5+s3] =	stream.linear.scatter [tilespmem:s8], [sflag:$0xB], $0x1400, $0x38;
	[tilespmem:$0xEF80] =	vst v63  }
0xdb: {  	_ =	swait.ge [sflag:s26], $0x1400  }
0xdc: {  	s4 =	sshra.s32 s4, $0x2;
	[sflag:s26] =	ssyncset.done $0x0  }
0xdd: {  	s14 =	simm.s32 $0xB380;
	s5 =	sadd.s32 $0x2A8, s4;
	[sflag:s26] =	ssyncadd.s32 $0xFFFFEC00  }
0xde: {  	[tilespmem:s14], [sflag:$0x8] =	stream.indirect.gather [hbm4b:s2+s29], $0x80, s5, s29, $0xb8;
	[tilespmem:$0xEF80] =	vst v63  }
0xdf: {  	s5 =	simm.s32 $0x2  }
0xe0: {  	_ =	swait.ge [sflag:s5], $0x1400  }
0xe1: {  	[sflag:s5] =	ssyncset.done $0x0  }
0xe2: {  	s10 =	simm.s32 $0x3B80;
	[sflag:s5] =	ssyncadd.s32 $0xFFFFEC00;
	s5 =	sadd.s32 $0xFFFFEC00, s1  }
0xe3: {  	[hbm4b:s5+s3] =	stream.linear.scatter [tilespmem:s10], [sflag:$0xC], $0x1400, $0x38;
	[tilespmem:$0xEF80] =	vst v63  }
0xe4: {  	_ =	swait.ge [sflag:s30], $0x1400  }
0xe5: {  	[sflag:s30] =	ssyncset.done $0x0  }
0xe6: {  	s15 =	simm.s32 $0xC780;
	s5 =	sadd.s32 $0x2D0, s4;
	[sflag:s30] =	ssyncadd.s32 $0xFFFFEC00  }
0xe7: {  	[tilespmem:s15], [sflag:$0x9] =	stream.indirect.gather [hbm4b:s2+s29], $0x80, s5, s29, $0xb8;
	[tilespmem:$0xEF80] =	vst v63  }
0xe8: {  	s5 =	simm.s32 $0x3  }
0xe9: {  	_ =	swait.ge [sflag:s5], $0x1400  }
0xea: {  	[sflag:s5] =	ssyncset.done $0x0  }
0xeb: {  	s12 =	simm.s32 $0x4F80;
	[sflag:s5] =	ssyncadd.s32 $0xFFFFEC00;
	s5 =	sadd.s32 $0xFFFFEE80, s1  }
0xec: {  	[hbm4b:s5+s3] =	stream.linear.scatter [tilespmem:s12], [sflag:$0xD], $0x1400, $0x38;
	[tilespmem:$0xEF80] =	vst v63  }
0xed: {  	_ =	swait.ge [sflag:s31], $0x1400  }
0xee: {  	[sflag:s31] =	ssyncset.done $0x0  }
0xef: {  	s16 =	simm.s32 $0xDB80;
	s5 =	sadd.s32 $0x2F8, s4;
	[sflag:s31] =	ssyncadd.s32 $0xFFFFEC00  }
0xf0: {  	[tilespmem:s16], [sflag:$0xA] =	stream.indirect.gather [hbm4b:s2+s29], $0x80, s5, s29, $0xb8;
	[tilespmem:$0xEF80] =	vst v63  }
0xf1: {  	s5 =	simm.s32 $0x4  }
0xf2: {  	_ =	swait.ge [sflag:s5], $0x1400  }
0xf3: {  	[sflag:s5] =	ssyncset.done $0x0  }
0xf4: {  	s7 =	simm.s32 $0x6380;
	[sflag:s5] =	ssyncadd.s32 $0xFFFFEC00;
	s5 =	sadd.s32 $0xFFFFF100, s1  }
0xf5: {  	[hbm4b:s5+s3] =	stream.linear.scatter [tilespmem:s7], [sflag:$0xE], $0x1400, $0x38;
	[tilespmem:$0xEF80] =	vst v63  }
0xf6: {  	s5 =	simm.s32 $0xB  }
0xf7: {  	_ =	swait.ge [sflag:s5], $0x1400  }
0xf8: {  	[sflag:s5] =	ssyncset.done $0x0  }
0xf9: {  	[sflag:s5] =	ssyncadd.s32 $0xFFFFEC00;
	s5 =	sadd.s32 $0x320, s4  }
0xfa: {  	[tilespmem:s8], [sflag:$0x1] =	stream.indirect.gather [hbm4b:s2+s29], $0x80, s5, s29, $0xb8;
	[tilespmem:$0xEF80] =	vst v63  }
0xfb: {  	s6 =	simm.s32 $0x2780;
	s5 =	simm.s32 $0x5  }
0xfc: {  	_ =	swait.ge [sflag:s5], $0x1400  }
0xfd: {  	[sflag:s5] =	ssyncset.done $0x0  }
0xfe: {  	s9 =	simm.s32 $0x7780;
	[sflag:s5] =	ssyncadd.s32 $0xFFFFEC00;
	s5 =	sadd.s32 $0xFFFFF380, s1  }
0xff: {  	[hbm4b:s5+s3] =	stream.linear.scatter [tilespmem:s9], [sflag:$0xF], $0x1400, $0x38;
	[tilespmem:$0xEF80] =	vst v63  }
0x100: {  	s5 =	simm.s32 $0xC  }
0x101: {  	_ =	swait.ge [sflag:s5], $0x1400  }
0x102: {  	[sflag:s5] =	ssyncset.done $0x0  }
0x103: {  	s8 =	simm.s32 $0x3B80;
	[sflag:s5] =	ssyncadd.s32 $0xFFFFEC00;
	s5 =	sadd.s32 $0x348, s4  }
0x104: {  	[tilespmem:s10], [sflag:$0x2] =	stream.indirect.gather [hbm4b:s2+s29], $0x80, s5, s29, $0xb8;
	[tilespmem:$0xEF80] =	vst v63  }
0x105: {  	_ =	swait.ge [sflag:s17], $0x1400  }
0x106: {  	[sflag:s17] =	ssyncset.done $0x0  }
0x107: {  	s11 =	simm.s32 $0x8B80;
	s5 =	sadd.s32 $0xFFFFF600, s1;
	[sflag:s17] =	ssyncadd.s32 $0xFFFFEC00  }
0x108: {  	[hbm4b:s5+s3] =	stream.linear.scatter [tilespmem:s11], [sflag:$0x10], $0x1400, $0x38;
	[tilespmem:$0xEF80] =	vst v63  }
0x109: {  	_ =	swait.ge [sflag:s18], $0x1400  }
0x10a: {  	[sflag:s18] =	ssyncset.done $0x0  }
0x10b: {  	s10 =	simm.s32 $0x4F80;
	s5 =	sadd.s32 $0x370, s4;
	[sflag:s18] =	ssyncadd.s32 $0xFFFFEC00  }
0x10c: {  	[tilespmem:s12], [sflag:$0x3] =	stream.indirect.gather [hbm4b:s2+s29], $0x80, s5, s29, $0xb8;
	[tilespmem:$0xEF80] =	vst v63  }
0x10d: {  	_ =	swait.ge [sflag:s19], $0x1400  }
0x10e: {  	[sflag:s19] =	ssyncset.done $0x0  }
0x10f: {  	s5 =	sadd.s32 $0xFFFFF880, s1;
	[sflag:s19] =	ssyncadd.s32 $0xFFFFEC00  }
0x110: {  	[hbm4b:s5+s3] =	stream.linear.scatter [tilespmem:s13], [sflag:$0x11], $0x1400, $0x38;
	[tilespmem:$0xEF80] =	vst v63  }
0x111: {  	_ =	swait.ge [sflag:s20], $0x1400  }
0x112: {  	[sflag:s20] =	ssyncset.done $0x0  }
0x113: {  	s12 =	simm.s32 $0x6380;
	s5 =	sadd.s32 $0x398, s4;
	[sflag:s20] =	ssyncadd.s32 $0xFFFFEC00  }
0x114: {  	[tilespmem:s7], [sflag:$0x4] =	stream.indirect.gather [hbm4b:s2+s29], $0x80, s5, s29, $0xb8;
	[tilespmem:$0xEF80] =	vst v63  }
0x115: {  	_ =	swait.ge [sflag:s21], $0x1400  }
0x116: {  	[sflag:s21] =	ssyncset.done $0x0  }
0x117: {  	s5 =	sadd.s32 $0xFFFFFB00, s1;
	[sflag:s21] =	ssyncadd.s32 $0xFFFFEC00  }
0x118: {  	[hbm4b:s5+s3] =	stream.linear.scatter [tilespmem:s14], [sflag:$0x12], $0x1400, $0x38;
	[tilespmem:$0xEF80] =	vst v63  }
0x119: {  	_ =	swait.ge [sflag:s22], $0x1400  }
0x11a: {  	[sflag:s22] =	ssyncset.done $0x0  }
0x11b: {  	s7 =	simm.s32 $0x7780;
	s5 =	sadd.s32 $0x3C0, s4;
	[sflag:s22] =	ssyncadd.s32 $0xFFFFEC00  }
0x11c: {  	[tilespmem:s9], [sflag:$0x5] =	stream.indirect.gather [hbm4b:s2+s29], $0x80, s5, s29, $0xb8;
	[tilespmem:$0xEF80] =	vst v63  }
0x11d: {  	_ =	swait.ge [sflag:s23], $0x1400  }
0x11e: {  	[sflag:s23] =	ssyncset.done $0x0  }
0x11f: {  	s5 =	sadd.s32 $0xFFFFFD80, s1;
	[sflag:s23] =	ssyncadd.s32 $0xFFFFEC00  }
0x120: {  	[hbm4b:s5+s3] =	stream.linear.scatter [tilespmem:s15], [sflag:$0x13], $0x1400, $0x38;
	[tilespmem:$0xEF80] =	vst v63  }
0x121: {  	_ =	swait.ge [sflag:s24], $0x1400  }
0x122: {  	[sflag:s24] =	ssyncset.done $0x0  }
0x123: {  	s9 =	simm.s32 $0x8B80;
	s5 =	sadd.s32 $0x3E8, s4;
	[sflag:s24] =	ssyncadd.s32 $0xFFFFEC00  }
0x124: {  	[tilespmem:s11], [sflag:$0x6] =	stream.indirect.gather [hbm4b:s2+s29], $0x80, s5, s29, $0xb8;
	[tilespmem:$0xEF80] =	vst v63  }
0x125: {  	_ =	swait.ge [sflag:s25], $0x1400  }
0x126: {  	[sflag:s25] =	ssyncset.done $0x0  }
.Ltmp0:
0x127: {  	[sflag:s25] =	ssyncadd.s32 $0xFFFFEC00;
	(pc) =	sbr.rel @p0 .LBB2_2-.Ltmp0, $4  }
0x128: {  	[hbm4b:s1+s3] =	stream.linear.scatter [tilespmem:s16], [sflag:$0x14], $0x1400, $0x38;
	[tilespmem:$0xEF80] =	vst v63  }
0x129: {  	_ =	swait.ge [sflag:s28], $0x1400  }
0x12a: {  	[sflag:s28] =	ssyncset.done $0x0  }
0x12b: {  	s4 =	sadd.s32 $0x410, s4;
	s1 =	sadd.s32 $0x1900, s1;
	[sflag:s28] =	ssyncadd.s32 $0xFFFFEC00  }
0x12c: {  	s1 =	simm.s32 $0x9F80;
	s0 =	simm.s32 $0x1  }
0x12d: {  	[tilespmem:s1], [sflag:$0x7] =	stream.indirect.gather [hbm4b:s2+s29], $0x80, s4, s29, $0xb8;
	[tilespmem:$0xEF80] =	vst v63  }
0x12e: {  	_ =	swait.ge [sflag:s0], $0x1400  }
0x12f: {  	[sflag:s0] =	ssyncset.done $0x0  }
0x130: {  	s11 =	rddreg [dreg:$0xe];
	[sflag:s0] =	ssyncadd.s32 $0xFFFFEC00  }
0x131: {  	[hbm4b:s11+s3] =	stream.linear.scatter [tilespmem:s6], [sflag:$0xB], $0x1400, $0x38;
	[tilespmem:$0xEF80] =	vst v63  }
0x132: {  	_ =	swait.ge [sflag:s26], $0x1400  }
0x133: {  	s13 =	simm.s32 $0x2698;
	[sflag:s26] =	ssyncset.done $0x0  }
0x134: {  	s14 =	simm.s32 $0x2;
	s4 =	simm.s32 $0xB380;
	[sflag:s26] =	ssyncadd.s32 $0xFFFFEC00  }
0x135: {  	[tilespmem:s4], [sflag:$0x8] =	stream.indirect.gather [hbm4b:s2+s29], $0x80, s13, s29, $0xb8;
	[tilespmem:$0xEF80] =	vst v63  }
0x136: {  	_ =	swait.ge [sflag:s14], $0x1400  }
0x137: {  	[sflag:s14] =	ssyncset.done $0x0  }
0x138: {  	s15 =	rddreg [dreg:$0xf];
	[sflag:s14] =	ssyncadd.s32 $0xFFFFEC00  }
0x139: {  	[hbm4b:s15+s3] =	stream.linear.scatter [tilespmem:s8], [sflag:$0xC], $0x1400, $0x38;
	[tilespmem:$0xEF80] =	vst v63  }
0x13a: {  	_ =	swait.ge [sflag:s30], $0x1400  }
0x13b: {  	s5 =	simm.s32 $0xC780;
	[sflag:s30] =	ssyncset.done $0x0  }
0x13c: {  	s16 =	simm.s32 $0x26C0;
	s6 =	simm.s32 $0x3;
	[sflag:s30] =	ssyncadd.s32 $0xFFFFEC00  }
0x13d: {  	[tilespmem:s5], [sflag:$0x9] =	stream.indirect.gather [hbm4b:s2+s29], $0x80, s16, s29, $0xb8;
	[tilespmem:$0xEF80] =	vst v63  }
0x13e: {  	_ =	swait.ge [sflag:s6], $0x1400  }
0x13f: {  	[sflag:s6] =	ssyncset.done $0x0  }
0x140: {  	s8 =	rddreg [dreg:$0x10];
	[sflag:s6] =	ssyncadd.s32 $0xFFFFEC00  }
0x141: {  	[hbm4b:s8+s3] =	stream.linear.scatter [tilespmem:s10], [sflag:$0xD], $0x1400, $0x38;
	[tilespmem:$0xEF80] =	vst v63  }
0x142: {  	_ =	swait.ge [sflag:s31], $0x1400  }
0x143: {  	s11 =	simm.s32 $0x26E8;
	[sflag:s31] =	ssyncset.done $0x0  }
0x144: {  	s13 =	simm.s32 $0x4;
	s6 =	simm.s32 $0xDB80;
	[sflag:s31] =	ssyncadd.s32 $0xFFFFEC00  }
0x145: {  	[tilespmem:s6], [sflag:$0xA] =	stream.indirect.gather [hbm4b:s2+s29], $0x80, s11, s29, $0xb8;
	[tilespmem:$0xEF80] =	vst v63  }
0x146: {  	_ =	swait.ge [sflag:s13], $0x1400  }
0x147: {  	[sflag:s13] =	ssyncset.done $0x0  }
0x148: {  	s15 =	simm.s32 $0x5;
	s14 =	rddreg [dreg:$0x11];
	[sflag:s13] =	ssyncadd.s32 $0xFFFFEC00  }
0x149: {  	[hbm4b:s14+s3] =	stream.linear.scatter [tilespmem:s12], [sflag:$0xE], $0x1400, $0x38;
	[tilespmem:$0xEF80] =	vst v63  }
0x14a: {  	_ =	swait.ge [sflag:s15], $0x1400  }
0x14b: {  	[sflag:s15] =	ssyncset.done $0x0  }
0x14c: {  	s16 =	rddreg [dreg:$0x12];
	[sflag:s15] =	ssyncadd.s32 $0xFFFFEC00  }
0x14d: {  	[hbm4b:s16+s3] =	stream.linear.scatter [tilespmem:s7], [sflag:$0xF], $0x1400, $0x38;
	[tilespmem:$0xEF80] =	vst v63  }
0x14e: {  	_ =	swait.ge [sflag:s17], $0x1400  }
0x14f: {  	[sflag:s17] =	ssyncset.done $0x0  }
0x150: {  	s8 =	rddreg [dreg:$0x13];
	[sflag:s17] =	ssyncadd.s32 $0xFFFFEC00  }
0x151: {  	[hbm4b:s8+s3] =	stream.linear.scatter [tilespmem:s9], [sflag:$0x10], $0x1400, $0x38;
	[tilespmem:$0xEF80] =	vst v63  }
0x152: {  	_ =	swait.ge [sflag:s19], $0x1400  }
0x153: {  	[sflag:s19] =	ssyncset.done $0x0  }
0x154: {  	s9 =	rddreg [dreg:$0x14];
	[sflag:s19] =	ssyncadd.s32 $0xFFFFEC00  }
0x155: {  	[hbm4b:s9+s3] =	stream.linear.scatter [tilespmem:s1], [sflag:$0x11], $0x1400, $0x38;
	[tilespmem:$0xEF80] =	vst v63  }
0x156: {  	_ =	swait.ge [sflag:s21], $0x1400  }
0x157: {  	[sflag:s21] =	ssyncset.done $0x0  }
0x158: {  	s10 =	rddreg [dreg:$0x15];
	[sflag:s21] =	ssyncadd.s32 $0xFFFFEC00  }
0x159: {  	[hbm4b:s10+s3] =	stream.linear.scatter [tilespmem:s4], [sflag:$0x12], $0x1400, $0x38;
	[tilespmem:$0xEF80] =	vst v63  }
0x15a: {  	_ =	swait.ge [sflag:s23], $0x1400  }
0x15b: {  	[sflag:s23] =	ssyncset.done $0x0  }
0x15c: {  	s11 =	rddreg [dreg:$0x16];
	[sflag:s23] =	ssyncadd.s32 $0xFFFFEC00  }
0x15d: {  	[hbm4b:s11+s3] =	stream.linear.scatter [tilespmem:s5], [sflag:$0x13], $0x1400, $0x38;
	[tilespmem:$0xEF80] =	vst v63  }
0x15e: {  	_ =	swait.ge [sflag:s25], $0x1400  }
0x15f: {  	[sflag:s25] =	ssyncset.done $0x0  }
0x160: {  	s13 =	simm.s32 $0xB;
	s12 =	rddreg [dreg:$0x17];
	[sflag:s25] =	ssyncadd.s32 $0xFFFFEC00  }
0x161: {  	[hbm4b:s12+s3] =	stream.linear.scatter [tilespmem:s6], [sflag:$0x14], $0x1400, $0x38;
	[tilespmem:$0xEF80] =	vst v63  }
0x162: {  	_ =	swait.ge [sflag:s13], $0x1400  }
0x163: {  	[sflag:s13] =	ssyncset.done $0x0  }
0x164: {  	s14 =	simm.s32 $0xC;
	[sflag:s13] =	ssyncadd.s32 $0xFFFFEC00  }
0x165: {  	_ =	swait.ge [sflag:s14], $0x1400  }
0x166: {  	[sflag:s14] =	ssyncset.done $0x0  }
0x167: {  	[sflag:s14] =	ssyncadd.s32 $0xFFFFEC00  }
0x168: {  	_ =	swait.ge [sflag:s18], $0x1400  }
0x169: {  	[sflag:s18] =	ssyncset.done $0x0  }
0x16a: {  	[sflag:s18] =	ssyncadd.s32 $0xFFFFEC00  }
0x16b: {  	_ =	swait.ge [sflag:s20], $0x1400  }
0x16c: {  	[sflag:s20] =	ssyncset.done $0x0  }
0x16d: {  	[sflag:s20] =	ssyncadd.s32 $0xFFFFEC00  }
0x16e: {  	_ =	swait.ge [sflag:s22], $0x1400  }
0x16f: {  	[sflag:s22] =	ssyncset.done $0x0  }
0x170: {  	[sflag:s22] =	ssyncadd.s32 $0xFFFFEC00  }
0x171: {  	_ =	swait.ge [sflag:s24], $0x1400  }
0x172: {  	[sflag:s24] =	ssyncset.done $0x0  }
0x173: {  	[sflag:s24] =	ssyncadd.s32 $0xFFFFEC00  }
0x174: {  	_ =	swait.ge [sflag:s28], $0x1400  }
0x175: {  	[sflag:s28] =	ssyncset.done $0x0  }
0x176: {  	[sflag:s28] =	ssyncadd.s32 $0xFFFFEC00  }
0x177: {  	_ =	swait.ge [sflag:s26], $0x1400  }
0x178: {  	[sflag:s26] =	ssyncset.done $0x0  }
0x179: {  	[sflag:s26] =	ssyncadd.s32 $0xFFFFEC00  }
0x17a: {  	_ =	swait.ge [sflag:s30], $0x1400  }
0x17b: {  	[sflag:s30] =	ssyncset.done $0x0  }
0x17c: {  	[sflag:s30] =	ssyncadd.s32 $0xFFFFEC00  }
0x17d: {  	_ =	swait.ge [sflag:s31], $0x1400  }
0x17e: {  	s15 =	rddreg [dreg:$0x1a]  }
0x17f: {  	s16 =	rddreg [dreg:$0x18];
	s1 =	sadd.s32 $0x1, s15  }
0x180: {  	p0 =	sne.s32 s1, s16  }
.Ltmp1:
0x181: {  	_ = 	snop;
	(pc) =	sbr.rel @p0 .LBB2_1-.Ltmp1, $3  }
0x182: {  	_ =	sdelay $0x1  }
0x183: {  	[sflag:s31] =	ssyncset.done $0x0  }
0x184: {  	[sflag:s31] =	ssyncadd.s32 $0xFFFFEC00  }
0x185: {  	_ =	sfence.sel $0x180000  }
0x186: {  	[bflag:$0x0] =	sbarrier.arrive $0xFFFF  }
0x187: {  	_ =	strace $0x9000004D  }
0x188: {  	s0 =	stileid.u32;
	[bflag:$0x2] =	sbarrier.arrive $0xFFFF  }
0x189: {  	p0 =	sne.s32 s0, $0x0;
	s0 =	rddreg [dreg:$0x2]  }
0x18a: {  	s0 =	sadd.s32 @!p0 $0x100000, s0  }
0x18b: {  	[sflag:s0] =	ssyncadd.tile.s32 @!p0 $0x1;
	_ =	shalt  }
.Lfunc_end2:
_tile_overlayer_lowered:
.L_overlay_start_2:
0x18c: {  	(tag) =	ssettag $0x2  }
0x18d: {  	s0 =	rddreg [dreg:$0x0];
	s2 =	stileid.u32  }
0x18e: {  	s1 =	rddreg [dreg:$0x1];
	p0 =	sne.s32 s2, $0x0  }
0x18f: {  	s3 =	rddreg [dreg:$0x2];
	[bflag:$0x3] =	sbarrier.arrive $0xFFFF;
	s2 =	simm.s32 @!p0 $0x1C15  }
0x190: {  	[timem:s3], [sflag:s2] =	dma.local @!p0 [hbm:s0], s1  }
0x191: {  	s0 =	simm.s32 @!p0 $0x15  }
0x192: {  	_ =	swait.ge @!p0 [sflag:s0], s1  }
0x193: {  	s1 =	ssub.s32 @!p0 $0x0, s1;
	[sflag:s0] =	ssyncset.done @!p0 $0x0  }
0x194: {  	[sflag:s0] =	ssyncadd.s32 @!p0 s1  }
0x195: {  	[bflag:$0x3] =	sbarrier.arrive $0xFFFF  }
0x196: {  	_ =	shalt  }

// kernel: sparse-core-data-format-call.1.cloned.1.call-start
scs
called_computation.1_lowered:
.L_overlay_start_0:
0x0: {  	s1 =	sld [smem:$0x3FD9]  }
0x1: {  	s2 =	sld [smem:$0x3FFE];
	_ =	sdelay $0x1  }
0x2: {  	s3 =	srdreg.scid  }
0x3: {  	s0 =	sand.u32 $0x1, s3  }
0x4: {  	s17 =	sshll.u32 s0, $0xA;
	s1 =	sadd.s32 s2, s1  }
0x5: {  	s1 =	sadd.s32 s1, s17  }
0x6: {  	[smem:$0x3FBB] =	sst s1  }
0x7: {  	_ = 	snop  }
0x8: {  	(tm) =	ssettm $0x1  }
0x9: {  	s18 =	sld [smem:$0x3FFB];
	_ =	sdelay $0x3  }
0xa: {  	_ =	strace s18  }
0xb: {  	s1 =	sld [smem:$0x3FFC];
	_ =	sdelay $0x3  }
0xc: {  	_ =	strace s1  }
0xd: {  	s1 =	sld [smem:$0x3FFD];
	_ =	sdelay $0x3  }
0xe: {  	_ =	strace s1  }
0xf: {  	_ =	strace $0x8FFFFFFF  }
0x10: {  	s19 =	sld [smem:$0x3FDB];
	_ =	sdelay $0x1  }
0x11: {  	s20 =	simm.s32 $_scs_section_size  }
0x12: {  	s4 =	simm.s32 $_size__tile_overlayer_lowered;
	s5 =	simm.s32 $_tile_overlayer_lowered  }
0x13: {  	s23 =	simm.s32 $0x1BFF;
	s22 =	sshll.u32 s5, $0x1;
	s1 =	sadd.s32 s20, s19  }
0x14: {  	s6 =	simm.s32 $0x0;
	s21 =	sshll.u32 s4, $0x1;
	s4 =	sadd.s32 s22, s1  }
0x15: {  	[timem:s6], [sflag:s23] =	dma.local [hbm:s4], s21  }
0x16: {  	_ =	swait.ge [sflag:s23], s21  }
0x17: {  	s2 =	ssub.s32 $0x0, s21;
	[sflag:s23] =	ssyncset.done $0x0  }
0x18: {  	[sflag:s23] =	ssyncadd.s32 s2;
	_ =	sdelay $0x1  }
0x19: {  	s24 =	simm.s32 $0x1B8B  }
0x1a: {  	_ =	swait.ge [sflag:s24], $0x1  }
0x1b: {  	[sflag:s24] =	ssyncset.done $0x0  }
0x1c: {  	s26 =	simm.s32 $0x1B8E;
	s25 =	sld [smem:$0x3FFE];
	[sflag:s24] =	ssyncadd.s32 $0xFFFFFFFF  }
0x1d: {  	s27 =	simm.s32 $execute0_lowered;
	[smem:$0x3FD2] =	sst s26  }
0x1e: {  	s4 =	sshll.u32 s27, $0x1;
	_ =	strace $0x80000046;
	[dreg:$0x1] =	wrdreg $0xFFFFFFFF  }
0x1f: {  	s28 =	simm.s32 $_size_execute0_lowered;
	s1 =	sadd.s32 s1, s4;
	[dreg:$0x0] =	wrdreg $0x0  }
0x20: {  	s4 =	sshll.u32 s28, $0x1;
	[dreg:$0x2] =	wrdreg s1  }
0x21: {  	[dreg:$0x3] =	wrdreg s4  }
0x22: {  	[dreg:$0x4] =	wrdreg $0xC0  }
0x23: {  	_ =	task [dreg:s6], $0x5FFFF  }
0x24: {  	[dreg:$0x1] =	wrdreg $0xFFFFFFFF  }
0x25: {  	[dreg:$0x0] =	wrdreg $0x60  }
0x26: {  	[dreg:$0x2] =	wrdreg s25  }
0x27: {  	[dreg:$0x3] =	wrdreg $0xA  }
0x28: {  	_ =	task.clear_ibuf [dreg:s6], $0x4FFFF;
	_ =	strace $0x90000046  }
0x29: {  	s29 =	simm.s32 $0xA;
	_ =	strace $0x80000048  }
0x2a: {  	_ =	swait.ge [sflag:s29], $0x1  }
0x2b: {  	[sflag:s29] =	ssyncadd.s32 $0xFFFFFFFF  }
0x2c: {  	_ =	strace $0x90000048  }
0x2d: {  	_ =	sfence  }
0x2e: {  	s30 =	sld [smem:$0x0];
	_ =	sdelay $0x2  }
0x2f: {  	s31 =	sshll.u32 s3, $0xD;
	s3 =	sshrl.u32 s3, $0x2  }
0x30: {  	s2 =	sand.u32 $0x4000, s31;
	s1 =	sadd.s32 s3, s30  }
0x31: {  	s0 =	sor.u32 s2, s0;
	s1 =	sshll.u32 s1, $0x11  }
0x32: {  	s0 =	sor.u32 s1, s0  }
0x33: {  	s0 =	sadd.s32 $0x8F2B, s0  }
0x34: {  	[sflag:s0] =	ssyncadd.remote.s32 $0x1  }
0x35: {  	_ =	sfence.sel $0xFFFF  }
0x36: {  	[dreg:$0x0] =	wrdreg $0xFFFFFFFF;
	(pc) =	sbr.abs _section_cstart, $3  }
0x37: {  	[dreg:$0x1] =	wrdreg $0xFFFFFFFF  }
0x38: {  	_ =	task.clear_ibuf [dreg:s6], $0x2FFFF;
	_ =	strace $0x9FFFFFFF  }
0x39: {  	(tm) =	ssettm $0x7FFFFFFF  }
tec
execute0_lowered:
.L_overlay_start_1:
0x0: {  	(tag) =	ssettag $0x1  }
0x1: {  	s1 =	srdreg.scid  }
0x2: {  	s0 =	stileid.u32;
	s7 =	rddreg [dreg:$0x0];
	s1 =	sshll.u32 s1, $0x4  }
0x3: {  	_ =	strace $0x80000047;
	s8 =	simm.s32 $0x2;
	s1 =	sor.u32 s0, s1  }
0x4: {  	s21 =	simm.s32 $0x0;
	s9 =	simm.s32 $0x800;
	s1 =	sand.u32 $0x1E, s1  }
0x5: {  	s19 =	simm.s32 $0x0;
	s2 =	sand.u32 $0x1, s0;
	s3 =	ssub.s32 $0x20, s1  }
0x6: {  	s20 =	simm.s32 $0x0;
	s4 =	ssub.s32 $0x2, s2;
	s5 =	sand.u32 $0x1E, s3  }
0x7: {  	s6 =	sshrl.u32 s4, $0x1;
	p0 =	sne.s32 s5, $0x0;
	s5 =	simm.s32 $0x1  }
0x8: {  	s4 =	sand.u32 $0x1, s4;
	s3 =	sshrl.u32 s3, $0x5;
	s5 =	simm.s32 @!p0 $0x0  }
0x9: {  	s22 =	simm.s32 $0x0;
	s4 =	sadd.s32 s4, s6;
	s3 =	sadd.s32 s5, s3  }
0xa: {  	s10 =	simm.s32 $0x0;
	s11 =	simm.s32 $0x0;
	s5 =	smul.u32 s3, s4  }
.Ltmp0:
0xb: {  	s12 =	simm.s32 $0x0;
	s14 =	simm.s32 $0x0;
	(pc) =	sbr.rel .LBB1_1-.Ltmp0, $4  }
0xc: {  	s13 =	simm.s32 $0x0;
	s15 =	simm.s32 $0x0;
	s18 =	simm.s32 $0x0  }
0xd: {  	s17 =	smov.u32 s2;
	s4 =	simm.s32 $0x1;
	s5 =	smul.u32 $0x14, s5  }
0xe: {  	s6 =	sadd.s32 $0x2A00, s7;
	s7 =	sadd.s32 $0x142A00, s7;
	[sflag:s4] =	ssyncpa.u1 $0x0  }
0xf: {  	s16 =	smov.u32 s1;
	[sflag:s8] =	ssyncpa.u1 $0x0;
	s8 =	sor.u32 $0x1, s5  }
.LBB1_7:
0x10: {  	p0 =	slt.u32 s18, $0x2;
	s23 =	smov.u32 s22  }
0x11: {  	s24 =	smov.u32 s15;
	s25 =	smov.u32 s16;
	p1 =	sgt.s32 @!p0 s22, $0x1  }
0x12: {  	s3 =	sshra.s32 @!p0 s22, $0x1F;
	p2 =	sgt.s32 @!p0 s21, $0x1288;
	p1 =	por !p1, p0  }
0x13: {  	s3 =	sand.u32 @!p0 s3, s22;
	p2 =	por !p2, p0;
	s22 =	smov.u32 s21  }
0x14: {  	s23 =	simm.s32 @p1 $0x1;
	s3 =	sxor.u32 @!p0 $0xFFFFFFFF, s3;
	s22 =	simm.s32 @p2 $0x1288  }
0x15: {  	p2 =	sgt.s32 @!p0 s20, $0x1E;
	s3 =	sadd.s32 @!p0 s3, s23;
	s23 =	sshra.s32 @!p0 s21, $0x1F  }
0x16: {  	p2 =	por !p2, p0;
	p1 =	sgt.s32 @!p0 s3, $0x0;
	s3 =	ssub.s32 @!p0 $0x1, s3  }
0x17: {  	s21 =	sand.u32 @!p0 s23, s21;
	s23 =	sshra.s32 @!p0 s20, $0x1F;
	p1 =	por !p1, p0  }
0x18: {  	s21 =	ssub.s32 @!p0 s22, s21;
	s22 =	smov.u32 s20;
	s20 =	sand.u32 @!p0 s23, s20  }
0x19: {  	s23 =	sshra.s32 @!p0 s19, $0x1F;
	s22 =	simm.s32 @p2 $0x1E;
	p2 =	sgt.s32 @!p0 s19, $0x40  }
0x1a: {  	s20 =	ssub.s32 @!p0 s22, s20;
	p2 =	por !p2, p0;
	s22 =	smov.u32 s19  }
0x1b: {  	s19 =	sand.u32 @!p0 s23, s19;
	s23 =	sadd.s32 @!p0 $0xFFFFFFE2, s20;
	s22 =	simm.s32 @p2 $0x40  }
0x1c: {  	s3 =	simm.s32 @!p1 $0x0;
	p1 =	sgt.s32 @!p0 s23, $0x1;
	s19 =	ssub.s32 @!p0 s22, s19  }
0x1d: {  	s20 =	ssub.s32 @!p0 $0x20, s20;
	p1 =	por !p1, p0;
	s22 =	sadd.s32 @!p0 $0xFFFFFFC0, s19  }
0x1e: {  	s23 =	sadd.s32 @!p0 $0xFFFFED78, s21;
	s20 =	simm.s32 @!p1 $0x0;
	p1 =	sgt.s32 @!p0 s22, $0x3F  }
0x1f: {  	s19 =	ssub.s32 @!p0 $0x80, s19;
	p1 =	por !p1, p0;
	s3 =	smul.u32 @!p0 s3, s20  }
0x20: {  	p2 =	sgt.s32 @!p0 s23, $0xFF;
	s23 =	sadd.s32 $0x100, s13;
	s19 =	simm.s32 @!p1 $0x0  }
0x21: {  	s20 =	ssub.s32 @!p0 $0x1388, s21;
	p1 =	por !p2, p0;
	s3 =	smul.u32 @!p0 s19, s3  }
0x22: {  	s20 =	simm.s32 @!p1 $0x0;
	p1 =	sgt.s32 s23, $0x1387;
	s19 =	sadd.s32 $0x40, s15  }
0x23: {  	s26 =	smov.u32 s17;
	s27 =	simm.s32 @!p0 $0x2;
	s24 =	smov.u32 @p1 s19  }
0x24: {  	s22 =	smov.u32 s14;
	s19 =	sadd.s32 $0x20, s16;
	p2 =	sgt.s32 s24, $0x3F  }
0x25: {  	s14 =	smov.u32 s17;
	s21 =	smov.u32 s10;
	s25 =	smov.u32 @p2 s19  }
0x26: {  	s23 =	simm.s32 @p1 $0x0;
	s19 =	sadd.s32 $0x2, s17;
	p1 =	sgt.s32 s25, $0x1F  }
0x27: {  	s10 =	smov.u32 s13;
	s3 =	smul.u32 @!p0 s20, s3;
	s26 =	smov.u32 @p1 s19  }
0x28: {  	s20 =	smov.u32 s12;
	s25 =	smov.u32 @p1 s1;
	p1 =	sgt.s32 s26, $0x1  }
0x29: {  	s12 =	smov.u32 s16;
	s26 =	smov.u32 @p1 s2;
	p1 =	sne.s32 s18, s8  }
.Ltmp1:
0x2a: {  	s13 =	smov.u32 s23;
	s3 =	sshrl.u32 @!p0 s3, $0x1;
	(pc) =	sbr.rel @!p1 .LBB1_8-.Ltmp1, $4  }
0x2b: {  	s24 =	simm.s32 @p2 $0x0;
	s3 =	sand.u32 @!p0 $0x3FFFFFFF, s3;
	s19 =	smov.u32 s11  }
0x2c: {  	s11 =	smov.u32 s15;
	s15 =	smov.u32 s24;
	_ =	swait.ge @!p0 [sflag:s27], s3  }
0x2d: {  	s3 =	ssub.s32 @!p0 $0x0, s3;
	s16 =	smov.u32 s25;
	[sflag:s27] =	ssyncset.done @!p0 $0x0  }
0x2e: {  	s18 =	sadd.s32 $0x1, s18;
	[sflag:s27] =	ssyncadd.s32 @!p0 s3;
	s17 =	smov.u32 s26  }
.LBB1_1:
0x2f: {  	p0 =	sge.u32 s18, s5  }
0x30: {  	s23 =	sshrl.u32 @!p0 s15, $0x3  }
0x31: {  	s24 =	sand.u32 @!p0 $0x1, s15;
	s25 =	sshll.u32 @!p0 s15, $0x7;
	s26 =	sshll.u32 @!p0 s13, $0x3  }
0x32: {  	s27 =	sshll.u32 @!p0 s13, $0x1;
	s23 =	smul.u32 @!p0 $0xA000, s23;
	s25 =	sand.u32 @!p0 $0x300, s25  }
0x33: {  	s26 =	sand.u32 @!p0 $0xFFFFFC00, s26;
	s27 =	sand.u32 @!p0 $0xFE, s27;
	s24 =	sor.u32 @!p0 s24, s25  }
0x34: {  	s23 =	sadd.s32 @!p0 s23, s26;
	s24 =	sor.u32 @!p0 s27, s24  }
0x35: {  	s24 =	sor.u32 @!p0 s23, s24;
	s23 =	smulhi.u32 @!p0 $0xCCCCCCCD, s23  }
0x36: {  	s25 =	smulhi.u32 @!p0 $0xCCCCCCCD, s24  }
0x37: {  	s26 =	smul.u32 @!p0 $0xA0000, s17  }
0x38: {  	s27 =	smul.u32 @!p0 $0x5000, s16;
	s23 =	sshrl.u32 @!p0 s23, $0xC;
	s25 =	sshrl.u32 @!p0 s25, $0xC  }
0x39: {  	s23 =	sand.u32 @!p0 $0x3F, s23;
	s25 =	smul.u32 @!p0 $0x1400, s25  }
0x3a: {  	s31 =	sadd.s32 $0xFFFFFFFF, s18;
	s26 =	sadd.s32 @!p0 s6, s26;
	s23 =	smul.u32 @!p0 $0x140, s23  }
0x3b: {  	s28 =	sxor.u32 @!p0 $0xFFFFFFFF, s18;
	s24 =	ssub.s32 @!p0 s24, s25;
	s25 =	sadd.s32 @!p0 s27, s26  }
0x3c: {  	s26 =	sshrl.u32 @!p0 s24, $0x4;
	s23 =	sadd.s32 @!p0 s23, s25;
	s24 =	sshll.u32 @!p0 s24, $0x11  }
0x3d: {  	s25 =	sshll.u32 @!p0 s28, $0xE;
	s23 =	sadd.s32 @!p0 s26, s23;
	s24 =	sand.u32 @!p0 $0x1C0000, s24  }
0x3e: {  	s25 =	sand.u32 @!p0 $0x4000, s25;
	s26 =	simm.s32 @!p0 $0x5000;
	s24 =	sor.u32 @!p0 $0x400, s24  }
0x3f: {  	[tilespmem:s25], [sflag:$0x1] =	stream.strided.gather @!p0 [hbm4b:s23+s24], $0x4000, s26, s24, $0x38;
	[tilespmem:$0x10200] =	vst v63  }
0x40: {  	p0 =	sge.u32 s31, s5  }
.Ltmp2:
0x41: {  	_ = 	snop;
	(pc) =	sbr.rel @p0 .LBB1_7-.Ltmp2, $1  }
0x42: {  	_ =	sdelay $0x3  }
0x43: {  	s23 =	sand.u32 $0x1, s18  }
0x44: {  	_ =	swait.ge [sflag:s4], $0x4000;
	s24 =	smul.u32 $0x10400, s23  }
0x45: {  	[sflag:s4] =	ssyncset.done $0x0  }
0x46: {  	[sflag:s4] =	ssyncadd.s32 $0xFFFFC000;
	s25 =	sshrl.u32 s24, $0x2  }
0x47: {  	s24 =	sshll.u32 s23, $0xE;
	s23 =	sor.u32 $0x8000, s25;
	s25 =	simm.s32 $0x0  }
.LBB1_3:
0x48: {  	s26 =	sshll.u32 s25, $0x7  }
0x49: {  	s27 =	sshll.u32 s25, $0x6;
	s26 =	sand.u32 $0x1C00, s26  }
0x4a: {  	s27 =	sand.u32 $0x180, s27;
	s28 =	sadd.s32 s26, s24  }
0x4b: {  	s28 =	sadd.s32 s27, s28  }
0x4c: {  	s26 =	sshll.u32 s25, $0x1;
	v0 =	vmov s28  }
0x4d: {  	s27 =	sor.u32 $0x2, s26  }
0x4e: {  	p0 =	por $0x1, $0x1;
	s27 =	sshrl.u32 s27, $0x1;
	s28 =	simm.s32 $0x0  }
.LBB1_4:
0x4f: {  	s29 =	sshll.u32 s28, $0x2  }
0x50: {  	s30 =	sand.u32 $0x3FFFFFFC, s29  }
0x51: {  	v1 =	vld.idx.msk [tilespmem:v0+s30+$0x0 ss:$0x1], $0xffff  }
0x52: {  	v2 =	vld.idx.msk [tilespmem:v0+s30+$0x2000 ss:$0x1], $0xffff  }
0x53: {  	v3 =	vld.idx.msk [tilespmem:v0+s30+$0x10 ss:$0x1], $0xffff  }
0x54: {  	s28 =	smul.u32 $0x104, s28;
	v4 =	vld.idx.msk [tilespmem:v0+s30+$0x2010 ss:$0x1], $0xffff  }
0x55: {  	v5 =	vld.idx.msk [tilespmem:v0+s30+$0x20 ss:$0x1], $0xffff  }
0x56: {  	s28 =	sshra.s32 s28, $0x2;
	v6 =	vld.idx.msk [tilespmem:v0+s30+$0x2020 ss:$0x1], $0xffff  }
0x57: {  	v9 =	vld.idx.msk [tilespmem:v0+s30+$0x30 ss:$0x1], $0xffff;
	s29 =	sadd.s32 s28, s23;
	s28 =	sshrl.u32 s26, $0x1;
	v7 =	vunpack.i.l.s16.s32 v1;
	v8 =	vunpack.i.l.s16.s32 v2  }
0x58: {  	v51 =	vld.idx.msk [tilespmem:v0+s30+$0x2030 ss:$0x1], $0xffff;
	s31 =	sadd.s32 s28, s29;
	v1 =	vunpack.i.u.s16.s32 v1;
	v2 =	vunpack.i.u.s16.s32 v2;
	v7 =	vpack.i.b32.b16 v8, v7  }
0x59: {  	v10 =	vld.idx.msk [tilespmem:v0+s30+$0x40 ss:$0x1], $0xffff;
	s3 =	sadd.s32 $0x410, s29;
	v52 =	vunpack.i.l.s16.s32 v4;
	v1 =	vpack.i.b32.b16 v2, v1;
	v2 =	vunpack.i.l.s16.s32 v3;
	[tilespmem:s31+$0x0 ss:$0x41] =	vst.msk $0xffff, v7;
	s31 =	sadd.s32 s27, s29  }
0x5a: {  	v53 =	vld.idx.msk [tilespmem:v0+s30+$0x2040 ss:$0x1], $0xffff;
	v2 =	vpack.i.b32.b16 v52, v2;
	[tilespmem:s31+$0x0 ss:$0x41] =	vst.msk $0xffff, v1;
	v1 =	vunpack.i.u.s16.s32 v3;
	v3 =	vunpack.i.u.s16.s32 v4;
	s31 =	sadd.s32 s28, s3  }
0x5b: {  	v54 =	vld.idx.msk [tilespmem:v0+s30+$0x50 ss:$0x1], $0xffff;
	s3 =	sadd.s32 s27, s3;
	[tilespmem:s31+$0x0 ss:$0x41] =	vst.msk $0xffff, v2;
	v1 =	vpack.i.b32.b16 v3, v1;
	v2 =	vunpack.i.l.s16.s32 v5;
	v3 =	vunpack.i.l.s16.s32 v6;
	s31 =	sadd.s32 $0x820, s29  }
0x5c: {  	v55 =	vunpack.i.u.s16.s32 v6;
	[tilespmem:s3+$0x0 ss:$0x41] =	vst.msk $0xffff, v1;
	v1 =	vunpack.i.u.s16.s32 v5;
	v2 =	vpack.i.b32.b16 v3, v2;
	s3 =	sadd.s32 s28, s31;
	v3 =	vld.idx.msk [tilespmem:v0+s30+$0x2050 ss:$0x1], $0xffff  }
0x5d: {  	v57 =	vld.idx.msk [tilespmem:v0+s30+$0x60 ss:$0x1], $0xffff;
	v56 =	vunpack.i.l.s16.s32 v51;
	[tilespmem:s3+$0x0 ss:$0x41] =	vst.msk $0xffff, v2;
	v1 =	vpack.i.b32.b16 v55, v1;
	s3 =	sadd.s32 s27, s31;
	v2 =	vunpack.i.l.s16.s32 v9;
	s31 =	sadd.s32 $0xC30, s29  }
0x5e: {  	v58 =	vld.idx.msk [tilespmem:v0+s30+$0x2060 ss:$0x1], $0xffff;
	v8 =	vunpack.i.u.s16.s32 v51;
	[tilespmem:s3+$0x0 ss:$0x41] =	vst.msk $0xffff, v1;
	v1 =	vunpack.i.u.s16.s32 v9;
	v2 =	vpack.i.b32.b16 v56, v2;
	s3 =	sadd.s32 s28, s31  }
0x5f: {  	v60 =	vld.idx.msk [tilespmem:v0+s30+$0x70 ss:$0x1], $0xffff;
	v59 =	vunpack.i.l.s16.s32 v53;
	[tilespmem:s3+$0x0 ss:$0x41] =	vst.msk $0xffff, v2;
	v1 =	vpack.i.b32.b16 v8, v1;
	s3 =	sadd.s32 s27, s31;
	v2 =	vunpack.i.l.s16.s32 v10;
	s31 =	sadd.s32 $0x1040, s29  }
0x60: {  	v61 =	vld.idx.msk [tilespmem:v0+s30+$0x2070 ss:$0x1], $0xffff;
	v4 =	vunpack.i.u.s16.s32 v53;
	[tilespmem:s3+$0x0 ss:$0x41] =	vst.msk $0xffff, v1;
	v1 =	vunpack.i.u.s16.s32 v10;
	v2 =	vpack.i.b32.b16 v59, v2;
	s3 =	sadd.s32 s28, s31  }
0x61: {  	s30 =	sadd.s32 $0x1450, s29;
	s31 =	sadd.s32 s27, s31;
	[tilespmem:s3+$0x0 ss:$0x41] =	vst.msk $0xffff, v2;
	v1 =	vpack.i.b32.b16 v4, v1;
	v2 =	vunpack.i.l.s16.s32 v54;
	v62 =	vunpack.i.l.s16.s32 v3  }
0x62: {  	v3 =	vunpack.i.u.s16.s32 v3;
	[tilespmem:s31+$0x0 ss:$0x41] =	vst.msk $0xffff, v1;
	v1 =	vpack.i.b32.b16 v62, v2;
	v2 =	vunpack.i.u.s16.s32 v54;
	s31 =	sadd.s32 s28, s30  }
0x63: {  	p1 =	por p0, p0;
	[tilespmem:s31+$0x0 ss:$0x41] =	vst.msk $0xffff, v1;
	v1 =	vpack.i.b32.b16 v3, v2;
	s31 =	sadd.s32 s27, s30;
	v2 =	vunpack.i.l.s16.s32 v57;
	v3 =	vunpack.i.l.s16.s32 v58;
	s30 =	sadd.s32 $0x1860, s29  }
.Ltmp3:
0x64: {  	[tilespmem:s31+$0x0 ss:$0x41] =	vst.msk $0xffff, v1;
	v1 =	vpack.i.b32.b16 v3, v2;
	v2 =	vunpack.i.u.s16.s32 v57;
	v3 =	vunpack.i.u.s16.s32 v58;
	s31 =	sadd.s32 s28, s30;
	(pc) =	sbr.rel @p1 .LBB1_4-.Ltmp3, $4  }
0x65: {  	s29 =	sadd.s32 $0x1C70, s29;
	[tilespmem:s31+$0x0 ss:$0x41] =	vst.msk $0xffff, v1;
	v1 =	vpack.i.b32.b16 v3, v2;
	s31 =	sadd.s32 s27, s30;
	v2 =	vunpack.i.l.s16.s32 v60;
	v3 =	vunpack.i.l.s16.s32 v61  }
0x66: {  	v63 =	vunpack.i.u.s16.s32 v61;
	s30 =	sadd.s32 s28, s29;
	[tilespmem:s31+$0x0 ss:$0x41] =	vst.msk $0xffff, v1;
	v1 =	vunpack.i.u.s16.s32 v60;
	v2 =	vpack.i.b32.b16 v3, v2  }
0x67: {  	s31 =	sadd.s32 s27, s29;
	[tilespmem:s30+$0x0 ss:$0x41] =	vst.msk $0xffff, v2;
	v1 =	vpack.i.b32.b16 v63, v1  }
0x68: {  	p0 =	por $0x0, $0x0;
	s28 =	simm.s32 $0x80;
	[tilespmem:s31+$0x0 ss:$0x41] =	vst.msk $0xffff, v1  }
0x69: {  	p0 =	slt.u32 s25, $0x3E  }
.Ltmp4:
0x6a: {  	_ = 	snop;
	(pc) =	sbr.rel @p0 .LBB1_3-.Ltmp4, $3  }
0x6b: {  	_ =	sdelay $0x1  }
0x6c: {  	s3 =	sadd.s32 $0x2, s25  }
0x6d: {  	s25 =	smov.u32 s3  }
0x6e: {  	s3 =	sshll.u32 s12, $0x7;
	s24 =	sshll.u32 s11, $0x3;
	p0 =	sgt.s32 s14, $0x1  }
0x6f: {  	s26 =	sshra.s32 s14, $0x1F;
	s27 =	sshra.s32 s10, $0x1F;
	s28 =	sshra.s32 s12, $0x1F  }
0x70: {  	s25 =	sand.u32 $0xC00, s3;
	s24 =	sand.u32 $0xC00, s24;
	s3 =	sand.u32 $0x300, s3  }
0x71: {  	s26 =	sand.u32 s26, s14;
	s24 =	sadd.s32 s25, s24;
	s25 =	smov.u32 s14  }
0x72: {  	s27 =	sand.u32 s27, s10;
	s3 =	sor.u32 s3, s24;
	s25 =	simm.s32 @!p0 $0x1  }
0x73: {  	s24 =	sxor.u32 $0xFFFFFFFF, s26;
	p0 =	sgt.s32 s10, $0x1288;
	s26 =	smov.u32 s10  }
0x74: {  	s24 =	sadd.s32 s24, s25;
	s26 =	simm.s32 @!p0 $0x1288;
	p0 =	sgt.s32 s12, $0x1E  }
0x75: {  	s25 =	ssub.s32 s26, s27;
	s26 =	smov.u32 s12;
	s27 =	sand.u32 s28, s12  }
0x76: {  	s28 =	smov.u32 s11;
	s26 =	simm.s32 @!p0 $0x1E;
	p0 =	sgt.s32 s11, $0x40  }
0x77: {  	s29 =	sshra.s32 s11, $0x1F;
	s26 =	ssub.s32 s26, s27;
	s28 =	simm.s32 @!p0 $0x40  }
0x78: {  	p0 =	sgt.s32 s24, $0x0;
	s24 =	ssub.s32 $0x1, s24;
	s27 =	sand.u32 s29, s11  }
0x79: {  	s29 =	sshll.u32 s11, $0x1;
	s24 =	simm.s32 @p0 $0x0;
	s30 =	sadd.s32 $0xFFFFFFE2, s26  }
0x7a: {  	s27 =	ssub.s32 s28, s27;
	s26 =	ssub.s32 $0x20, s26;
	p0 =	sgt.s32 s30, $0x1  }
0x7b: {  	s28 =	sand.u32 $0x80, s29;
	s31 =	sadd.s32 $0xFFFFFFC0, s27;
	s26 =	simm.s32 @p0 $0x0  }
0x7c: {  	s27 =	ssub.s32 $0x80, s27;
	p0 =	sgt.s32 s31, $0x3F;
	s24 =	smul.u32 s24, s26  }
0x7d: {  	s29 =	sshrl.u32 s11, $0x3;
	s30 =	sadd.s32 $0xFFFFED78, s25;
	s27 =	simm.s32 @p0 $0x0  }
0x7e: {  	s25 =	ssub.s32 $0x1388, s25;
	p0 =	sgt.s32 s30, $0xFF;
	s24 =	smul.u32 s27, s24  }
0x7f: {  	s3 =	sor.u32 s28, s3;
	s31 =	smul.u32 $0x138800, s14;
	s25 =	simm.s32 @p0 $0x0  }
0x80: {  	s28 =	sshll.u32 s10, $0x8;
	s3 =	sshrl.u32 s3, $0x4;
	s24 =	smul.u32 s25, s24  }
.Ltmp5:
0x81: {  	s3 =	sand.u32 $0xF8, s3;
	s26 =	sadd.s32 s7, s31;
	(pc) =	sbr.rel .LBB1_7-.Ltmp5, $4  }
0x82: {  	s30 =	sand.u32 $0x7, s11;
	s27 =	sand.u32 $0x7, s29;
	s25 =	sadd.s32 s28, s26  }
0x83: {  	s26 =	sshll.u32 s30, $0x12;
	s25 =	sadd.s32 s27, s25;
	s24 =	sshrl.u32 s24, $0x1  }
0x84: {  	s31 =	sor.u32 $0x40, s26;
	s3 =	sadd.s32 s3, s25;
	s24 =	sand.u32 $0x3FFFFFFF, s24  }
0x85: {  	[hbm4b:s3+s31] =	stream.strided.scatter [tilespmem:s23], [sflag:$0x2], s24, s9, s31, $0x18;
	[tilespmem:$0x10200] =	vst v63  }
.LBB1_8:
0x86: {  	_ =	sfence.sel $0x180000  }
0x87: {  	s1 =	simm.s32 $0x1;
	[bflag:$0x0] =	sbarrier.arrive $0xFFFF  }
0x88: {  	s31 =	simm.s32 $0x2;
	[sflag:s1] =	ssyncpa.u1 $0x1  }
0x89: {  	[sflag:s31] =	ssyncpa.u1 $0x1  }
0x8a: {  	_ =	strace $0x90000047  }
0x8b: {  	[bflag:$0x2] =	sbarrier.arrive $0xFFFF  }
0x8c: {  	p0 =	sne.s32 s0, $0x0;
	s0 =	rddreg [dreg:$0x1]  }
0x8d: {  	s0 =	sadd.s32 @!p0 $0x100000, s0  }
0x8e: {  	[sflag:s0] =	ssyncadd.tile.s32 @!p0 $0x1;
	_ =	shalt  }
.Lfunc_end1:
_tile_overlayer_lowered:
.L_overlay_start_2:
0x8f: {  	(tag) =	ssettag $0x2  }
0x90: {  	s0 =	rddreg [dreg:$0x0];
	s2 =	stileid.u32  }
0x91: {  	s1 =	rddreg [dreg:$0x1];
	p0 =	sne.s32 s2, $0x0  }
0x92: {  	s3 =	rddreg [dreg:$0x2];
	[bflag:$0x3] =	sbarrier.arrive $0xFFFF;
	s2 =	simm.s32 @!p0 $0x1C01  }
0x93: {  	[timem:s3], [sflag:s2] =	dma.local @!p0 [hbm:s0], s1  }
0x94: {  	s0 =	simm.s32 @!p0 $0x1  }
0x95: {  	_ =	swait.ge @!p0 [sflag:s0], s1  }
0x96: {  	s1 =	ssub.s32 @!p0 $0x0, s1;
	[sflag:s0] =	ssyncset.done @!p0 $0x0  }
0x97: {  	[sflag:s0] =	ssyncadd.s32 @!p0 s1  }
0x98: {  	[bflag:$0x3] =	sbarrier.arrive $0xFFFF  }
0x99: {  	_ =	shalt  }

// kernel: sparse-core-data-format-call.cloned.1.call-start
scs
called_computation_lowered:
.L_overlay_start_0:
0x0: {  	s2 =	sld [smem:$0x3FD9]  }
0x1: {  	s3 =	sld [smem:$0x3FFE];
	_ =	sdelay $0x1  }
0x2: {  	s1 =	srdreg.scid  }
0x3: {  	s0 =	sand.u32 $0x1, s1  }
0x4: {  	s18 =	sshll.u32 s0, $0xA;
	s2 =	sadd.s32 s3, s2  }
0x5: {  	s2 =	sadd.s32 s2, s18  }
0x6: {  	[smem:$0x3FBB] =	sst s2  }
0x7: {  	_ = 	snop  }
0x8: {  	(tm) =	ssettm $0x1  }
0x9: {  	s19 =	sld [smem:$0x3FFB];
	_ =	sdelay $0x3  }
0xa: {  	_ =	strace s19  }
0xb: {  	s2 =	sld [smem:$0x3FFC];
	_ =	sdelay $0x3  }
0xc: {  	_ =	strace s2  }
0xd: {  	s2 =	sld [smem:$0x3FFD];
	_ =	sdelay $0x3  }
0xe: {  	_ =	strace s2  }
0xf: {  	_ =	strace $0x8FFFFFFF  }
0x10: {  	s20 =	sld [smem:$0x3FDB];
	_ =	sdelay $0x1  }
0x11: {  	s21 =	simm.s32 $_scs_section_size  }
0x12: {  	s4 =	simm.s32 $_size__tile_overlayer_lowered;
	s5 =	simm.s32 $_tile_overlayer_lowered  }
0x13: {  	s6 =	simm.s32 $0x1BFF;
	s22 =	sshll.u32 s5, $0x1;
	s3 =	sadd.s32 s21, s20  }
0x14: {  	s23 =	simm.s32 $0x0;
	s4 =	sshll.u32 s4, $0x1;
	s5 =	sadd.s32 s22, s3  }
0x15: {  	[timem:s23], [sflag:s6] =	dma.local [hbm:s5], s4  }
0x16: {  	_ =	swait.ge [sflag:s6], s4  }
0x17: {  	s4 =	ssub.s32 $0x0, s4;
	[sflag:s6] =	ssyncset.done $0x0  }
0x18: {  	[sflag:s6] =	ssyncadd.s32 s4;
	_ =	sdelay $0x1  }
0x19: {  	s24 =	simm.s32 $0x1B8B  }
0x1a: {  	_ =	swait.ge [sflag:s24], $0x1  }
0x1b: {  	[sflag:s24] =	ssyncset.done $0x0  }
0x1c: {  	[sflag:s24] =	ssyncadd.s32 $0xFFFFFFFF  }
0x1d: {  	s4 =	sld [smem:$0x0]  }
0x1e: {  	s5 =	sand.u32 $0xFFFFFFFE, s1  }
0x1f: {  	p0 =	sne.s32 s1, s5  }
0x20: {  	s5 =	sshll.u32 @p0 s5, $0xE  }
0x21: {  	s5 =	sadd.s32 @p0 $0x11B8D, s5;
	s6 =	sshll.u32 @p0 s4, $0x11  }
0x22: {  	s5 =	sor.u32 @p0 s6, s5  }
0x23: {  	[sflag:s5] =	ssyncadd.remote.s32 @p0 $0x1;
	_ =	sdelay $0x1  }
0x24: {  	s5 =	simm.s32 @p0 $0x1B8D  }
0x25: {  	_ =	swait.eq @p0 [sflag:s5], $0x1  }
0x26: {  	[sflag:s5] =	ssyncadd.s32 @p0 $0xFFFFFFFF  }
0x27: {  	s6 =	sshll.u32 @!p0 s1, $0xE  }
0x28: {  	s6 =	sor.u32 @!p0 $0x4000, s6;
	s5 =	simm.s32 @!p0 $0x1B8D  }
0x29: {  	s4 =	sshll.u32 @!p0 s4, $0x11;
	s6 =	sadd.s32 @!p0 $0x11B8D, s6;
	_ =	swait.eq @!p0 [sflag:s5], $0x1  }
0x2a: {  	s4 =	sor.u32 @!p0 s4, s6;
	[sflag:s5] =	ssyncadd.s32 @!p0 $0xFFFFFFFF  }
0x2b: {  	s26 =	simm.s32 $0x1B8E;
	s25 =	sld [smem:$0x3FFE];
	[sflag:s4] =	ssyncadd.remote.s32 @!p0 $0x1  }
0x2c: {  	s27 =	simm.s32 $execute0_lowered;
	[smem:$0x3FD2] =	sst s26  }
0x2d: {  	s5 =	sshll.u32 s27, $0x1;
	_ =	strace $0x80000049;
	[dreg:$0x1] =	wrdreg $0xFFFFFFFF  }
0x2e: {  	s28 =	simm.s32 $_size_execute0_lowered;
	s3 =	sadd.s32 s3, s5;
	[dreg:$0x0] =	wrdreg $0x0  }
0x2f: {  	s5 =	sshll.u32 s28, $0x1;
	[dreg:$0x2] =	wrdreg s3  }
0x30: {  	[dreg:$0x3] =	wrdreg s5  }
0x31: {  	[dreg:$0x4] =	wrdreg $0xC0  }
0x32: {  	_ =	task [dreg:s23], $0x5FFFF  }
0x33: {  	[dreg:$0x1] =	wrdreg $0xFFFFFFFF  }
0x34: {  	[dreg:$0x0] =	wrdreg $0x60  }
0x35: {  	[dreg:$0x2] =	wrdreg s25  }
0x36: {  	[dreg:$0x3] =	wrdreg $0x9  }
0x37: {  	_ =	task.clear_ibuf [dreg:s23], $0x4FFFF;
	_ =	strace $0x90000049  }
0x38: {  	s29 =	simm.s32 $0x9;
	_ =	strace $0x8000004B  }
0x39: {  	_ =	swait.ge [sflag:s29], $0x1  }
0x3a: {  	[sflag:s29] =	ssyncadd.s32 $0xFFFFFFFF  }
0x3b: {  	_ =	strace $0x9000004B  }
0x3c: {  	_ =	sfence  }
0x3d: {  	s30 =	sld [smem:$0x0];
	_ =	sdelay $0x2  }
0x3e: {  	s31 =	sshll.u32 s1, $0xD;
	s1 =	sshrl.u32 s1, $0x2  }
0x3f: {  	s4 =	sand.u32 $0x4000, s31;
	s1 =	sadd.s32 s1, s30  }
0x40: {  	s0 =	sor.u32 s4, s0;
	s1 =	sshll.u32 s1, $0x11  }
0x41: {  	s0 =	sor.u32 s1, s0  }
0x42: {  	s0 =	sadd.s32 $0x8F2B, s0  }
0x43: {  	[sflag:s0] =	ssyncadd.remote.s32 $0x1  }
0x44: {  	_ =	sfence.sel $0xFFFF  }
0x45: {  	[dreg:$0x0] =	wrdreg $0xFFFFFFFF;
	(pc) =	sbr.abs _section_cstart, $3  }
0x46: {  	[dreg:$0x1] =	wrdreg $0xFFFFFFFF  }
0x47: {  	_ =	task.clear_ibuf [dreg:s23], $0x2FFFF;
	_ =	strace $0x9FFFFFFF  }
0x48: {  	(tm) =	ssettm $0x7FFFFFFF  }
0x49: {  	_ =	shalt  }
tec
execute0_lowered:
.L_overlay_start_1:
0x0: {  	(tag) =	ssettag $0x1  }
0x1: {  	s1 =	srdreg.scid  }
0x2: {  	s0 =	stileid.u32;
	s7 =	rddreg [dreg:$0x0];
	s1 =	sshll.u32 s1, $0x4  }
0x3: {  	_ =	strace $0x8000004A;
	s8 =	simm.s32 $0x2;
	s1 =	sor.u32 s0, s1  }
0x4: {  	s21 =	simm.s32 $0x0;
	s9 =	simm.s32 $0x800;
	s1 =	sand.u32 $0x1E, s1  }
0x5: {  	s19 =	simm.s32 $0x0;
	s2 =	sand.u32 $0x1, s0;
	s3 =	ssub.s32 $0x20, s1  }
0x6: {  	s20 =	simm.s32 $0x0;
	s4 =	ssub.s32 $0x2, s2;
	s5 =	sand.u32 $0x1E, s3  }
0x7: {  	s6 =	sshrl.u32 s4, $0x1;
	p0 =	sne.s32 s5, $0x0;
	s5 =	simm.s32 $0x1  }
0x8: {  	s4 =	sand.u32 $0x1, s4;
	s3 =	sshrl.u32 s3, $0x5;
	s5 =	simm.s32 @!p0 $0x0  }
0x9: {  	s22 =	simm.s32 $0x0;
	s4 =	sadd.s32 s4, s6;
	s3 =	sadd.s32 s5, s3  }
0xa: {  	s10 =	simm.s32 $0x0;
	s11 =	simm.s32 $0x0;
	s5 =	smul.u32 s3, s4  }
.Ltmp0:
0xb: {  	s12 =	simm.s32 $0x0;
	s14 =	simm.s32 $0x0;
	(pc) =	sbr.rel .LBB1_1-.Ltmp0, $4  }
0xc: {  	s13 =	simm.s32 $0x0;
	s15 =	simm.s32 $0x0;
	s18 =	simm.s32 $0x0  }
0xd: {  	s17 =	smov.u32 s2;
	s4 =	simm.s32 $0x1;
	s5 =	smul.u32 $0x14, s5  }
0xe: {  	s6 =	sadd.s32 $0x3B3A00, s7;
	s7 =	sadd.s32 $0x4F3A00, s7;
	[sflag:s4] =	ssyncpa.u1 $0x0  }
0xf: {  	s16 =	smov.u32 s1;
	[sflag:s8] =	ssyncpa.u1 $0x0;
	s8 =	sor.u32 $0x1, s5  }
.LBB1_7:
0x10: {  	p0 =	slt.u32 s18, $0x2;
	s23 =	smov.u32 s22  }
0x11: {  	s24 =	smov.u32 s15;
	s25 =	smov.u32 s16;
	p1 =	sgt.s32 @!p0 s22, $0x1  }
0x12: {  	s3 =	sshra.s32 @!p0 s22, $0x1F;
	p2 =	sgt.s32 @!p0 s21, $0x1288;
	p1 =	por !p1, p0  }
0x13: {  	s3 =	sand.u32 @!p0 s3, s22;
	p2 =	por !p2, p0;
	s22 =	smov.u32 s21  }
0x14: {  	s23 =	simm.s32 @p1 $0x1;
	s3 =	sxor.u32 @!p0 $0xFFFFFFFF, s3;
	s22 =	simm.s32 @p2 $0x1288  }
0x15: {  	p2 =	sgt.s32 @!p0 s20, $0x1E;
	s3 =	sadd.s32 @!p0 s3, s23;
	s23 =	sshra.s32 @!p0 s21, $0x1F  }
0x16: {  	p2 =	por !p2, p0;
	p1 =	sgt.s32 @!p0 s3, $0x0;
	s3 =	ssub.s32 @!p0 $0x1, s3  }
0x17: {  	s21 =	sand.u32 @!p0 s23, s21;
	s23 =	sshra.s32 @!p0 s20, $0x1F;
	p1 =	por !p1, p0  }
0x18: {  	s21 =	ssub.s32 @!p0 s22, s21;
	s22 =	smov.u32 s20;
	s20 =	sand.u32 @!p0 s23, s20  }
0x19: {  	s23 =	sshra.s32 @!p0 s19, $0x1F;
	s22 =	simm.s32 @p2 $0x1E;
	p2 =	sgt.s32 @!p0 s19, $0x40  }
0x1a: {  	s20 =	ssub.s32 @!p0 s22, s20;
	p2 =	por !p2, p0;
	s22 =	smov.u32 s19  }
0x1b: {  	s19 =	sand.u32 @!p0 s23, s19;
	s23 =	sadd.s32 @!p0 $0xFFFFFFE2, s20;
	s22 =	simm.s32 @p2 $0x40  }
0x1c: {  	s3 =	simm.s32 @!p1 $0x0;
	p1 =	sgt.s32 @!p0 s23, $0x1;
	s19 =	ssub.s32 @!p0 s22, s19  }
0x1d: {  	s20 =	ssub.s32 @!p0 $0x20, s20;
	p1 =	por !p1, p0;
	s22 =	sadd.s32 @!p0 $0xFFFFFFC0, s19  }
0x1e: {  	s23 =	sadd.s32 @!p0 $0xFFFFED78, s21;
	s20 =	simm.s32 @!p1 $0x0;
	p1 =	sgt.s32 @!p0 s22, $0x3F  }
0x1f: {  	s19 =	ssub.s32 @!p0 $0x80, s19;
	p1 =	por !p1, p0;
	s3 =	smul.u32 @!p0 s3, s20  }
0x20: {  	p2 =	sgt.s32 @!p0 s23, $0xFF;
	s23 =	sadd.s32 $0x100, s13;
	s19 =	simm.s32 @!p1 $0x0  }
0x21: {  	s20 =	ssub.s32 @!p0 $0x1388, s21;
	p1 =	por !p2, p0;
	s3 =	smul.u32 @!p0 s19, s3  }
0x22: {  	s20 =	simm.s32 @!p1 $0x0;
	p1 =	sgt.s32 s23, $0x1387;
	s19 =	sadd.s32 $0x40, s15  }
0x23: {  	s26 =	smov.u32 s17;
	s27 =	simm.s32 @!p0 $0x2;
	s24 =	smov.u32 @p1 s19  }
0x24: {  	s22 =	smov.u32 s14;
	s19 =	sadd.s32 $0x20, s16;
	p2 =	sgt.s32 s24, $0x3F  }
0x25: {  	s14 =	smov.u32 s17;
	s21 =	smov.u32 s10;
	s25 =	smov.u32 @p2 s19  }
0x26: {  	s23 =	simm.s32 @p1 $0x0;
	s19 =	sadd.s32 $0x2, s17;
	p1 =	sgt.s32 s25, $0x1F  }
0x27: {  	s10 =	smov.u32 s13;
	s3 =	smul.u32 @!p0 s20, s3;
	s26 =	smov.u32 @p1 s19  }
0x28: {  	s20 =	smov.u32 s12;
	s25 =	smov.u32 @p1 s1;
	p1 =	sgt.s32 s26, $0x1  }
0x29: {  	s12 =	smov.u32 s16;
	s26 =	smov.u32 @p1 s2;
	p1 =	sne.s32 s18, s8  }
.Ltmp1:
0x2a: {  	s13 =	smov.u32 s23;
	s3 =	sshrl.u32 @!p0 s3, $0x1;
	(pc) =	sbr.rel @!p1 .LBB1_8-.Ltmp1, $4  }
0x2b: {  	s24 =	simm.s32 @p2 $0x0;
	s3 =	sand.u32 @!p0 $0x3FFFFFFF, s3;
	s19 =	smov.u32 s11  }
0x2c: {  	s11 =	smov.u32 s15;
	s15 =	smov.u32 s24;
	_ =	swait.ge @!p0 [sflag:s27], s3  }
0x2d: {  	s3 =	ssub.s32 @!p0 $0x0, s3;
	s16 =	smov.u32 s25;
	[sflag:s27] =	ssyncset.done @!p0 $0x0  }
0x2e: {  	s18 =	sadd.s32 $0x1, s18;
	[sflag:s27] =	ssyncadd.s32 @!p0 s3;
	s17 =	smov.u32 s26  }
.LBB1_1:
0x2f: {  	p0 =	sge.u32 s18, s5  }
0x30: {  	s23 =	sshrl.u32 @!p0 s15, $0x3  }
0x31: {  	s24 =	sand.u32 @!p0 $0x1, s15;
	s25 =	sshll.u32 @!p0 s15, $0x7;
	s26 =	sshll.u32 @!p0 s13, $0x3  }
0x32: {  	s27 =	sshll.u32 @!p0 s13, $0x1;
	s23 =	smul.u32 @!p0 $0xA000, s23;
	s25 =	sand.u32 @!p0 $0x300, s25  }
0x33: {  	s26 =	sand.u32 @!p0 $0xFFFFFC00, s26;
	s27 =	sand.u32 @!p0 $0xFE, s27;
	s24 =	sor.u32 @!p0 s24, s25  }
0x34: {  	s23 =	sadd.s32 @!p0 s23, s26;
	s24 =	sor.u32 @!p0 s27, s24  }
0x35: {  	s24 =	sor.u32 @!p0 s23, s24;
	s23 =	smulhi.u32 @!p0 $0xCCCCCCCD, s23  }
0x36: {  	s25 =	smulhi.u32 @!p0 $0xCCCCCCCD, s24  }
0x37: {  	s26 =	smul.u32 @!p0 $0xA0000, s17  }
0x38: {  	s27 =	smul.u32 @!p0 $0x5000, s16;
	s23 =	sshrl.u32 @!p0 s23, $0xC;
	s25 =	sshrl.u32 @!p0 s25, $0xC  }
0x39: {  	s23 =	sand.u32 @!p0 $0x3F, s23;
	s25 =	smul.u32 @!p0 $0x1400, s25  }
0x3a: {  	s31 =	sadd.s32 $0xFFFFFFFF, s18;
	s26 =	sadd.s32 @!p0 s6, s26;
	s23 =	smul.u32 @!p0 $0x140, s23  }
0x3b: {  	s28 =	sxor.u32 @!p0 $0xFFFFFFFF, s18;
	s24 =	ssub.s32 @!p0 s24, s25;
	s25 =	sadd.s32 @!p0 s27, s26  }
0x3c: {  	s26 =	sshrl.u32 @!p0 s24, $0x4;
	s23 =	sadd.s32 @!p0 s23, s25;
	s24 =	sshll.u32 @!p0 s24, $0x11  }
0x3d: {  	s25 =	sshll.u32 @!p0 s28, $0xE;
	s23 =	sadd.s32 @!p0 s26, s23;
	s24 =	sand.u32 @!p0 $0x1C0000, s24  }
0x3e: {  	s25 =	sand.u32 @!p0 $0x4000, s25;
	s26 =	simm.s32 @!p0 $0x5000;
	s24 =	sor.u32 @!p0 $0x400, s24  }
0x3f: {  	[tilespmem:s25], [sflag:$0x1] =	stream.strided.gather @!p0 [hbm4b:s23+s24], $0x4000, s26, s24, $0x38;
	[tilespmem:$0x10200] =	vst v63  }
0x40: {  	p0 =	sge.u32 s31, s5  }
.Ltmp2:
0x41: {  	_ = 	snop;
	(pc) =	sbr.rel @p0 .LBB1_7-.Ltmp2, $1  }
0x42: {  	_ =	sdelay $0x3  }
0x43: {  	s23 =	sand.u32 $0x1, s18  }
0x44: {  	_ =	swait.ge [sflag:s4], $0x4000;
	s24 =	smul.u32 $0x10400, s23  }
0x45: {  	[sflag:s4] =	ssyncset.done $0x0  }
0x46: {  	[sflag:s4] =	ssyncadd.s32 $0xFFFFC000;
	s25 =	sshrl.u32 s24, $0x2  }
0x47: {  	s24 =	sshll.u32 s23, $0xE;
	s23 =	sor.u32 $0x8000, s25;
	s25 =	simm.s32 $0x0  }
.LBB1_3:
0x48: {  	s26 =	sshll.u32 s25, $0x7  }
0x49: {  	s27 =	sshll.u32 s25, $0x6;
	s26 =	sand.u32 $0x1C00, s26  }
0x4a: {  	s27 =	sand.u32 $0x180, s27;
	s28 =	sadd.s32 s26, s24  }
0x4b: {  	s28 =	sadd.s32 s27, s28  }
0x4c: {  	s26 =	sshll.u32 s25, $0x1;
	v0 =	vmov s28  }
0x4d: {  	s27 =	sor.u32 $0x2, s26  }
0x4e: {  	p0 =	por $0x1, $0x1;
	s27 =	sshrl.u32 s27, $0x1;
	s28 =	simm.s32 $0x0  }
.LBB1_4:
0x4f: {  	s29 =	sshll.u32 s28, $0x2  }
0x50: {  	s30 =	sand.u32 $0x3FFFFFFC, s29  }
0x51: {  	v1 =	vld.idx.msk [tilespmem:v0+s30+$0x0 ss:$0x1], $0xffff  }
0x52: {  	v2 =	vld.idx.msk [tilespmem:v0+s30+$0x2000 ss:$0x1], $0xffff  }
0x53: {  	v3 =	vld.idx.msk [tilespmem:v0+s30+$0x10 ss:$0x1], $0xffff  }
0x54: {  	s28 =	smul.u32 $0x104, s28;
	v4 =	vld.idx.msk [tilespmem:v0+s30+$0x2010 ss:$0x1], $0xffff  }
0x55: {  	v5 =	vld.idx.msk [tilespmem:v0+s30+$0x20 ss:$0x1], $0xffff  }
0x56: {  	s28 =	sshra.s32 s28, $0x2;
	v6 =	vld.idx.msk [tilespmem:v0+s30+$0x2020 ss:$0x1], $0xffff  }
0x57: {  	v9 =	vld.idx.msk [tilespmem:v0+s30+$0x30 ss:$0x1], $0xffff;
	s29 =	sadd.s32 s28, s23;
	s28 =	sshrl.u32 s26, $0x1;
	v7 =	vunpack.i.l.s16.s32 v1;
	v8 =	vunpack.i.l.s16.s32 v2  }
0x58: {  	v51 =	vld.idx.msk [tilespmem:v0+s30+$0x2030 ss:$0x1], $0xffff;
	s31 =	sadd.s32 s28, s29;
	v1 =	vunpack.i.u.s16.s32 v1;
	v2 =	vunpack.i.u.s16.s32 v2;
	v7 =	vpack.i.b32.b16 v8, v7  }
0x59: {  	v10 =	vld.idx.msk [tilespmem:v0+s30+$0x40 ss:$0x1], $0xffff;
	s3 =	sadd.s32 $0x410, s29;
	v52 =	vunpack.i.l.s16.s32 v4;
	v1 =	vpack.i.b32.b16 v2, v1;
	v2 =	vunpack.i.l.s16.s32 v3;
	[tilespmem:s31+$0x0 ss:$0x41] =	vst.msk $0xffff, v7;
	s31 =	sadd.s32 s27, s29  }
0x5a: {  	v53 =	vld.idx.msk [tilespmem:v0+s30+$0x2040 ss:$0x1], $0xffff;
	v2 =	vpack.i.b32.b16 v52, v2;
	[tilespmem:s31+$0x0 ss:$0x41] =	vst.msk $0xffff, v1;
	v1 =	vunpack.i.u.s16.s32 v3;
	v3 =	vunpack.i.u.s16.s32 v4;
	s31 =	sadd.s32 s28, s3  }
0x5b: {  	v54 =	vld.idx.msk [tilespmem:v0+s30+$0x50 ss:$0x1], $0xffff;
	s3 =	sadd.s32 s27, s3;
	[tilespmem:s31+$0x0 ss:$0x41] =	vst.msk $0xffff, v2;
	v1 =	vpack.i.b32.b16 v3, v1;
	v2 =	vunpack.i.l.s16.s32 v5;
	v3 =	vunpack.i.l.s16.s32 v6;
	s31 =	sadd.s32 $0x820, s29  }
0x5c: {  	v55 =	vunpack.i.u.s16.s32 v6;
	[tilespmem:s3+$0x0 ss:$0x41] =	vst.msk $0xffff, v1;
	v1 =	vunpack.i.u.s16.s32 v5;
	v2 =	vpack.i.b32.b16 v3, v2;
	s3 =	sadd.s32 s28, s31;
	v3 =	vld.idx.msk [tilespmem:v0+s30+$0x2050 ss:$0x1], $0xffff  }
0x5d: {  	v57 =	vld.idx.msk [tilespmem:v0+s30+$0x60 ss:$0x1], $0xffff;
	v56 =	vunpack.i.l.s16.s32 v51;
	[tilespmem:s3+$0x0 ss:$0x41] =	vst.msk $0xffff, v2;
	v1 =	vpack.i.b32.b16 v55, v1;
	s3 =	sadd.s32 s27, s31;
	v2 =	vunpack.i.l.s16.s32 v9;
	s31 =	sadd.s32 $0xC30, s29  }
0x5e: {  	v58 =	vld.idx.msk [tilespmem:v0+s30+$0x2060 ss:$0x1], $0xffff;
	v8 =	vunpack.i.u.s16.s32 v51;
	[tilespmem:s3+$0x0 ss:$0x41] =	vst.msk $0xffff, v1;
	v1 =	vunpack.i.u.s16.s32 v9;
	v2 =	vpack.i.b32.b16 v56, v2;
	s3 =	sadd.s32 s28, s31  }
0x5f: {  	v60 =	vld.idx.msk [tilespmem:v0+s30+$0x70 ss:$0x1], $0xffff;
	v59 =	vunpack.i.l.s16.s32 v53;
	[tilespmem:s3+$0x0 ss:$0x41] =	vst.msk $0xffff, v2;
	v1 =	vpack.i.b32.b16 v8, v1;
	s3 =	sadd.s32 s27, s31;
	v2 =	vunpack.i.l.s16.s32 v10;
	s31 =	sadd.s32 $0x1040, s29  }
0x60: {  	v61 =	vld.idx.msk [tilespmem:v0+s30+$0x2070 ss:$0x1], $0xffff;
	v4 =	vunpack.i.u.s16.s32 v53;
	[tilespmem:s3+$0x0 ss:$0x41] =	vst.msk $0xffff, v1;
	v1 =	vunpack.i.u.s16.s32 v10;
	v2 =	vpack.i.b32.b16 v59, v2;
	s3 =	sadd.s32 s28, s31  }
0x61: {  	s30 =	sadd.s32 $0x1450, s29;
	s31 =	sadd.s32 s27, s31;
	[tilespmem:s3+$0x0 ss:$0x41] =	vst.msk $0xffff, v2;
	v1 =	vpack.i.b32.b16 v4, v1;
	v2 =	vunpack.i.l.s16.s32 v54;
	v62 =	vunpack.i.l.s16.s32 v3  }
0x62: {  	v3 =	vunpack.i.u.s16.s32 v3;
	[tilespmem:s31+$0x0 ss:$0x41] =	vst.msk $0xffff, v1;
	v1 =	vpack.i.b32.b16 v62, v2;
	v2 =	vunpack.i.u.s16.s32 v54;
	s31 =	sadd.s32 s28, s30  }
0x63: {  	p1 =	por p0, p0;
	[tilespmem:s31+$0x0 ss:$0x41] =	vst.msk $0xffff, v1;
	v1 =	vpack.i.b32.b16 v3, v2;
	s31 =	sadd.s32 s27, s30;
	v2 =	vunpack.i.l.s16.s32 v57;
	v3 =	vunpack.i.l.s16.s32 v58;
	s30 =	sadd.s32 $0x1860, s29  }
.Ltmp3:
0x64: {  	[tilespmem:s31+$0x0 ss:$0x41] =	vst.msk $0xffff, v1;
	v1 =	vpack.i.b32.b16 v3, v2;
	v2 =	vunpack.i.u.s16.s32 v57;
	v3 =	vunpack.i.u.s16.s32 v58;
	s31 =	sadd.s32 s28, s30;
	(pc) =	sbr.rel @p1 .LBB1_4-.Ltmp3, $4  }
0x65: {  	s29 =	sadd.s32 $0x1C70, s29;
	[tilespmem:s31+$0x0 ss:$0x41] =	vst.msk $0xffff, v1;
	v1 =	vpack.i.b32.b16 v3, v2;
	s31 =	sadd.s32 s27, s30;
	v2 =	vunpack.i.l.s16.s32 v60;
	v3 =	vunpack.i.l.s16.s32 v61  }
0x66: {  	v63 =	vunpack.i.u.s16.s32 v61;
	s30 =	sadd.s32 s28, s29;
	[tilespmem:s31+$0x0 ss:$0x41] =	vst.msk $0xffff, v1;
	v1 =	vunpack.i.u.s16.s32 v60;
	v2 =	vpack.i.b32.b16 v3, v2  }
0x67: {  	s31 =	sadd.s32 s27, s29;
	[tilespmem:s30+$0x0 ss:$0x41] =	vst.msk $0xffff, v2;
	v1 =	vpack.i.b32.b16 v63, v1  }
0x68: {  	p0 =	por $0x0, $0x0;
	s28 =	simm.s32 $0x80;
	[tilespmem:s31+$0x0 ss:$0x41] =	vst.msk $0xffff, v1  }
0x69: {  	p0 =	slt.u32 s25, $0x3E  }
.Ltmp4:
0x6a: {  	_ = 	snop;
	(pc) =	sbr.rel @p0 .LBB1_3-.Ltmp4, $3  }
0x6b: {  	_ =	sdelay $0x1  }
0x6c: {  	s3 =	sadd.s32 $0x2, s25  }
0x6d: {  	s25 =	smov.u32 s3  }
0x6e: {  	s3 =	sshll.u32 s12, $0x7;
	s24 =	sshll.u32 s11, $0x3;
	p0 =	sgt.s32 s14, $0x1  }
0x6f: {  	s26 =	sshra.s32 s14, $0x1F;
	s27 =	sshra.s32 s10, $0x1F;
	s28 =	sshra.s32 s12, $0x1F  }
0x70: {  	s25 =	sand.u32 $0xC00, s3;
	s24 =	sand.u32 $0xC00, s24;
	s3 =	sand.u32 $0x300, s3  }
0x71: {  	s26 =	sand.u32 s26, s14;
	s24 =	sadd.s32 s25, s24;
	s25 =	smov.u32 s14  }
0x72: {  	s27 =	sand.u32 s27, s10;
	s3 =	sor.u32 s3, s24;
	s25 =	simm.s32 @!p0 $0x1  }
0x73: {  	s24 =	sxor.u32 $0xFFFFFFFF, s26;
	p0 =	sgt.s32 s10, $0x1288;
	s26 =	smov.u32 s10  }
0x74: {  	s24 =	sadd.s32 s24, s25;
	s26 =	simm.s32 @!p0 $0x1288;
	p0 =	sgt.s32 s12, $0x1E  }
0x75: {  	s25 =	ssub.s32 s26, s27;
	s26 =	smov.u32 s12;
	s27 =	sand.u32 s28, s12  }
0x76: {  	s28 =	smov.u32 s11;
	s26 =	simm.s32 @!p0 $0x1E;
	p0 =	sgt.s32 s11, $0x40  }
0x77: {  	s29 =	sshra.s32 s11, $0x1F;
	s26 =	ssub.s32 s26, s27;
	s28 =	simm.s32 @!p0 $0x40  }
0x78: {  	p0 =	sgt.s32 s24, $0x0;
	s24 =	ssub.s32 $0x1, s24;
	s27 =	sand.u32 s29, s11  }
0x79: {  	s29 =	sshll.u32 s11, $0x1;
	s24 =	simm.s32 @p0 $0x0;
	s30 =	sadd.s32 $0xFFFFFFE2, s26  }
0x7a: {  	s27 =	ssub.s32 s28, s27;
	s26 =	ssub.s32 $0x20, s26;
	p0 =	sgt.s32 s30, $0x1  }
0x7b: {  	s28 =	sand.u32 $0x80, s29;
	s31 =	sadd.s32 $0xFFFFFFC0, s27;
	s26 =	simm.s32 @p0 $0x0  }
0x7c: {  	s27 =	ssub.s32 $0x80, s27;
	p0 =	sgt.s32 s31, $0x3F;
	s24 =	smul.u32 s24, s26  }
0x7d: {  	s29 =	sshrl.u32 s11, $0x3;
	s30 =	sadd.s32 $0xFFFFED78, s25;
	s27 =	simm.s32 @p0 $0x0  }
0x7e: {  	s25 =	ssub.s32 $0x1388, s25;
	p0 =	sgt.s32 s30, $0xFF;
	s24 =	smul.u32 s27, s24  }
0x7f: {  	s3 =	sor.u32 s28, s3;
	s31 =	smul.u32 $0x138800, s14;
	s25 =	simm.s32 @p0 $0x0  }
0x80: {  	s28 =	sshll.u32 s10, $0x8;
	s3 =	sshrl.u32 s3, $0x4;
	s24 =	smul.u32 s25, s24  }
.Ltmp5:
0x81: {  	s3 =	sand.u32 $0xF8, s3;
	s26 =	sadd.s32 s7, s31;
	(pc) =	sbr.rel .LBB1_7-.Ltmp5, $4  }
0x82: {  	s30 =	sand.u32 $0x7, s11;
	s27 =	sand.u32 $0x7, s29;
	s25 =	sadd.s32 s28, s26  }
0x83: {  	s26 =	sshll.u32 s30, $0x12;
	s25 =	sadd.s32 s27, s25;
	s24 =	sshrl.u32 s24, $0x1  }
0x84: {  	s31 =	sor.u32 $0x40, s26;
	s3 =	sadd.s32 s3, s25;
	s24 =	sand.u32 $0x3FFFFFFF, s24  }
0x85: {  	[hbm4b:s3+s31] =	stream.strided.scatter [tilespmem:s23], [sflag:$0x2], s24, s9, s31, $0x18;
	[tilespmem:$0x10200] =	vst v63  }
.LBB1_8:
0x86: {  	_ =	sfence.sel $0x180000  }
0x87: {  	s1 =	simm.s32 $0x1;
	[bflag:$0x0] =	sbarrier.arrive $0xFFFF  }
0x88: {  	s31 =	simm.s32 $0x2;
	[sflag:s1] =	ssyncpa.u1 $0x1  }
0x89: {  	[sflag:s31] =	ssyncpa.u1 $0x1  }
0x8a: {  	_ =	strace $0x9000004A  }
0x8b: {  	[bflag:$0x2] =	sbarrier.arrive $0xFFFF  }
0x8c: {  	p0 =	sne.s32 s0, $0x0;
	s0 =	rddreg [dreg:$0x1]  }
0x8d: {  	s0 =	sadd.s32 @!p0 $0x100000, s0  }
0x8e: {  	[sflag:s0] =	ssyncadd.tile.s32 @!p0 $0x1;
	_ =	shalt  }
.Lfunc_end1:
_tile_overlayer_lowered:
.L_overlay_start_2:
0x8f: {  	(tag) =	ssettag $0x2  }
0x90: {  	s0 =	rddreg [dreg:$0x0];
	s2 =	stileid.u32  }
0x91: {  	s1 =	rddreg [dreg:$0x1];
	p0 =	sne.s32 s2, $0x0  }
0x92: {  	s3 =	rddreg [dreg:$0x2];
	[bflag:$0x3] =	sbarrier.arrive $0xFFFF;
	s2 =	simm.s32 @!p0 $0x1C01  }
0x93: {  	[timem:s3], [sflag:s2] =	dma.local @!p0 [hbm:s0], s1  }
0x94: {  	s0 =	simm.s32 @!p0 $0x1  }
0x95: {  	_ =	swait.ge @!p0 [sflag:s0], s1  }
0x96: {  	s1 =	ssub.s32 @!p0 $0x0, s1;
	[sflag:s0] =	ssyncset.done @!p0 $0x0  }
0x97: {  	[sflag:s0] =	ssyncadd.s32 @!p0 s1  }
0x98: {  	[bflag:$0x3] =	sbarrier.arrive $0xFFFF  }
0x99: {  	_ =	shalt  }

</sc_bundles>
